<compile_context>
chip_gen: v7x
topology: tpu7x:2x2x1
jax: 0.10.2.dev20260603
libtpu: 0.0.44.dev20260713+nightly
codegen_flags: <defaults>
</compile_context>

<pallas_src>
import jax
import jax.numpy as jnp
from jax import lax
from jax.experimental import pallas as pl
from jax.experimental.pallas import tpu as pltpu
from jax.experimental.pallas import tpu_sc as plsc

DM = 64
NC, NS = 2, 16
NW = NC * NS
CHUNK = 128
NBUF = 10
TCW = 8192


def _tc_tr_body(tT_ref, out_ref):
    out_ref[:, 0:DM] = tT_ref[...].T


def _lookup_body(x_hbm, table_hbm, out_hbm, idx_v, rows_v, gsems, ssems):
    per_w = x_hbm.shape[0] // NW
    nch = per_w // CHUNK
    nrounds = nch // NBUF
    wid = lax.axis_index("s") * NC + lax.axis_index("c")
    base = pl.multiple_of(wid * per_w, per_w)
    pltpu.sync_copy(x_hbm.at[pl.ds(base, per_w)], idx_v)

    def dbl(j, carry):
        off = pl.multiple_of(j * 16, 16)
        idx_v[pl.ds(off, 16)] = idx_v[pl.ds(off, 16)] * 2
        return carry

    lax.fori_loop(0, per_w // 16, dbl, 0)

    def gather(ci, b):
        off = ci * CHUNK
        return pltpu.async_copy(
            table_hbm.at[idx_v.at[pl.ds(off, CHUNK)]], rows_v.at[b],
            gsems.at[b])

    def store(ci, b):
        off = ci * CHUNK
        return pltpu.async_copy(
            rows_v.at[b], out_hbm.at[pl.ds(base + off, CHUNK)], ssems.at[b])

    def wait_store(b):
        pltpu.make_async_copy(
            rows_v.at[b], out_hbm.at[pl.ds(base, CHUNK)], ssems.at[b]).wait()

    g0 = [gather(b, b) for b in range(NBUF)]
    for b in range(NBUF):
        g0[b].wait()
        store(b, b)

    def round_body(r, carry):
        c0 = r * NBUF
        descs = []
        for b in range(NBUF):
            wait_store(b)
            descs.append(gather(c0 + b, b))
        for b in range(NBUF):
            descs[b].wait()
            store(c0 + b, b)
        return carry

    lax.fori_loop(1, nrounds, round_body, 0)

    for b in range(NBUF):
        wait_store(b)


def kernel(x, table):
    B, S = x.shape
    tot = B * S
    V = table.shape[0]
    xf = x.reshape(tot).astype(jnp.int32)

    grid = (V + TCW - 1) // TCW
    tpad = pl.pallas_call(
        _tc_tr_body,
        grid=(grid,),
        in_specs=[pl.BlockSpec((DM, TCW), lambda i: (0, i))],
        out_specs=pl.BlockSpec((TCW, 2 * DM), lambda i: (i, 0)),
        out_shape=jax.ShapeDtypeStruct((V, 2 * DM), table.dtype),
    )(table.T)

    tview = tpad.reshape(2 * V, DM)
    per_w = tot // NW
    mesh = plsc.VectorSubcoreMesh(core_axis_name="c", subcore_axis_name="s")
    out = pl.kernel(
        _lookup_body,
        out_type=jax.ShapeDtypeStruct((tot, DM), table.dtype),
        mesh=mesh,
        scratch_types=[
            pltpu.VMEM((per_w,), jnp.int32),
            pltpu.VMEM((NBUF, CHUNK, DM), jnp.float32),
            pltpu.SemaphoreType.DMA((NBUF,)),
            pltpu.SemaphoreType.DMA((NBUF,)),
        ],
        compiler_params=pltpu.CompilerParams(use_tc_tiling_on_sc=False),
    )(xf, tview)
    return out.reshape(B, S, DM)

# --- scband reference (transcript-rebuilt; emitter-appended) ---
"""Pipeline reference for scband-embeddings-70119636074656 (READ-ONLY COPY).

The authoritative reference and input builder live on the scoring server;
editing this copy changes nothing except your own understanding.
"""

import jax, jax.numpy as jnp
import numpy as np

VOCAB_SIZE = 1000000
DM = 64
PAD_ID = 0


def setup_inputs(seed: int = 0) -> dict:
    key = jax.random.key(seed)
    k_idx, k_tab = jax.random.split(key)
    x = jax.random.randint(k_idx, (4096, 50), 0, VOCAB_SIZE, dtype=jnp.int64 if jax.config.jax_enable_x64 else jnp.int32)
    table = jax.random.normal(k_tab, (VOCAB_SIZE, DM), dtype=jnp.float32)
    # nn.Embedding with padding_idx initializes the pad row to zero
    table = table.at[PAD_ID].set(0.0)
    return {"x": x, "table": table}


def reference(x, table):
    # Embedding lookup: out[b, s, :] = table[x[b, s], :]
    out = jnp.take(table, x, axis=0)
    return out

if __name__ == "__main__":
    import jax
    _d = setup_inputs()
    print(jax.jit(kernel)(*tuple(_d.values())))

</pallas_src>

<mosaic_0001>
#map = affine_map<(d0, d1) -> (0)>
#map1 = affine_map<(d0, d1) -> (0, 0)>
module attributes {stable_mosaic.version = 14 : i64} {
  func.func @_lookup_body(%arg0: i32, %arg1: i32, %arg2: memref<204800xi32, #tpu.memory_space<hbm>>, %arg3: memref<2000000x64xf32, #tpu.memory_space<hbm>>, %arg4: memref<204800x64xf32, #tpu.memory_space<hbm>>, %arg5: memref<6400xi32, #tpu.memory_space<vmem>>, %arg6: memref<10x128x64xf32, #tpu.memory_space<vmem>>, %arg7: memref<10x!tpu.dma_semaphore, #tpu.memory_space<semaphore_mem>>, %arg8: memref<10x!tpu.dma_semaphore, #tpu.memory_space<semaphore_mem>>) attributes {dimension_semantics = [#tpu.dimension_semantics<core_parallel>, #tpu.dimension_semantics<subcore_parallel>], iteration_bounds = array<i64: 2, 16>, scalar_prefetch = 0 : i64, scratch_operands = 4 : i64, tpu.core_type = #tpu.core_type<sc_vector_subcore>, window_params = [{transform_indices = #map}, {transform_indices = #map1}, {transform_indices = #map1}]} {
    %mul3A = arith.constant 2 : i32
    %mul3A_0 = arith.muli %arg1, %mul3A : i32
    %add3A = arith.addi %mul3A_0, %arg0 : i32
    %mul3A_1 = arith.constant 6400 : i32
    %mul3A_2 = arith.muli %add3A, %mul3A_1 : i32
    %multiple_of3A = tpu.assume_multiple %mul3A_2, 6400 : i32
    "tpu.region"() ({
      %run_scoped3A = tpu.sem_alloc : memref<!tpu.dma_semaphore, #tpu.memory_space<semaphore_mem>>
      %dma_start3A_612 = tpu.memref_slice %arg2[%multiple_of3A] : memref<204800xi32, #tpu.memory_space<hbm>> -> memref<6400xi32, #tpu.memory_space<hbm>>
      %dma_start3A_613 = tpu.memref_slice %arg2[%multiple_of3A] : memref<204800xi32, #tpu.memory_space<hbm>> -> memref<6400xi32, #tpu.memory_space<hbm>>
      tpu.enqueue_dma source(%dma_start3A_613 : memref<6400xi32, #tpu.memory_space<hbm>>) target(%arg5 : memref<6400xi32, #tpu.memory_space<vmem>>) target_semaphore(%run_scoped3A : memref<!tpu.dma_semaphore, #tpu.memory_space<semaphore_mem>>)
      %dma_wait3A_614 = tpu.memref_slice %arg2[%multiple_of3A] : memref<204800xi32, #tpu.memory_space<hbm>> -> memref<6400xi32, #tpu.memory_space<hbm>>
      %dma_wait3A_615 = tpu.memref_slice %arg2[%multiple_of3A] : memref<204800xi32, #tpu.memory_space<hbm>> -> memref<6400xi32, #tpu.memory_space<hbm>>
      tpu.wait_dma2 semaphore(%run_scoped3A : memref<!tpu.dma_semaphore, #tpu.memory_space<semaphore_mem>>) src(%dma_wait3A_615 : memref<6400xi32, #tpu.memory_space<hbm>>) dst(%arg5 : memref<6400xi32, #tpu.memory_space<vmem>>)
      tpu.yield
    }) : () -> ()
    %scan3A = arith.constant 0 : i32
    %scan3A_3 = arith.constant 0 : i32
    %scan3A_4 = arith.constant 400 : i32
    %scan3A_5 = arith.addi %scan3A_3, %scan3A_4 : i32
    %scan3A_6 = arith.constant 1 : i32
    scf.for %scan3A_612 = %scan3A_3 to %scan3A_5 step %scan3A_6  : i32 {
      %mul3A_613 = arith.constant 16 : i32
      %mul3A_614 = arith.muli %scan3A_612, %mul3A_613 : i32
      %multiple_of3A_615 = tpu.assume_multiple %mul3A_614, 16 : i32
      %get3A = arith.index_cast %multiple_of3A_615 : i32 to index
      %get3A_616 = tpu.vector_load %arg5[%get3A] {strides = array<i32>} : memref<6400xi32, #tpu.memory_space<vmem>>, vector<16xi32>,
      %get3A_617 = vector.shape_cast %get3A_616 : vector<16xi32> to vector<16xi32>
      %mul3A_618 = arith.constant 2 : i32
      %mul3A_619 = vector.broadcast %mul3A_618 : i32 to vector<16xi32>
      %mul3A_620 = arith.muli %get3A_617, %mul3A_619 : vector<16xi32>
      %swap3A = arith.index_cast %multiple_of3A_615 : i32 to index
      %swap3A_621 = tpu.vector_load %arg5[%swap3A] {strides = array<i32>} : memref<6400xi32, #tpu.memory_space<vmem>>, vector<16xi32>,
      %swap3A_622 = vector.shape_cast %swap3A_621 : vector<16xi32> to vector<16xi32>
      %swap3A_623 = vector.shape_cast %mul3A_620 : vector<16xi32> to vector<16xi32>
      tpu.vector_store %arg5[%swap3A], %swap3A_623 {strides = array<i32>} : memref<6400xi32, #tpu.memory_space<vmem>>, vector<16xi32>,
    }
    %scan3A_7 = arith.constant 400 : i32
    %dma_start3A = arith.constant 0 : i32
    %dma_start3A_8 = arith.constant 0 : i32
    %dma_start3A_9 = arith.constant 0 : i32
    %dma_start3A_10 = arith.constant 0 : i32
    %dma_start3A_11 = tpu.memref_slice %arg6[%dma_start3A, %dma_start3A_9, %dma_start3A_10] : memref<10x128x64xf32, #tpu.memory_space<vmem>> -> memref<1x128x64xf32, #tpu.memory_space<vmem>>
    %dma_start3A_12 = tpu.memref_squeeze %dma_start3A_11 : memref<1x128x64xf32, #tpu.memory_space<vmem>> -> memref<128x64xf32, #tpu.memory_space<vmem>>
    %dma_start3A_13 = arith.constant 0 : i32
    %dma_start3A_14 = tpu.memref_slice %arg5[%dma_start3A_13] : memref<6400xi32, #tpu.memory_space<vmem>> -> memref<128xi32, #tpu.memory_space<vmem>>
    %dma_start3A_15 = arith.constant 0 : i32
    %dma_start3A_16 = arith.constant 0 : i32
    %dma_start3A_17 = tpu.memref_slice %arg3[%dma_start3A_15, %dma_start3A_16] : memref<2000000x64xf32, #tpu.memory_space<hbm>> -> memref<2000000x64xf32, #tpu.memory_space<hbm>>
    %dma_start3A_18 = tpu.memref_slice %arg7[%dma_start3A_8] : memref<10x!tpu.dma_semaphore, #tpu.memory_space<semaphore_mem>> -> memref<1x!tpu.dma_semaphore, #tpu.memory_space<semaphore_mem>>
    %dma_start3A_19 = tpu.memref_squeeze %dma_start3A_18 : memref<1x!tpu.dma_semaphore, #tpu.memory_space<semaphore_mem>> -> memref<!tpu.dma_semaphore, #tpu.memory_space<semaphore_mem>>
    tpu.enqueue_indirect_dma source(%dma_start3A_17 : memref<2000000x64xf32, #tpu.memory_space<hbm>>) target(%dma_start3A_12 : memref<128x64xf32, #tpu.memory_space<vmem>>) offsets(%dma_start3A_14 : memref<128xi32, #tpu.memory_space<vmem>>) semaphore(%dma_start3A_19 : memref<!tpu.dma_semaphore, #tpu.memory_space<semaphore_mem>>)
    %dma_start3A_20 = arith.constant 1 : i32
    %dma_start3A_21 = arith.constant 1 : i32
    %dma_start3A_22 = arith.constant 0 : i32
    %dma_start3A_23 = arith.constant 0 : i32
    %dma_start3A_24 = tpu.memref_slice %arg6[%dma_start3A_20, %dma_start3A_22, %dma_start3A_23] : memref<10x128x64xf32, #tpu.memory_space<vmem>> -> memref<1x128x64xf32, #tpu.memory_space<vmem>>
    %dma_start3A_25 = tpu.memref_squeeze %dma_start3A_24 : memref<1x128x64xf32, #tpu.memory_space<vmem>> -> memref<128x64xf32, #tpu.memory_space<vmem>>
    %dma_start3A_26 = arith.constant 128 : i32
    %dma_start3A_27 = tpu.memref_slice %arg5[%dma_start3A_26] : memref<6400xi32, #tpu.memory_space<vmem>> -> memref<128xi32, #tpu.memory_space<vmem>>
    %dma_start3A_28 = arith.constant 0 : i32
    %dma_start3A_29 = arith.constant 0 : i32
    %dma_start3A_30 = tpu.memref_slice %arg3[%dma_start3A_28, %dma_start3A_29] : memref<2000000x64xf32, #tpu.memory_space<hbm>> -> memref<2000000x64xf32, #tpu.memory_space<hbm>>
    %dma_start3A_31 = tpu.memref_slice %arg7[%dma_start3A_21] : memref<10x!tpu.dma_semaphore, #tpu.memory_space<semaphore_mem>> -> memref<1x!tpu.dma_semaphore, #tpu.memory_space<semaphore_mem>>
    %dma_start3A_32 = tpu.memref_squeeze %dma_start3A_31 : memref<1x!tpu.dma_semaphore, #tpu.memory_space<semaphore_mem>> -> memref<!tpu.dma_semaphore, #tpu.memory_space<semaphore_mem>>
    tpu.enqueue_indirect_dma source(%dma_start3A_30 : memref<2000000x64xf32, #tpu.memory_space<hbm>>) target(%dma_start3A_25 : memref<128x64xf32, #tpu.memory_space<vmem>>) offsets(%dma_start3A_27 : memref<128xi32, #tpu.memory_space<vmem>>) semaphore(%dma_start3A_32 : memref<!tpu.dma_semaphore, #tpu.memory_space<semaphore_mem>>)
    %dma_start3A_33 = arith.constant 2 : i32
    %dma_start3A_34 = arith.constant 2 : i32
    %dma_start3A_35 = arith.constant 0 : i32
    %dma_start3A_36 = arith.constant 0 : i32
    %dma_start3A_37 = tpu.memref_slice %arg6[%dma_start3A_33, %dma_start3A_35, %dma_start3A_36] : memref<10x128x64xf32, #tpu.memory_space<vmem>> -> memref<1x128x64xf32, #tpu.memory_space<vmem>>
    %dma_start3A_38 = tpu.memref_squeeze %dma_start3A_37 : memref<1x128x64xf32, #tpu.memory_space<vmem>> -> memref<128x64xf32, #tpu.memory_space<vmem>>
    %dma_start3A_39 = arith.constant 256 : i32
    %dma_start3A_40 = tpu.memref_slice %arg5[%dma_start3A_39] : memref<6400xi32, #tpu.memory_space<vmem>> -> memref<128xi32, #tpu.memory_space<vmem>>
    %dma_start3A_41 = arith.constant 0 : i32
    %dma_start3A_42 = arith.constant 0 : i32
    %dma_start3A_43 = tpu.memref_slice %arg3[%dma_start3A_41, %dma_start3A_42] : memref<2000000x64xf32, #tpu.memory_space<hbm>> -> memref<2000000x64xf32, #tpu.memory_space<hbm>>
    %dma_start3A_44 = tpu.memref_slice %arg7[%dma_start3A_34] : memref<10x!tpu.dma_semaphore, #tpu.memory_space<semaphore_mem>> -> memref<1x!tpu.dma_semaphore, #tpu.memory_space<semaphore_mem>>
    %dma_start3A_45 = tpu.memref_squeeze %dma_start3A_44 : memref<1x!tpu.dma_semaphore, #tpu.memory_space<semaphore_mem>> -> memref<!tpu.dma_semaphore, #tpu.memory_space<semaphore_mem>>
    tpu.enqueue_indirect_dma source(%dma_start3A_43 : memref<2000000x64xf32, #tpu.memory_space<hbm>>) target(%dma_start3A_38 : memref<128x64xf32, #tpu.memory_space<vmem>>) offsets(%dma_start3A_40 : memref<128xi32, #tpu.memory_space<vmem>>) semaphore(%dma_start3A_45 : memref<!tpu.dma_semaphore, #tpu.memory_space<semaphore_mem>>)
    %dma_start3A_46 = arith.constant 3 : i32
    %dma_start3A_47 = arith.constant 3 : i32
    %dma_start3A_48 = arith.constant 0 : i32
    %dma_start3A_49 = arith.constant 0 : i32
    %dma_start3A_50 = tpu.memref_slice %arg6[%dma_start3A_46, %dma_start3A_48, %dma_start3A_49] : memref<10x128x64xf32, #tpu.memory_space<vmem>> -> memref<1x128x64xf32, #tpu.memory_space<vmem>>
    %dma_start3A_51 = tpu.memref_squeeze %dma_start3A_50 : memref<1x128x64xf32, #tpu.memory_space<vmem>> -> memref<128x64xf32, #tpu.memory_space<vmem>>
    %dma_start3A_52 = arith.constant 384 : i32
    %dma_start3A_53 = tpu.memref_slice %arg5[%dma_start3A_52] : memref<6400xi32, #tpu.memory_space<vmem>> -> memref<128xi32, #tpu.memory_space<vmem>>
    %dma_start3A_54 = arith.constant 0 : i32
    %dma_start3A_55 = arith.constant 0 : i32
    %dma_start3A_56 = tpu.memref_slice %arg3[%dma_start3A_54, %dma_start3A_55] : memref<2000000x64xf32, #tpu.memory_space<hbm>> -> memref<2000000x64xf32, #tpu.memory_space<hbm>>
    %dma_start3A_57 = tpu.memref_slice %arg7[%dma_start3A_47] : memref<10x!tpu.dma_semaphore, #tpu.memory_space<semaphore_mem>> -> memref<1x!tpu.dma_semaphore, #tpu.memory_space<semaphore_mem>>
    %dma_start3A_58 = tpu.memref_squeeze %dma_start3A_57 : memref<1x!tpu.dma_semaphore, #tpu.memory_space<semaphore_mem>> -> memref<!tpu.dma_semaphore, #tpu.memory_space<semaphore_mem>>
    tpu.enqueue_indirect_dma source(%dma_start3A_56 : memref<2000000x64xf32, #tpu.memory_space<hbm>>) target(%dma_start3A_51 : memref<128x64xf32, #tpu.memory_space<vmem>>) offsets(%dma_start3A_53 : memref<128xi32, #tpu.memory_space<vmem>>) semaphore(%dma_start3A_58 : memref<!tpu.dma_semaphore, #tpu.memory_space<semaphore_mem>>)
    %dma_start3A_59 = arith.constant 4 : i32
    %dma_start3A_60 = arith.constant 4 : i32
    %dma_start3A_61 = arith.constant 0 : i32
    %dma_start3A_62 = arith.constant 0 : i32
    %dma_start3A_63 = tpu.memref_slice %arg6[%dma_start3A_59, %dma_start3A_61, %dma_start3A_62] : memref<10x128x64xf32, #tpu.memory_space<vmem>> -> memref<1x128x64xf32, #tpu.memory_space<vmem>>
    %dma_start3A_64 = tpu.memref_squeeze %dma_start3A_63 : memref<1x128x64xf32, #tpu.memory_space<vmem>> -> memref<128x64xf32, #tpu.memory_space<vmem>>
    %dma_start3A_65 = arith.constant 512 : i32
    %dma_start3A_66 = tpu.memref_slice %arg5[%dma_start3A_65] : memref<6400xi32, #tpu.memory_space<vmem>> -> memref<128xi32, #tpu.memory_space<vmem>>
    %dma_start3A_67 = arith.constant 0 : i32
    %dma_start3A_68 = arith.constant 0 : i32
    %dma_start3A_69 = tpu.memref_slice %arg3[%dma_start3A_67, %dma_start3A_68] : memref<2000000x64xf32, #tpu.memory_space<hbm>> -> memref<2000000x64xf32, #tpu.memory_space<hbm>>
    %dma_start3A_70 = tpu.memref_slice %arg7[%dma_start3A_60] : memref<10x!tpu.dma_semaphore, #tpu.memory_space<semaphore_mem>> -> memref<1x!tpu.dma_semaphore, #tpu.memory_space<semaphore_mem>>
    %dma_start3A_71 = tpu.memref_squeeze %dma_start3A_70 : memref<1x!tpu.dma_semaphore, #tpu.memory_space<semaphore_mem>> -> memref<!tpu.dma_semaphore, #tpu.memory_space<semaphore_mem>>
    tpu.enqueue_indirect_dma source(%dma_start3A_69 : memref<2000000x64xf32, #tpu.memory_space<hbm>>) target(%dma_start3A_64 : memref<128x64xf32, #tpu.memory_space<vmem>>) offsets(%dma_start3A_66 : memref<128xi32, #tpu.memory_space<vmem>>) semaphore(%dma_start3A_71 : memref<!tpu.dma_semaphore, #tpu.memory_space<semaphore_mem>>)
    %dma_start3A_72 = arith.constant 5 : i32
    %dma_start3A_73 = arith.constant 5 : i32
    %dma_start3A_74 = arith.constant 0 : i32
    %dma_start3A_75 = arith.constant 0 : i32
    %dma_start3A_76 = tpu.memref_slice %arg6[%dma_start3A_72, %dma_start3A_74, %dma_start3A_75] : memref<10x128x64xf32, #tpu.memory_space<vmem>> -> memref<1x128x64xf32, #tpu.memory_space<vmem>>
    %dma_start3A_77 = tpu.memref_squeeze %dma_start3A_76 : memref<1x128x64xf32, #tpu.memory_space<vmem>> -> memref<128x64xf32, #tpu.memory_space<vmem>>
    %dma_start3A_78 = arith.constant 640 : i32
    %dma_start3A_79 = tpu.memref_slice %arg5[%dma_start3A_78] : memref<6400xi32, #tpu.memory_space<vmem>> -> memref<128xi32, #tpu.memory_space<vmem>>
    %dma_start3A_80 = arith.constant 0 : i32
    %dma_start3A_81 = arith.constant 0 : i32
    %dma_start3A_82 = tpu.memref_slice %arg3[%dma_start3A_80, %dma_start3A_81] : memref<2000000x64xf32, #tpu.memory_space<hbm>> -> memref<2000000x64xf32, #tpu.memory_space<hbm>>
    %dma_start3A_83 = tpu.memref_slice %arg7[%dma_start3A_73] : memref<10x!tpu.dma_semaphore, #tpu.memory_space<semaphore_mem>> -> memref<1x!tpu.dma_semaphore, #tpu.memory_space<semaphore_mem>>
    %dma_start3A_84 = tpu.memref_squeeze %dma_start3A_83 : memref<1x!tpu.dma_semaphore, #tpu.memory_space<semaphore_mem>> -> memref<!tpu.dma_semaphore, #tpu.memory_space<semaphore_mem>>
    tpu.enqueue_indirect_dma source(%dma_start3A_82 : memref<2000000x64xf32, #tpu.memory_space<hbm>>) target(%dma_start3A_77 : memref<128x64xf32, #tpu.memory_space<vmem>>) offsets(%dma_start3A_79 : memref<128xi32, #tpu.memory_space<vmem>>) semaphore(%dma_start3A_84 : memref<!tpu.dma_semaphore, #tpu.memory_space<semaphore_mem>>)
    %dma_start3A_85 = arith.constant 6 : i32
    %dma_start3A_86 = arith.constant 6 : i32
    %dma_start3A_87 = arith.constant 0 : i32
    %dma_start3A_88 = arith.constant 0 : i32
    %dma_start3A_89 = tpu.memref_slice %arg6[%dma_start3A_85, %dma_start3A_87, %dma_start3A_88] : memref<10x128x64xf32, #tpu.memory_space<vmem>> -> memref<1x128x64xf32, #tpu.memory_space<vmem>>
    %dma_start3A_90 = tpu.memref_squeeze %dma_start3A_89 : memref<1x128x64xf32, #tpu.memory_space<vmem>> -> memref<128x64xf32, #tpu.memory_space<vmem>>
    %dma_start3A_91 = arith.constant 768 : i32
    %dma_start3A_92 = tpu.memref_slice %arg5[%dma_start3A_91] : memref<6400xi32, #tpu.memory_space<vmem>> -> memref<128xi32, #tpu.memory_space<vmem>>
    %dma_start3A_93 = arith.constant 0 : i32
    %dma_start3A_94 = arith.constant 0 : i32
    %dma_start3A_95 = tpu.memref_slice %arg3[%dma_start3A_93, %dma_start3A_94] : memref<2000000x64xf32, #tpu.memory_space<hbm>> -> memref<2000000x64xf32, #tpu.memory_space<hbm>>
    %dma_start3A_96 = tpu.memref_slice %arg7[%dma_start3A_86] : memref<10x!tpu.dma_semaphore, #tpu.memory_space<semaphore_mem>> -> memref<1x!tpu.dma_semaphore, #tpu.memory_space<semaphore_mem>>
    %dma_start3A_97 = tpu.memref_squeeze %dma_start3A_96 : memref<1x!tpu.dma_semaphore, #tpu.memory_space<semaphore_mem>> -> memref<!tpu.dma_semaphore, #tpu.memory_space<semaphore_mem>>
    tpu.enqueue_indirect_dma source(%dma_start3A_95 : memref<2000000x64xf32, #tpu.memory_space<hbm>>) target(%dma_start3A_90 : memref<128x64xf32, #tpu.memory_space<vmem>>) offsets(%dma_start3A_92 : memref<128xi32, #tpu.memory_space<vmem>>) semaphore(%dma_start3A_97 : memref<!tpu.dma_semaphore, #tpu.memory_space<semaphore_mem>>)
    %dma_start3A_98 = arith.constant 7 : i32
    %dma_start3A_99 = arith.constant 7 : i32
    %dma_start3A_100 = arith.constant 0 : i32
    %dma_start3A_101 = arith.constant 0 : i32
    %dma_start3A_102 = tpu.memref_slice %arg6[%dma_start3A_98, %dma_start3A_100, %dma_start3A_101] : memref<10x128x64xf32, #tpu.memory_space<vmem>> -> memref<1x128x64xf32, #tpu.memory_space<vmem>>
    %dma_start3A_103 = tpu.memref_squeeze %dma_start3A_102 : memref<1x128x64xf32, #tpu.memory_space<vmem>> -> memref<128x64xf32, #tpu.memory_space<vmem>>
    %dma_start3A_104 = arith.constant 896 : i32
    %dma_start3A_105 = tpu.memref_slice %arg5[%dma_start3A_104] : memref<6400xi32, #tpu.memory_space<vmem>> -> memref<128xi32, #tpu.memory_space<vmem>>
    %dma_start3A_106 = arith.constant 0 : i32
    %dma_start3A_107 = arith.constant 0 : i32
    %dma_start3A_108 = tpu.memref_slice %arg3[%dma_start3A_106, %dma_start3A_107] : memref<2000000x64xf32, #tpu.memory_space<hbm>> -> memref<2000000x64xf32, #tpu.memory_space<hbm>>
    %dma_start3A_109 = tpu.memref_slice %arg7[%dma_start3A_99] : memref<10x!tpu.dma_semaphore, #tpu.memory_space<semaphore_mem>> -> memref<1x!tpu.dma_semaphore, #tpu.memory_space<semaphore_mem>>
    %dma_start3A_110 = tpu.memref_squeeze %dma_start3A_109 : memref<1x!tpu.dma_semaphore, #tpu.memory_space<semaphore_mem>> -> memref<!tpu.dma_semaphore, #tpu.memory_space<semaphore_mem>>
    tpu.enqueue_indirect_dma source(%dma_start3A_108 : memref<2000000x64xf32, #tpu.memory_space<hbm>>) target(%dma_start3A_103 : memref<128x64xf32, #tpu.memory_space<vmem>>) offsets(%dma_start3A_105 : memref<128xi32, #tpu.memory_space<vmem>>) semaphore(%dma_start3A_110 : memref<!tpu.dma_semaphore, #tpu.memory_space<semaphore_mem>>)
    %dma_start3A_111 = arith.constant 8 : i32
    %dma_start3A_112 = arith.constant 8 : i32
    %dma_start3A_113 = arith.constant 0 : i32
    %dma_start3A_114 = arith.constant 0 : i32
    %dma_start3A_115 = tpu.memref_slice %arg6[%dma_start3A_111, %dma_start3A_113, %dma_start3A_114] : memref<10x128x64xf32, #tpu.memory_space<vmem>> -> memref<1x128x64xf32, #tpu.memory_space<vmem>>
    %dma_start3A_116 = tpu.memref_squeeze %dma_start3A_115 : memref<1x128x64xf32, #tpu.memory_space<vmem>> -> memref<128x64xf32, #tpu.memory_space<vmem>>
    %dma_start3A_117 = arith.constant 1024 : i32
    %dma_start3A_118 = tpu.memref_slice %arg5[%dma_start3A_117] : memref<6400xi32, #tpu.memory_space<vmem>> -> memref<128xi32, #tpu.memory_space<vmem>>
    %dma_start3A_119 = arith.constant 0 : i32
    %dma_start3A_120 = arith.constant 0 : i32
    %dma_start3A_121 = tpu.memref_slice %arg3[%dma_start3A_119, %dma_start3A_120] : memref<2000000x64xf32, #tpu.memory_space<hbm>> -> memref<2000000x64xf32, #tpu.memory_space<hbm>>
    %dma_start3A_122 = tpu.memref_slice %arg7[%dma_start3A_112] : memref<10x!tpu.dma_semaphore, #tpu.memory_space<semaphore_mem>> -> memref<1x!tpu.dma_semaphore, #tpu.memory_space<semaphore_mem>>
    %dma_start3A_123 = tpu.memref_squeeze %dma_start3A_122 : memref<1x!tpu.dma_semaphore, #tpu.memory_space<semaphore_mem>> -> memref<!tpu.dma_semaphore, #tpu.memory_space<semaphore_mem>>
    tpu.enqueue_indirect_dma source(%dma_start3A_121 : memref<2000000x64xf32, #tpu.memory_space<hbm>>) target(%dma_start3A_116 : memref<128x64xf32, #tpu.memory_space<vmem>>) offsets(%dma_start3A_118 : memref<128xi32, #tpu.memory_space<vmem>>) semaphore(%dma_start3A_123 : memref<!tpu.dma_semaphore, #tpu.memory_space<semaphore_mem>>)
    %dma_start3A_124 = arith.constant 9 : i32
    %dma_start3A_125 = arith.constant 9 : i32
    %dma_start3A_126 = arith.constant 0 : i32
    %dma_start3A_127 = arith.constant 0 : i32
    %dma_start3A_128 = tpu.memref_slice %arg6[%dma_start3A_124, %dma_start3A_126, %dma_start3A_127] : memref<10x128x64xf32, #tpu.memory_space<vmem>> -> memref<1x128x64xf32, #tpu.memory_space<vmem>>
    %dma_start3A_129 = tpu.memref_squeeze %dma_start3A_128 : memref<1x128x64xf32, #tpu.memory_space<vmem>> -> memref<128x64xf32, #tpu.memory_space<vmem>>
    %dma_start3A_130 = arith.constant 1152 : i32
    %dma_start3A_131 = tpu.memref_slice %arg5[%dma_start3A_130] : memref<6400xi32, #tpu.memory_space<vmem>> -> memref<128xi32, #tpu.memory_space<vmem>>
    %dma_start3A_132 = arith.constant 0 : i32
    %dma_start3A_133 = arith.constant 0 : i32
    %dma_start3A_134 = tpu.memref_slice %arg3[%dma_start3A_132, %dma_start3A_133] : memref<2000000x64xf32, #tpu.memory_space<hbm>> -> memref<2000000x64xf32, #tpu.memory_space<hbm>>
    %dma_start3A_135 = tpu.memref_slice %arg7[%dma_start3A_125] : memref<10x!tpu.dma_semaphore, #tpu.memory_space<semaphore_mem>> -> memref<1x!tpu.dma_semaphore, #tpu.memory_space<semaphore_mem>>
    %dma_start3A_136 = tpu.memref_squeeze %dma_start3A_135 : memref<1x!tpu.dma_semaphore, #tpu.memory_space<semaphore_mem>> -> memref<!tpu.dma_semaphore, #tpu.memory_space<semaphore_mem>>
    tpu.enqueue_indirect_dma source(%dma_start3A_134 : memref<2000000x64xf32, #tpu.memory_space<hbm>>) target(%dma_start3A_129 : memref<128x64xf32, #tpu.memory_space<vmem>>) offsets(%dma_start3A_131 : memref<128xi32, #tpu.memory_space<vmem>>) semaphore(%dma_start3A_136 : memref<!tpu.dma_semaphore, #tpu.memory_space<semaphore_mem>>)
    %dma_wait3A = arith.constant 0 : i32
    %dma_wait3A_137 = arith.constant 0 : i32
    %dma_wait3A_138 = arith.constant 0 : i32
    %dma_wait3A_139 = arith.constant 0 : i32
    %dma_wait3A_140 = tpu.memref_slice %arg6[%dma_wait3A, %dma_wait3A_138, %dma_wait3A_139] : memref<10x128x64xf32, #tpu.memory_space<vmem>> -> memref<1x128x64xf32, #tpu.memory_space<vmem>>
    %dma_wait3A_141 = tpu.memref_squeeze %dma_wait3A_140 : memref<1x128x64xf32, #tpu.memory_space<vmem>> -> memref<128x64xf32, #tpu.memory_space<vmem>>
    %dma_wait3A_142 = arith.constant 0 : i32
    %dma_wait3A_143 = tpu.memref_slice %arg5[%dma_wait3A_142] : memref<6400xi32, #tpu.memory_space<vmem>> -> memref<128xi32, #tpu.memory_space<vmem>>
    %dma_wait3A_144 = arith.constant 0 : i32
    %dma_wait3A_145 = arith.constant 0 : i32
    %dma_wait3A_146 = tpu.memref_slice %arg3[%dma_wait3A_144, %dma_wait3A_145] : memref<2000000x64xf32, #tpu.memory_space<hbm>> -> memref<2000000x64xf32, #tpu.memory_space<hbm>>
    %dma_wait3A_147 = tpu.memref_slice %arg7[%dma_wait3A_137] : memref<10x!tpu.dma_semaphore, #tpu.memory_space<semaphore_mem>> -> memref<1x!tpu.dma_semaphore, #tpu.memory_space<semaphore_mem>>
    %dma_wait3A_148 = tpu.memref_squeeze %dma_wait3A_147 : memref<1x!tpu.dma_semaphore, #tpu.memory_space<semaphore_mem>> -> memref<!tpu.dma_semaphore, #tpu.memory_space<semaphore_mem>>
    tpu.wait_indirect_dma semaphore(%dma_wait3A_148 : memref<!tpu.dma_semaphore, #tpu.memory_space<semaphore_mem>>) src(%dma_wait3A_146 : memref<2000000x64xf32, #tpu.memory_space<hbm>>) dst(%dma_wait3A_141 : memref<128x64xf32, #tpu.memory_space<vmem>>)
    %add3A_149 = arith.constant 0 : i32
    %add3A_150 = arith.addi %multiple_of3A, %add3A_149 : i32
    %dma_start3A_151 = arith.constant 0 : i32
    %dma_start3A_152 = arith.constant 0 : i32
    %dma_start3A_153 = arith.constant 0 : i32
    %dma_start3A_154 = arith.constant 0 : i32
    %dma_start3A_155 = tpu.memref_slice %arg6[%dma_start3A_151, %dma_start3A_153, %dma_start3A_154] : memref<10x128x64xf32, #tpu.memory_space<vmem>> -> memref<1x128x64xf32, #tpu.memory_space<vmem>>
    %dma_start3A_156 = tpu.memref_squeeze %dma_start3A_155 : memref<1x128x64xf32, #tpu.memory_space<vmem>> -> memref<128x64xf32, #tpu.memory_space<vmem>>
    %dma_start3A_157 = arith.constant 0 : i32
    %dma_start3A_158 = tpu.memref_slice %arg4[%add3A_150, %dma_start3A_157] : memref<204800x64xf32, #tpu.memory_space<hbm>> -> memref<128x64xf32, #tpu.memory_space<hbm>>
    %dma_start3A_159 = tpu.memref_slice %arg8[%dma_start3A_152] : memref<10x!tpu.dma_semaphore, #tpu.memory_space<semaphore_mem>> -> memref<1x!tpu.dma_semaphore, #tpu.memory_space<semaphore_mem>>
    %dma_start3A_160 = tpu.memref_squeeze %dma_start3A_159 : memref<1x!tpu.dma_semaphore, #tpu.memory_space<semaphore_mem>> -> memref<!tpu.dma_semaphore, #tpu.memory_space<semaphore_mem>>
    %dma_start3A_161 = arith.constant 0 : i32
    %dma_start3A_162 = tpu.memref_slice %arg4[%add3A_150, %dma_start3A_161] : memref<204800x64xf32, #tpu.memory_space<hbm>> -> memref<128x64xf32, #tpu.memory_space<hbm>>
    %dma_start3A_163 = arith.constant 0 : i32
    %dma_start3A_164 = arith.constant 0 : i32
    %dma_start3A_165 = tpu.memref_slice %arg6[%dma_start3A_151, %dma_start3A_163, %dma_start3A_164] : memref<10x128x64xf32, #tpu.memory_space<vmem>> -> memref<1x128x64xf32, #tpu.memory_space<vmem>>
    %dma_start3A_166 = tpu.memref_squeeze %dma_start3A_165 : memref<1x128x64xf32, #tpu.memory_space<vmem>> -> memref<128x64xf32, #tpu.memory_space<vmem>>
    tpu.enqueue_dma source(%dma_start3A_166 : memref<128x64xf32, #tpu.memory_space<vmem>>) target(%dma_start3A_162 : memref<128x64xf32, #tpu.memory_space<hbm>>) target_semaphore(%dma_start3A_160 : memref<!tpu.dma_semaphore, #tpu.memory_space<semaphore_mem>>)
    %dma_wait3A_167 = arith.constant 1 : i32
    %dma_wait3A_168 = arith.constant 1 : i32
    %dma_wait3A_169 = arith.constant 0 : i32
    %dma_wait3A_170 = arith.constant 0 : i32
    %dma_wait3A_171 = tpu.memref_slice %arg6[%dma_wait3A_167, %dma_wait3A_169, %dma_wait3A_170] : memref<10x128x64xf32, #tpu.memory_space<vmem>> -> memref<1x128x64xf32, #tpu.memory_space<vmem>>
    %dma_wait3A_172 = tpu.memref_squeeze %dma_wait3A_171 : memref<1x128x64xf32, #tpu.memory_space<vmem>> -> memref<128x64xf32, #tpu.memory_space<vmem>>
    %dma_wait3A_173 = arith.constant 128 : i32
    %dma_wait3A_174 = tpu.memref_slice %arg5[%dma_wait3A_173] : memref<6400xi32, #tpu.memory_space<vmem>> -> memref<128xi32, #tpu.memory_space<vmem>>
    %dma_wait3A_175 = arith.constant 0 : i32
    %dma_wait3A_176 = arith.constant 0 : i32
    %dma_wait3A_177 = tpu.memref_slice %arg3[%dma_wait3A_175, %dma_wait3A_176] : memref<2000000x64xf32, #tpu.memory_space<hbm>> -> memref<2000000x64xf32, #tpu.memory_space<hbm>>
    %dma_wait3A_178 = tpu.memref_slice %arg7[%dma_wait3A_168] : memref<10x!tpu.dma_semaphore, #tpu.memory_space<semaphore_mem>> -> memref<1x!tpu.dma_semaphore, #tpu.memory_space<semaphore_mem>>
    %dma_wait3A_179 = tpu.memref_squeeze %dma_wait3A_178 : memref<1x!tpu.dma_semaphore, #tpu.memory_space<semaphore_mem>> -> memref<!tpu.dma_semaphore, #tpu.memory_space<semaphore_mem>>
    tpu.wait_indirect_dma semaphore(%dma_wait3A_179 : memref<!tpu.dma_semaphore, #tpu.memory_space<semaphore_mem>>) src(%dma_wait3A_177 : memref<2000000x64xf32, #tpu.memory_space<hbm>>) dst(%dma_wait3A_172 : memref<128x64xf32, #tpu.memory_space<vmem>>)
    %add3A_180 = arith.constant 128 : i32
    %add3A_181 = arith.addi %multiple_of3A, %add3A_180 : i32
    %dma_start3A_182 = arith.constant 1 : i32
    %dma_start3A_183 = arith.constant 1 : i32
    %dma_start3A_184 = arith.constant 0 : i32
    %dma_start3A_185 = arith.constant 0 : i32
    %dma_start3A_186 = tpu.memref_slice %arg6[%dma_start3A_182, %dma_start3A_184, %dma_start3A_185] : memref<10x128x64xf32, #tpu.memory_space<vmem>> -> memref<1x128x64xf32, #tpu.memory_space<vmem>>
    %dma_start3A_187 = tpu.memref_squeeze %dma_start3A_186 : memref<1x128x64xf32, #tpu.memory_space<vmem>> -> memref<128x64xf32, #tpu.memory_space<vmem>>
    %dma_start3A_188 = arith.constant 0 : i32
    %dma_start3A_189 = tpu.memref_slice %arg4[%add3A_181, %dma_start3A_188] : memref<204800x64xf32, #tpu.memory_space<hbm>> -> memref<128x64xf32, #tpu.memory_space<hbm>>
    %dma_start3A_190 = tpu.memref_slice %arg8[%dma_start3A_183] : memref<10x!tpu.dma_semaphore, #tpu.memory_space<semaphore_mem>> -> memref<1x!tpu.dma_semaphore, #tpu.memory_space<semaphore_mem>>
    %dma_start3A_191 = tpu.memref_squeeze %dma_start3A_190 : memref<1x!tpu.dma_semaphore, #tpu.memory_space<semaphore_mem>> -> memref<!tpu.dma_semaphore, #tpu.memory_space<semaphore_mem>>
    %dma_start3A_192 = arith.constant 0 : i32
    %dma_start3A_193 = tpu.memref_slice %arg4[%add3A_181, %dma_start3A_192] : memref<204800x64xf32, #tpu.memory_space<hbm>> -> memref<128x64xf32, #tpu.memory_space<hbm>>
    %dma_start3A_194 = arith.constant 0 : i32
    %dma_start3A_195 = arith.constant 0 : i32
    %dma_start3A_196 = tpu.memref_slice %arg6[%dma_start3A_182, %dma_start3A_194, %dma_start3A_195] : memref<10x128x64xf32, #tpu.memory_space<vmem>> -> memref<1x128x64xf32, #tpu.memory_space<vmem>>
    %dma_start3A_197 = tpu.memref_squeeze %dma_start3A_196 : memref<1x128x64xf32, #tpu.memory_space<vmem>> -> memref<128x64xf32, #tpu.memory_space<vmem>>
    tpu.enqueue_dma source(%dma_start3A_197 : memref<128x64xf32, #tpu.memory_space<vmem>>) target(%dma_start3A_193 : memref<128x64xf32, #tpu.memory_space<hbm>>) target_semaphore(%dma_start3A_191 : memref<!tpu.dma_semaphore, #tpu.memory_space<semaphore_mem>>)
    %dma_wait3A_198 = arith.constant 2 : i32
    %dma_wait3A_199 = arith.constant 2 : i32
    %dma_wait3A_200 = arith.constant 0 : i32
    %dma_wait3A_201 = arith.constant 0 : i32
    %dma_wait3A_202 = tpu.memref_slice %arg6[%dma_wait3A_198, %dma_wait3A_200, %dma_wait3A_201] : memref<10x128x64xf32, #tpu.memory_space<vmem>> -> memref<1x128x64xf32, #tpu.memory_space<vmem>>
    %dma_wait3A_203 = tpu.memref_squeeze %dma_wait3A_202 : memref<1x128x64xf32, #tpu.memory_space<vmem>> -> memref<128x64xf32, #tpu.memory_space<vmem>>
    %dma_wait3A_204 = arith.constant 256 : i32
    %dma_wait3A_205 = tpu.memref_slice %arg5[%dma_wait3A_204] : memref<6400xi32, #tpu.memory_space<vmem>> -> memref<128xi32, #tpu.memory_space<vmem>>
    %dma_wait3A_206 = arith.constant 0 : i32
    %dma_wait3A_207 = arith.constant 0 : i32
    %dma_wait3A_208 = tpu.memref_slice %arg3[%dma_wait3A_206, %dma_wait3A_207] : memref<2000000x64xf32, #tpu.memory_space<hbm>> -> memref<2000000x64xf32, #tpu.memory_space<hbm>>
    %dma_wait3A_209 = tpu.memref_slice %arg7[%dma_wait3A_199] : memref<10x!tpu.dma_semaphore, #tpu.memory_space<semaphore_mem>> -> memref<1x!tpu.dma_semaphore, #tpu.memory_space<semaphore_mem>>
    %dma_wait3A_210 = tpu.memref_squeeze %dma_wait3A_209 : memref<1x!tpu.dma_semaphore, #tpu.memory_space<semaphore_mem>> -> memref<!tpu.dma_semaphore, #tpu.memory_space<semaphore_mem>>
    tpu.wait_indirect_dma semaphore(%dma_wait3A_210 : memref<!tpu.dma_semaphore, #tpu.memory_space<semaphore_mem>>) src(%dma_wait3A_208 : memref<2000000x64xf32, #tpu.memory_space<hbm>>) dst(%dma_wait3A_203 : memref<128x64xf32, #tpu.memory_space<vmem>>)
    %add3A_211 = arith.constant 256 : i32
    %add3A_212 = arith.addi %multiple_of3A, %add3A_211 : i32
    %dma_start3A_213 = arith.constant 2 : i32
    %dma_start3A_214 = arith.constant 2 : i32
    %dma_start3A_215 = arith.constant 0 : i32
    %dma_start3A_216 = arith.constant 0 : i32
    %dma_start3A_217 = tpu.memref_slice %arg6[%dma_start3A_213, %dma_start3A_215, %dma_start3A_216] : memref<10x128x64xf32, #tpu.memory_space<vmem>> -> memref<1x128x64xf32, #tpu.memory_space<vmem>>
    %dma_start3A_218 = tpu.memref_squeeze %dma_start3A_217 : memref<1x128x64xf32, #tpu.memory_space<vmem>> -> memref<128x64xf32, #tpu.memory_space<vmem>>
    %dma_start3A_219 = arith.constant 0 : i32
    %dma_start3A_220 = tpu.memref_slice %arg4[%add3A_212, %dma_start3A_219] : memref<204800x64xf32, #tpu.memory_space<hbm>> -> memref<128x64xf32, #tpu.memory_space<hbm>>
    %dma_start3A_221 = tpu.memref_slice %arg8[%dma_start3A_214] : memref<10x!tpu.dma_semaphore, #tpu.memory_space<semaphore_mem>> -> memref<1x!tpu.dma_semaphore, #tpu.memory_space<semaphore_mem>>
    %dma_start3A_222 = tpu.memref_squeeze %dma_start3A_221 : memref<1x!tpu.dma_semaphore, #tpu.memory_space<semaphore_mem>> -> memref<!tpu.dma_semaphore, #tpu.memory_space<semaphore_mem>>
    %dma_start3A_223 = arith.constant 0 : i32
    %dma_start3A_224 = tpu.memref_slice %arg4[%add3A_212, %dma_start3A_223] : memref<204800x64xf32, #tpu.memory_space<hbm>> -> memref<128x64xf32, #tpu.memory_space<hbm>>
    %dma_start3A_225 = arith.constant 0 : i32
    %dma_start3A_226 = arith.constant 0 : i32
    %dma_start3A_227 = tpu.memref_slice %arg6[%dma_start3A_213, %dma_start3A_225, %dma_start3A_226] : memref<10x128x64xf32, #tpu.memory_space<vmem>> -> memref<1x128x64xf32, #tpu.memory_space<vmem>>
    %dma_start3A_228 = tpu.memref_squeeze %dma_start3A_227 : memref<1x128x64xf32, #tpu.memory_space<vmem>> -> memref<128x64xf32, #tpu.memory_space<vmem>>
    tpu.enqueue_dma source(%dma_start3A_228 : memref<128x64xf32, #tpu.memory_space<vmem>>) target(%dma_start3A_224 : memref<128x64xf32, #tpu.memory_space<hbm>>) target_semaphore(%dma_start3A_222 : memref<!tpu.dma_semaphore, #tpu.memory_space<semaphore_mem>>)
    %dma_wait3A_229 = arith.constant 3 : i32
    %dma_wait3A_230 = arith.constant 3 : i32
    %dma_wait3A_231 = arith.constant 0 : i32
    %dma_wait3A_232 = arith.constant 0 : i32
    %dma_wait3A_233 = tpu.memref_slice %arg6[%dma_wait3A_229, %dma_wait3A_231, %dma_wait3A_232] : memref<10x128x64xf32, #tpu.memory_space<vmem>> -> memref<1x128x64xf32, #tpu.memory_space<vmem>>
    %dma_wait3A_234 = tpu.memref_squeeze %dma_wait3A_233 : memref<1x128x64xf32, #tpu.memory_space<vmem>> -> memref<128x64xf32, #tpu.memory_space<vmem>>
    %dma_wait3A_235 = arith.constant 384 : i32
    %dma_wait3A_236 = tpu.memref_slice %arg5[%dma_wait3A_235] : memref<6400xi32, #tpu.memory_space<vmem>> -> memref<128xi32, #tpu.memory_space<vmem>>
    %dma_wait3A_237 = arith.constant 0 : i32
    %dma_wait3A_238 = arith.constant 0 : i32
    %dma_wait3A_239 = tpu.memref_slice %arg3[%dma_wait3A_237, %dma_wait3A_238] : memref<2000000x64xf32, #tpu.memory_space<hbm>> -> memref<2000000x64xf32, #tpu.memory_space<hbm>>
    %dma_wait3A_240 = tpu.memref_slice %arg7[%dma_wait3A_230] : memref<10x!tpu.dma_semaphore, #tpu.memory_space<semaphore_mem>> -> memref<1x!tpu.dma_semaphore, #tpu.memory_space<semaphore_mem>>
    %dma_wait3A_241 = tpu.memref_squeeze %dma_wait3A_240 : memref<1x!tpu.dma_semaphore, #tpu.memory_space<semaphore_mem>> -> memref<!tpu.dma_semaphore, #tpu.memory_space<semaphore_mem>>
    tpu.wait_indirect_dma semaphore(%dma_wait3A_241 : memref<!tpu.dma_semaphore, #tpu.memory_space<semaphore_mem>>) src(%dma_wait3A_239 : memref<2000000x64xf32, #tpu.memory_space<hbm>>) dst(%dma_wait3A_234 : memref<128x64xf32, #tpu.memory_space<vmem>>)
    %add3A_242 = arith.constant 384 : i32
    %add3A_243 = arith.addi %multiple_of3A, %add3A_242 : i32
    %dma_start3A_244 = arith.constant 3 : i32
    %dma_start3A_245 = arith.constant 3 : i32
    %dma_start3A_246 = arith.constant 0 : i32
    %dma_start3A_247 = arith.constant 0 : i32
    %dma_start3A_248 = tpu.memref_slice %arg6[%dma_start3A_244, %dma_start3A_246, %dma_start3A_247] : memref<10x128x64xf32, #tpu.memory_space<vmem>> -> memref<1x128x64xf32, #tpu.memory_space<vmem>>
    %dma_start3A_249 = tpu.memref_squeeze %dma_start3A_248 : memref<1x128x64xf32, #tpu.memory_space<vmem>> -> memref<128x64xf32, #tpu.memory_space<vmem>>
    %dma_start3A_250 = arith.constant 0 : i32
    %dma_start3A_251 = tpu.memref_slice %arg4[%add3A_243, %dma_start3A_250] : memref<204800x64xf32, #tpu.memory_space<hbm>> -> memref<128x64xf32, #tpu.memory_space<hbm>>
    %dma_start3A_252 = tpu.memref_slice %arg8[%dma_start3A_245] : memref<10x!tpu.dma_semaphore, #tpu.memory_space<semaphore_mem>> -> memref<1x!tpu.dma_semaphore, #tpu.memory_space<semaphore_mem>>
    %dma_start3A_253 = tpu.memref_squeeze %dma_start3A_252 : memref<1x!tpu.dma_semaphore, #tpu.memory_space<semaphore_mem>> -> memref<!tpu.dma_semaphore, #tpu.memory_space<semaphore_mem>>
    %dma_start3A_254 = arith.constant 0 : i32
    %dma_start3A_255 = tpu.memref_slice %arg4[%add3A_243, %dma_start3A_254] : memref<204800x64xf32, #tpu.memory_space<hbm>> -> memref<128x64xf32, #tpu.memory_space<hbm>>
    %dma_start3A_256 = arith.constant 0 : i32
    %dma_start3A_257 = arith.constant 0 : i32
    %dma_start3A_258 = tpu.memref_slice %arg6[%dma_start3A_244, %dma_start3A_256, %dma_start3A_257] : memref<10x128x64xf32, #tpu.memory_space<vmem>> -> memref<1x128x64xf32, #tpu.memory_space<vmem>>
    %dma_start3A_259 = tpu.memref_squeeze %dma_start3A_258 : memref<1x128x64xf32, #tpu.memory_space<vmem>> -> memref<128x64xf32, #tpu.memory_space<vmem>>
    tpu.enqueue_dma source(%dma_start3A_259 : memref<128x64xf32, #tpu.memory_space<vmem>>) target(%dma_start3A_255 : memref<128x64xf32, #tpu.memory_space<hbm>>) target_semaphore(%dma_start3A_253 : memref<!tpu.dma_semaphore, #tpu.memory_space<semaphore_mem>>)
    %dma_wait3A_260 = arith.constant 4 : i32
    %dma_wait3A_261 = arith.constant 4 : i32
    %dma_wait3A_262 = arith.constant 0 : i32
    %dma_wait3A_263 = arith.constant 0 : i32
    %dma_wait3A_264 = tpu.memref_slice %arg6[%dma_wait3A_260, %dma_wait3A_262, %dma_wait3A_263] : memref<10x128x64xf32, #tpu.memory_space<vmem>> -> memref<1x128x64xf32, #tpu.memory_space<vmem>>
    %dma_wait3A_265 = tpu.memref_squeeze %dma_wait3A_264 : memref<1x128x64xf32, #tpu.memory_space<vmem>> -> memref<128x64xf32, #tpu.memory_space<vmem>>
    %dma_wait3A_266 = arith.constant 512 : i32
    %dma_wait3A_267 = tpu.memref_slice %arg5[%dma_wait3A_266] : memref<6400xi32, #tpu.memory_space<vmem>> -> memref<128xi32, #tpu.memory_space<vmem>>
    %dma_wait3A_268 = arith.constant 0 : i32
    %dma_wait3A_269 = arith.constant 0 : i32
    %dma_wait3A_270 = tpu.memref_slice %arg3[%dma_wait3A_268, %dma_wait3A_269] : memref<2000000x64xf32, #tpu.memory_space<hbm>> -> memref<2000000x64xf32, #tpu.memory_space<hbm>>
    %dma_wait3A_271 = tpu.memref_slice %arg7[%dma_wait3A_261] : memref<10x!tpu.dma_semaphore, #tpu.memory_space<semaphore_mem>> -> memref<1x!tpu.dma_semaphore, #tpu.memory_space<semaphore_mem>>
    %dma_wait3A_272 = tpu.memref_squeeze %dma_wait3A_271 : memref<1x!tpu.dma_semaphore, #tpu.memory_space<semaphore_mem>> -> memref<!tpu.dma_semaphore, #tpu.memory_space<semaphore_mem>>
    tpu.wait_indirect_dma semaphore(%dma_wait3A_272 : memref<!tpu.dma_semaphore, #tpu.memory_space<semaphore_mem>>) src(%dma_wait3A_270 : memref<2000000x64xf32, #tpu.memory_space<hbm>>) dst(%dma_wait3A_265 : memref<128x64xf32, #tpu.memory_space<vmem>>)
    %add3A_273 = arith.constant 512 : i32
    %add3A_274 = arith.addi %multiple_of3A, %add3A_273 : i32
    %dma_start3A_275 = arith.constant 4 : i32
    %dma_start3A_276 = arith.constant 4 : i32
    %dma_start3A_277 = arith.constant 0 : i32
    %dma_start3A_278 = arith.constant 0 : i32
    %dma_start3A_279 = tpu.memref_slice %arg6[%dma_start3A_275, %dma_start3A_277, %dma_start3A_278] : memref<10x128x64xf32, #tpu.memory_space<vmem>> -> memref<1x128x64xf32, #tpu.memory_space<vmem>>
    %dma_start3A_280 = tpu.memref_squeeze %dma_start3A_279 : memref<1x128x64xf32, #tpu.memory_space<vmem>> -> memref<128x64xf32, #tpu.memory_space<vmem>>
    %dma_start3A_281 = arith.constant 0 : i32
    %dma_start3A_282 = tpu.memref_slice %arg4[%add3A_274, %dma_start3A_281] : memref<204800x64xf32, #tpu.memory_space<hbm>> -> memref<128x64xf32, #tpu.memory_space<hbm>>
    %dma_start3A_283 = tpu.memref_slice %arg8[%dma_start3A_276] : memref<10x!tpu.dma_semaphore, #tpu.memory_space<semaphore_mem>> -> memref<1x!tpu.dma_semaphore, #tpu.memory_space<semaphore_mem>>
    %dma_start3A_284 = tpu.memref_squeeze %dma_start3A_283 : memref<1x!tpu.dma_semaphore, #tpu.memory_space<semaphore_mem>> -> memref<!tpu.dma_semaphore, #tpu.memory_space<semaphore_mem>>
    %dma_start3A_285 = arith.constant 0 : i32
    %dma_start3A_286 = tpu.memref_slice %arg4[%add3A_274, %dma_start3A_285] : memref<204800x64xf32, #tpu.memory_space<hbm>> -> memref<128x64xf32, #tpu.memory_space<hbm>>
    %dma_start3A_287 = arith.constant 0 : i32
    %dma_start3A_288 = arith.constant 0 : i32
    %dma_start3A_289 = tpu.memref_slice %arg6[%dma_start3A_275, %dma_start3A_287, %dma_start3A_288] : memref<10x128x64xf32, #tpu.memory_space<vmem>> -> memref<1x128x64xf32, #tpu.memory_space<vmem>>
    %dma_start3A_290 = tpu.memref_squeeze %dma_start3A_289 : memref<1x128x64xf32, #tpu.memory_space<vmem>> -> memref<128x64xf32, #tpu.memory_space<vmem>>
    tpu.enqueue_dma source(%dma_start3A_290 : memref<128x64xf32, #tpu.memory_space<vmem>>) target(%dma_start3A_286 : memref<128x64xf32, #tpu.memory_space<hbm>>) target_semaphore(%dma_start3A_284 : memref<!tpu.dma_semaphore, #tpu.memory_space<semaphore_mem>>)
    %dma_wait3A_291 = arith.constant 5 : i32
    %dma_wait3A_292 = arith.constant 5 : i32
    %dma_wait3A_293 = arith.constant 0 : i32
    %dma_wait3A_294 = arith.constant 0 : i32
    %dma_wait3A_295 = tpu.memref_slice %arg6[%dma_wait3A_291, %dma_wait3A_293, %dma_wait3A_294] : memref<10x128x64xf32, #tpu.memory_space<vmem>> -> memref<1x128x64xf32, #tpu.memory_space<vmem>>
    %dma_wait3A_296 = tpu.memref_squeeze %dma_wait3A_295 : memref<1x128x64xf32, #tpu.memory_space<vmem>> -> memref<128x64xf32, #tpu.memory_space<vmem>>
    %dma_wait3A_297 = arith.constant 640 : i32
    %dma_wait3A_298 = tpu.memref_slice %arg5[%dma_wait3A_297] : memref<6400xi32, #tpu.memory_space<vmem>> -> memref<128xi32, #tpu.memory_space<vmem>>
    %dma_wait3A_299 = arith.constant 0 : i32
    %dma_wait3A_300 = arith.constant 0 : i32
    %dma_wait3A_301 = tpu.memref_slice %arg3[%dma_wait3A_299, %dma_wait3A_300] : memref<2000000x64xf32, #tpu.memory_space<hbm>> -> memref<2000000x64xf32, #tpu.memory_space<hbm>>
    %dma_wait3A_302 = tpu.memref_slice %arg7[%dma_wait3A_292] : memref<10x!tpu.dma_semaphore, #tpu.memory_space<semaphore_mem>> -> memref<1x!tpu.dma_semaphore, #tpu.memory_space<semaphore_mem>>
    %dma_wait3A_303 = tpu.memref_squeeze %dma_wait3A_302 : memref<1x!tpu.dma_semaphore, #tpu.memory_space<semaphore_mem>> -> memref<!tpu.dma_semaphore, #tpu.memory_space<semaphore_mem>>
    tpu.wait_indirect_dma semaphore(%dma_wait3A_303 : memref<!tpu.dma_semaphore, #tpu.memory_space<semaphore_mem>>) src(%dma_wait3A_301 : memref<2000000x64xf32, #tpu.memory_space<hbm>>) dst(%dma_wait3A_296 : memref<128x64xf32, #tpu.memory_space<vmem>>)
    %add3A_304 = arith.constant 640 : i32
    %add3A_305 = arith.addi %multiple_of3A, %add3A_304 : i32
    %dma_start3A_306 = arith.constant 5 : i32
    %dma_start3A_307 = arith.constant 5 : i32
    %dma_start3A_308 = arith.constant 0 : i32
    %dma_start3A_309 = arith.constant 0 : i32
    %dma_start3A_310 = tpu.memref_slice %arg6[%dma_start3A_306, %dma_start3A_308, %dma_start3A_309] : memref<10x128x64xf32, #tpu.memory_space<vmem>> -> memref<1x128x64xf32, #tpu.memory_space<vmem>>
    %dma_start3A_311 = tpu.memref_squeeze %dma_start3A_310 : memref<1x128x64xf32, #tpu.memory_space<vmem>> -> memref<128x64xf32, #tpu.memory_space<vmem>>
    %dma_start3A_312 = arith.constant 0 : i32
    %dma_start3A_313 = tpu.memref_slice %arg4[%add3A_305, %dma_start3A_312] : memref<204800x64xf32, #tpu.memory_space<hbm>> -> memref<128x64xf32, #tpu.memory_space<hbm>>
    %dma_start3A_314 = tpu.memref_slice %arg8[%dma_start3A_307] : memref<10x!tpu.dma_semaphore, #tpu.memory_space<semaphore_mem>> -> memref<1x!tpu.dma_semaphore, #tpu.memory_space<semaphore_mem>>
    %dma_start3A_315 = tpu.memref_squeeze %dma_start3A_314 : memref<1x!tpu.dma_semaphore, #tpu.memory_space<semaphore_mem>> -> memref<!tpu.dma_semaphore, #tpu.memory_space<semaphore_mem>>
    %dma_start3A_316 = arith.constant 0 : i32
    %dma_start3A_317 = tpu.memref_slice %arg4[%add3A_305, %dma_start3A_316] : memref<204800x64xf32, #tpu.memory_space<hbm>> -> memref<128x64xf32, #tpu.memory_space<hbm>>
    %dma_start3A_318 = arith.constant 0 : i32
    %dma_start3A_319 = arith.constant 0 : i32
    %dma_start3A_320 = tpu.memref_slice %arg6[%dma_start3A_306, %dma_start3A_318, %dma_start3A_319] : memref<10x128x64xf32, #tpu.memory_space<vmem>> -> memref<1x128x64xf32, #tpu.memory_space<vmem>>
    %dma_start3A_321 = tpu.memref_squeeze %dma_start3A_320 : memref<1x128x64xf32, #tpu.memory_space<vmem>> -> memref<128x64xf32, #tpu.memory_space<vmem>>
    tpu.enqueue_dma source(%dma_start3A_321 : memref<128x64xf32, #tpu.memory_space<vmem>>) target(%dma_start3A_317 : memref<128x64xf32, #tpu.memory_space<hbm>>) target_semaphore(%dma_start3A_315 : memref<!tpu.dma_semaphore, #tpu.memory_space<semaphore_mem>>)
    %dma_wait3A_322 = arith.constant 6 : i32
    %dma_wait3A_323 = arith.constant 6 : i32
    %dma_wait3A_324 = arith.constant 0 : i32
    %dma_wait3A_325 = arith.constant 0 : i32
    %dma_wait3A_326 = tpu.memref_slice %arg6[%dma_wait3A_322, %dma_wait3A_324, %dma_wait3A_325] : memref<10x128x64xf32, #tpu.memory_space<vmem>> -> memref<1x128x64xf32, #tpu.memory_space<vmem>>
    %dma_wait3A_327 = tpu.memref_squeeze %dma_wait3A_326 : memref<1x128x64xf32, #tpu.memory_space<vmem>> -> memref<128x64xf32, #tpu.memory_space<vmem>>
    %dma_wait3A_328 = arith.constant 768 : i32
    %dma_wait3A_329 = tpu.memref_slice %arg5[%dma_wait3A_328] : memref<6400xi32, #tpu.memory_space<vmem>> -> memref<128xi32, #tpu.memory_space<vmem>>
    %dma_wait3A_330 = arith.constant 0 : i32
    %dma_wait3A_331 = arith.constant 0 : i32
    %dma_wait3A_332 = tpu.memref_slice %arg3[%dma_wait3A_330, %dma_wait3A_331] : memref<2000000x64xf32, #tpu.memory_space<hbm>> -> memref<2000000x64xf32, #tpu.memory_space<hbm>>
    %dma_wait3A_333 = tpu.memref_slice %arg7[%dma_wait3A_323] : memref<10x!tpu.dma_semaphore, #tpu.memory_space<semaphore_mem>> -> memref<1x!tpu.dma_semaphore, #tpu.memory_space<semaphore_mem>>
    %dma_wait3A_334 = tpu.memref_squeeze %dma_wait3A_333 : memref<1x!tpu.dma_semaphore, #tpu.memory_space<semaphore_mem>> -> memref<!tpu.dma_semaphore, #tpu.memory_space<semaphore_mem>>
    tpu.wait_indirect_dma semaphore(%dma_wait3A_334 : memref<!tpu.dma_semaphore, #tpu.memory_space<semaphore_mem>>) src(%dma_wait3A_332 : memref<2000000x64xf32, #tpu.memory_space<hbm>>) dst(%dma_wait3A_327 : memref<128x64xf32, #tpu.memory_space<vmem>>)
    %add3A_335 = arith.constant 768 : i32
    %add3A_336 = arith.addi %multiple_of3A, %add3A_335 : i32
    %dma_start3A_337 = arith.constant 6 : i32
    %dma_start3A_338 = arith.constant 6 : i32
    %dma_start3A_339 = arith.constant 0 : i32
    %dma_start3A_340 = arith.constant 0 : i32
    %dma_start3A_341 = tpu.memref_slice %arg6[%dma_start3A_337, %dma_start3A_339, %dma_start3A_340] : memref<10x128x64xf32, #tpu.memory_space<vmem>> -> memref<1x128x64xf32, #tpu.memory_space<vmem>>
    %dma_start3A_342 = tpu.memref_squeeze %dma_start3A_341 : memref<1x128x64xf32, #tpu.memory_space<vmem>> -> memref<128x64xf32, #tpu.memory_space<vmem>>
    %dma_start3A_343 = arith.constant 0 : i32
    %dma_start3A_344 = tpu.memref_slice %arg4[%add3A_336, %dma_start3A_343] : memref<204800x64xf32, #tpu.memory_space<hbm>> -> memref<128x64xf32, #tpu.memory_space<hbm>>
    %dma_start3A_345 = tpu.memref_slice %arg8[%dma_start3A_338] : memref<10x!tpu.dma_semaphore, #tpu.memory_space<semaphore_mem>> -> memref<1x!tpu.dma_semaphore, #tpu.memory_space<semaphore_mem>>
    %dma_start3A_346 = tpu.memref_squeeze %dma_start3A_345 : memref<1x!tpu.dma_semaphore, #tpu.memory_space<semaphore_mem>> -> memref<!tpu.dma_semaphore, #tpu.memory_space<semaphore_mem>>
    %dma_start3A_347 = arith.constant 0 : i32
    %dma_start3A_348 = tpu.memref_slice %arg4[%add3A_336, %dma_start3A_347] : memref<204800x64xf32, #tpu.memory_space<hbm>> -> memref<128x64xf32, #tpu.memory_space<hbm>>
    %dma_start3A_349 = arith.constant 0 : i32
    %dma_start3A_350 = arith.constant 0 : i32
    %dma_start3A_351 = tpu.memref_slice %arg6[%dma_start3A_337, %dma_start3A_349, %dma_start3A_350] : memref<10x128x64xf32, #tpu.memory_space<vmem>> -> memref<1x128x64xf32, #tpu.memory_space<vmem>>
    %dma_start3A_352 = tpu.memref_squeeze %dma_start3A_351 : memref<1x128x64xf32, #tpu.memory_space<vmem>> -> memref<128x64xf32, #tpu.memory_space<vmem>>
    tpu.enqueue_dma source(%dma_start3A_352 : memref<128x64xf32, #tpu.memory_space<vmem>>) target(%dma_start3A_348 : memref<128x64xf32, #tpu.memory_space<hbm>>) target_semaphore(%dma_start3A_346 : memref<!tpu.dma_semaphore, #tpu.memory_space<semaphore_mem>>)
    %dma_wait3A_353 = arith.constant 7 : i32
    %dma_wait3A_354 = arith.constant 7 : i32
    %dma_wait3A_355 = arith.constant 0 : i32
    %dma_wait3A_356 = arith.constant 0 : i32
    %dma_wait3A_357 = tpu.memref_slice %arg6[%dma_wait3A_353, %dma_wait3A_355, %dma_wait3A_356] : memref<10x128x64xf32, #tpu.memory_space<vmem>> -> memref<1x128x64xf32, #tpu.memory_space<vmem>>
    %dma_wait3A_358 = tpu.memref_squeeze %dma_wait3A_357 : memref<1x128x64xf32, #tpu.memory_space<vmem>> -> memref<128x64xf32, #tpu.memory_space<vmem>>
    %dma_wait3A_359 = arith.constant 896 : i32
    %dma_wait3A_360 = tpu.memref_slice %arg5[%dma_wait3A_359] : memref<6400xi32, #tpu.memory_space<vmem>> -> memref<128xi32, #tpu.memory_space<vmem>>
    %dma_wait3A_361 = arith.constant 0 : i32
    %dma_wait3A_362 = arith.constant 0 : i32
    %dma_wait3A_363 = tpu.memref_slice %arg3[%dma_wait3A_361, %dma_wait3A_362] : memref<2000000x64xf32, #tpu.memory_space<hbm>> -> memref<2000000x64xf32, #tpu.memory_space<hbm>>
    %dma_wait3A_364 = tpu.memref_slice %arg7[%dma_wait3A_354] : memref<10x!tpu.dma_semaphore, #tpu.memory_space<semaphore_mem>> -> memref<1x!tpu.dma_semaphore, #tpu.memory_space<semaphore_mem>>
    %dma_wait3A_365 = tpu.memref_squeeze %dma_wait3A_364 : memref<1x!tpu.dma_semaphore, #tpu.memory_space<semaphore_mem>> -> memref<!tpu.dma_semaphore, #tpu.memory_space<semaphore_mem>>
    tpu.wait_indirect_dma semaphore(%dma_wait3A_365 : memref<!tpu.dma_semaphore, #tpu.memory_space<semaphore_mem>>) src(%dma_wait3A_363 : memref<2000000x64xf32, #tpu.memory_space<hbm>>) dst(%dma_wait3A_358 : memref<128x64xf32, #tpu.memory_space<vmem>>)
    %add3A_366 = arith.constant 896 : i32
    %add3A_367 = arith.addi %multiple_of3A, %add3A_366 : i32
    %dma_start3A_368 = arith.constant 7 : i32
    %dma_start3A_369 = arith.constant 7 : i32
    %dma_start3A_370 = arith.constant 0 : i32
    %dma_start3A_371 = arith.constant 0 : i32
    %dma_start3A_372 = tpu.memref_slice %arg6[%dma_start3A_368, %dma_start3A_370, %dma_start3A_371] : memref<10x128x64xf32, #tpu.memory_space<vmem>> -> memref<1x128x64xf32, #tpu.memory_space<vmem>>
    %dma_start3A_373 = tpu.memref_squeeze %dma_start3A_372 : memref<1x128x64xf32, #tpu.memory_space<vmem>> -> memref<128x64xf32, #tpu.memory_space<vmem>>
    %dma_start3A_374 = arith.constant 0 : i32
    %dma_start3A_375 = tpu.memref_slice %arg4[%add3A_367, %dma_start3A_374] : memref<204800x64xf32, #tpu.memory_space<hbm>> -> memref<128x64xf32, #tpu.memory_space<hbm>>
    %dma_start3A_376 = tpu.memref_slice %arg8[%dma_start3A_369] : memref<10x!tpu.dma_semaphore, #tpu.memory_space<semaphore_mem>> -> memref<1x!tpu.dma_semaphore, #tpu.memory_space<semaphore_mem>>
    %dma_start3A_377 = tpu.memref_squeeze %dma_start3A_376 : memref<1x!tpu.dma_semaphore, #tpu.memory_space<semaphore_mem>> -> memref<!tpu.dma_semaphore, #tpu.memory_space<semaphore_mem>>
    %dma_start3A_378 = arith.constant 0 : i32
    %dma_start3A_379 = tpu.memref_slice %arg4[%add3A_367, %dma_start3A_378] : memref<204800x64xf32, #tpu.memory_space<hbm>> -> memref<128x64xf32, #tpu.memory_space<hbm>>
    %dma_start3A_380 = arith.constant 0 : i32
    %dma_start3A_381 = arith.constant 0 : i32
    %dma_start3A_382 = tpu.memref_slice %arg6[%dma_start3A_368, %dma_start3A_380, %dma_start3A_381] : memref<10x128x64xf32, #tpu.memory_space<vmem>> -> memref<1x128x64xf32, #tpu.memory_space<vmem>>
    %dma_start3A_383 = tpu.memref_squeeze %dma_start3A_382 : memref<1x128x64xf32, #tpu.memory_space<vmem>> -> memref<128x64xf32, #tpu.memory_space<vmem>>
    tpu.enqueue_dma source(%dma_start3A_383 : memref<128x64xf32, #tpu.memory_space<vmem>>) target(%dma_start3A_379 : memref<128x64xf32, #tpu.memory_space<hbm>>) target_semaphore(%dma_start3A_377 : memref<!tpu.dma_semaphore, #tpu.memory_space<semaphore_mem>>)
    %dma_wait3A_384 = arith.constant 8 : i32
    %dma_wait3A_385 = arith.constant 8 : i32
    %dma_wait3A_386 = arith.constant 0 : i32
    %dma_wait3A_387 = arith.constant 0 : i32
    %dma_wait3A_388 = tpu.memref_slice %arg6[%dma_wait3A_384, %dma_wait3A_386, %dma_wait3A_387] : memref<10x128x64xf32, #tpu.memory_space<vmem>> -> memref<1x128x64xf32, #tpu.memory_space<vmem>>
    %dma_wait3A_389 = tpu.memref_squeeze %dma_wait3A_388 : memref<1x128x64xf32, #tpu.memory_space<vmem>> -> memref<128x64xf32, #tpu.memory_space<vmem>>
    %dma_wait3A_390 = arith.constant 1024 : i32
    %dma_wait3A_391 = tpu.memref_slice %arg5[%dma_wait3A_390] : memref<6400xi32, #tpu.memory_space<vmem>> -> memref<128xi32, #tpu.memory_space<vmem>>
    %dma_wait3A_392 = arith.constant 0 : i32
    %dma_wait3A_393 = arith.constant 0 : i32
    %dma_wait3A_394 = tpu.memref_slice %arg3[%dma_wait3A_392, %dma_wait3A_393] : memref<2000000x64xf32, #tpu.memory_space<hbm>> -> memref<2000000x64xf32, #tpu.memory_space<hbm>>
    %dma_wait3A_395 = tpu.memref_slice %arg7[%dma_wait3A_385] : memref<10x!tpu.dma_semaphore, #tpu.memory_space<semaphore_mem>> -> memref<1x!tpu.dma_semaphore, #tpu.memory_space<semaphore_mem>>
    %dma_wait3A_396 = tpu.memref_squeeze %dma_wait3A_395 : memref<1x!tpu.dma_semaphore, #tpu.memory_space<semaphore_mem>> -> memref<!tpu.dma_semaphore, #tpu.memory_space<semaphore_mem>>
    tpu.wait_indirect_dma semaphore(%dma_wait3A_396 : memref<!tpu.dma_semaphore, #tpu.memory_space<semaphore_mem>>) src(%dma_wait3A_394 : memref<2000000x64xf32, #tpu.memory_space<hbm>>) dst(%dma_wait3A_389 : memref<128x64xf32, #tpu.memory_space<vmem>>)
    %add3A_397 = arith.constant 1024 : i32
    %add3A_398 = arith.addi %multiple_of3A, %add3A_397 : i32
    %dma_start3A_399 = arith.constant 8 : i32
    %dma_start3A_400 = arith.constant 8 : i32
    %dma_start3A_401 = arith.constant 0 : i32
    %dma_start3A_402 = arith.constant 0 : i32
    %dma_start3A_403 = tpu.memref_slice %arg6[%dma_start3A_399, %dma_start3A_401, %dma_start3A_402] : memref<10x128x64xf32, #tpu.memory_space<vmem>> -> memref<1x128x64xf32, #tpu.memory_space<vmem>>
    %dma_start3A_404 = tpu.memref_squeeze %dma_start3A_403 : memref<1x128x64xf32, #tpu.memory_space<vmem>> -> memref<128x64xf32, #tpu.memory_space<vmem>>
    %dma_start3A_405 = arith.constant 0 : i32
    %dma_start3A_406 = tpu.memref_slice %arg4[%add3A_398, %dma_start3A_405] : memref<204800x64xf32, #tpu.memory_space<hbm>> -> memref<128x64xf32, #tpu.memory_space<hbm>>
    %dma_start3A_407 = tpu.memref_slice %arg8[%dma_start3A_400] : memref<10x!tpu.dma_semaphore, #tpu.memory_space<semaphore_mem>> -> memref<1x!tpu.dma_semaphore, #tpu.memory_space<semaphore_mem>>
    %dma_start3A_408 = tpu.memref_squeeze %dma_start3A_407 : memref<1x!tpu.dma_semaphore, #tpu.memory_space<semaphore_mem>> -> memref<!tpu.dma_semaphore, #tpu.memory_space<semaphore_mem>>
    %dma_start3A_409 = arith.constant 0 : i32
    %dma_start3A_410 = tpu.memref_slice %arg4[%add3A_398, %dma_start3A_409] : memref<204800x64xf32, #tpu.memory_space<hbm>> -> memref<128x64xf32, #tpu.memory_space<hbm>>
    %dma_start3A_411 = arith.constant 0 : i32
    %dma_start3A_412 = arith.constant 0 : i32
    %dma_start3A_413 = tpu.memref_slice %arg6[%dma_start3A_399, %dma_start3A_411, %dma_start3A_412] : memref<10x128x64xf32, #tpu.memory_space<vmem>> -> memref<1x128x64xf32, #tpu.memory_space<vmem>>
    %dma_start3A_414 = tpu.memref_squeeze %dma_start3A_413 : memref<1x128x64xf32, #tpu.memory_space<vmem>> -> memref<128x64xf32, #tpu.memory_space<vmem>>
    tpu.enqueue_dma source(%dma_start3A_414 : memref<128x64xf32, #tpu.memory_space<vmem>>) target(%dma_start3A_410 : memref<128x64xf32, #tpu.memory_space<hbm>>) target_semaphore(%dma_start3A_408 : memref<!tpu.dma_semaphore, #tpu.memory_space<semaphore_mem>>)
    %dma_wait3A_415 = arith.constant 9 : i32
    %dma_wait3A_416 = arith.constant 9 : i32
    %dma_wait3A_417 = arith.constant 0 : i32
    %dma_wait3A_418 = arith.constant 0 : i32
    %dma_wait3A_419 = tpu.memref_slice %arg6[%dma_wait3A_415, %dma_wait3A_417, %dma_wait3A_418] : memref<10x128x64xf32, #tpu.memory_space<vmem>> -> memref<1x128x64xf32, #tpu.memory_space<vmem>>
    %dma_wait3A_420 = tpu.memref_squeeze %dma_wait3A_419 : memref<1x128x64xf32, #tpu.memory_space<vmem>> -> memref<128x64xf32, #tpu.memory_space<vmem>>
    %dma_wait3A_421 = arith.constant 1152 : i32
    %dma_wait3A_422 = tpu.memref_slice %arg5[%dma_wait3A_421] : memref<6400xi32, #tpu.memory_space<vmem>> -> memref<128xi32, #tpu.memory_space<vmem>>
    %dma_wait3A_423 = arith.constant 0 : i32
    %dma_wait3A_424 = arith.constant 0 : i32
    %dma_wait3A_425 = tpu.memref_slice %arg3[%dma_wait3A_423, %dma_wait3A_424] : memref<2000000x64xf32, #tpu.memory_space<hbm>> -> memref<2000000x64xf32, #tpu.memory_space<hbm>>
    %dma_wait3A_426 = tpu.memref_slice %arg7[%dma_wait3A_416] : memref<10x!tpu.dma_semaphore, #tpu.memory_space<semaphore_mem>> -> memref<1x!tpu.dma_semaphore, #tpu.memory_space<semaphore_mem>>
    %dma_wait3A_427 = tpu.memref_squeeze %dma_wait3A_426 : memref<1x!tpu.dma_semaphore, #tpu.memory_space<semaphore_mem>> -> memref<!tpu.dma_semaphore, #tpu.memory_space<semaphore_mem>>
    tpu.wait_indirect_dma semaphore(%dma_wait3A_427 : memref<!tpu.dma_semaphore, #tpu.memory_space<semaphore_mem>>) src(%dma_wait3A_425 : memref<2000000x64xf32, #tpu.memory_space<hbm>>) dst(%dma_wait3A_420 : memref<128x64xf32, #tpu.memory_space<vmem>>)
    %add3A_428 = arith.constant 1152 : i32
    %add3A_429 = arith.addi %multiple_of3A, %add3A_428 : i32
    %dma_start3A_430 = arith.constant 9 : i32
    %dma_start3A_431 = arith.constant 9 : i32
    %dma_start3A_432 = arith.constant 0 : i32
    %dma_start3A_433 = arith.constant 0 : i32
    %dma_start3A_434 = tpu.memref_slice %arg6[%dma_start3A_430, %dma_start3A_432, %dma_start3A_433] : memref<10x128x64xf32, #tpu.memory_space<vmem>> -> memref<1x128x64xf32, #tpu.memory_space<vmem>>
    %dma_start3A_435 = tpu.memref_squeeze %dma_start3A_434 : memref<1x128x64xf32, #tpu.memory_space<vmem>> -> memref<128x64xf32, #tpu.memory_space<vmem>>
    %dma_start3A_436 = arith.constant 0 : i32
    %dma_start3A_437 = tpu.memref_slice %arg4[%add3A_429, %dma_start3A_436] : memref<204800x64xf32, #tpu.memory_space<hbm>> -> memref<128x64xf32, #tpu.memory_space<hbm>>
    %dma_start3A_438 = tpu.memref_slice %arg8[%dma_start3A_431] : memref<10x!tpu.dma_semaphore, #tpu.memory_space<semaphore_mem>> -> memref<1x!tpu.dma_semaphore, #tpu.memory_space<semaphore_mem>>
    %dma_start3A_439 = tpu.memref_squeeze %dma_start3A_438 : memref<1x!tpu.dma_semaphore, #tpu.memory_space<semaphore_mem>> -> memref<!tpu.dma_semaphore, #tpu.memory_space<semaphore_mem>>
    %dma_start3A_440 = arith.constant 0 : i32
    %dma_start3A_441 = tpu.memref_slice %arg4[%add3A_429, %dma_start3A_440] : memref<204800x64xf32, #tpu.memory_space<hbm>> -> memref<128x64xf32, #tpu.memory_space<hbm>>
    %dma_start3A_442 = arith.constant 0 : i32
    %dma_start3A_443 = arith.constant 0 : i32
    %dma_start3A_444 = tpu.memref_slice %arg6[%dma_start3A_430, %dma_start3A_442, %dma_start3A_443] : memref<10x128x64xf32, #tpu.memory_space<vmem>> -> memref<1x128x64xf32, #tpu.memory_space<vmem>>
    %dma_start3A_445 = tpu.memref_squeeze %dma_start3A_444 : memref<1x128x64xf32, #tpu.memory_space<vmem>> -> memref<128x64xf32, #tpu.memory_space<vmem>>
    tpu.enqueue_dma source(%dma_start3A_445 : memref<128x64xf32, #tpu.memory_space<vmem>>) target(%dma_start3A_441 : memref<128x64xf32, #tpu.memory_space<hbm>>) target_semaphore(%dma_start3A_439 : memref<!tpu.dma_semaphore, #tpu.memory_space<semaphore_mem>>)
    %scan3A_446 = arith.constant 0 : i32
    %scan3A_447 = arith.constant 1 : i32
    %scan3A_448 = arith.constant 4 : i32
    %scan3A_449 = arith.addi %scan3A_447, %scan3A_448 : i32
    %scan3A_450 = arith.constant 1 : i32
    scf.for %scan3A_612 = %scan3A_447 to %scan3A_449 step %scan3A_450  : i32 {
      %mul3A_613 = arith.constant 10 : i32
      %mul3A_614 = arith.muli %scan3A_612, %mul3A_613 : i32
      %dma_wait3A_615 = arith.constant 0 : i32
      %dma_wait3A_616 = arith.constant 0 : i32
      %dma_wait3A_617 = arith.constant 0 : i32
      %dma_wait3A_618 = arith.constant 0 : i32
      %dma_wait3A_619 = tpu.memref_slice %arg6[%dma_wait3A_615, %dma_wait3A_617, %dma_wait3A_618] : memref<10x128x64xf32, #tpu.memory_space<vmem>> -> memref<1x128x64xf32, #tpu.memory_space<vmem>>
      %dma_wait3A_620 = tpu.memref_squeeze %dma_wait3A_619 : memref<1x128x64xf32, #tpu.memory_space<vmem>> -> memref<128x64xf32, #tpu.memory_space<vmem>>
      %dma_wait3A_621 = arith.constant 0 : i32
      %dma_wait3A_622 = tpu.memref_slice %arg4[%multiple_of3A, %dma_wait3A_621] : memref<204800x64xf32, #tpu.memory_space<hbm>> -> memref<128x64xf32, #tpu.memory_space<hbm>>
      %dma_wait3A_623 = tpu.memref_slice %arg8[%dma_wait3A_616] : memref<10x!tpu.dma_semaphore, #tpu.memory_space<semaphore_mem>> -> memref<1x!tpu.dma_semaphore, #tpu.memory_space<semaphore_mem>>
      %dma_wait3A_624 = tpu.memref_squeeze %dma_wait3A_623 : memref<1x!tpu.dma_semaphore, #tpu.memory_space<semaphore_mem>> -> memref<!tpu.dma_semaphore, #tpu.memory_space<semaphore_mem>>
      %dma_wait3A_625 = arith.constant 0 : i32
      %dma_wait3A_626 = tpu.memref_slice %arg4[%multiple_of3A, %dma_wait3A_625] : memref<204800x64xf32, #tpu.memory_space<hbm>> -> memref<128x64xf32, #tpu.memory_space<hbm>>
      %dma_wait3A_627 = arith.constant 0 : i32
      %dma_wait3A_628 = arith.constant 0 : i32
      %dma_wait3A_629 = tpu.memref_slice %arg6[%dma_wait3A_615, %dma_wait3A_627, %dma_wait3A_628] : memref<10x128x64xf32, #tpu.memory_space<vmem>> -> memref<1x128x64xf32, #tpu.memory_space<vmem>>
      %dma_wait3A_630 = tpu.memref_squeeze %dma_wait3A_629 : memref<1x128x64xf32, #tpu.memory_space<vmem>> -> memref<128x64xf32, #tpu.memory_space<vmem>>
      tpu.wait_dma2 semaphore(%dma_wait3A_624 : memref<!tpu.dma_semaphore, #tpu.memory_space<semaphore_mem>>) src(%dma_wait3A_630 : memref<128x64xf32, #tpu.memory_space<vmem>>) dst(%dma_wait3A_626 : memref<128x64xf32, #tpu.memory_space<hbm>>)
      %add3A_631 = arith.constant 0 : i32
      %add3A_632 = arith.addi %mul3A_614, %add3A_631 : i32
      %mul3A_633 = arith.constant 128 : i32
      %mul3A_634 = arith.muli %add3A_632, %mul3A_633 : i32
      %dma_start3A_635 = arith.constant 0 : i32
      %dma_start3A_636 = arith.constant 0 : i32
      %dma_start3A_637 = arith.constant 0 : i32
      %dma_start3A_638 = arith.constant 0 : i32
      %dma_start3A_639 = tpu.memref_slice %arg6[%dma_start3A_635, %dma_start3A_637, %dma_start3A_638] : memref<10x128x64xf32, #tpu.memory_space<vmem>> -> memref<1x128x64xf32, #tpu.memory_space<vmem>>
      %dma_start3A_640 = tpu.memref_squeeze %dma_start3A_639 : memref<1x128x64xf32, #tpu.memory_space<vmem>> -> memref<128x64xf32, #tpu.memory_space<vmem>>
      %dma_start3A_641 = tpu.memref_slice %arg5[%mul3A_634] : memref<6400xi32, #tpu.memory_space<vmem>> -> memref<128xi32, #tpu.memory_space<vmem>>
      %dma_start3A_642 = arith.constant 0 : i32
      %dma_start3A_643 = arith.constant 0 : i32
      %dma_start3A_644 = tpu.memref_slice %arg3[%dma_start3A_642, %dma_start3A_643] : memref<2000000x64xf32, #tpu.memory_space<hbm>> -> memref<2000000x64xf32, #tpu.memory_space<hbm>>
      %dma_start3A_645 = tpu.memref_slice %arg7[%dma_start3A_636] : memref<10x!tpu.dma_semaphore, #tpu.memory_space<semaphore_mem>> -> memref<1x!tpu.dma_semaphore, #tpu.memory_space<semaphore_mem>>
      %dma_start3A_646 = tpu.memref_squeeze %dma_start3A_645 : memref<1x!tpu.dma_semaphore, #tpu.memory_space<semaphore_mem>> -> memref<!tpu.dma_semaphore, #tpu.memory_space<semaphore_mem>>
      tpu.enqueue_indirect_dma source(%dma_start3A_644 : memref<2000000x64xf32, #tpu.memory_space<hbm>>) target(%dma_start3A_640 : memref<128x64xf32, #tpu.memory_space<vmem>>) offsets(%dma_start3A_641 : memref<128xi32, #tpu.memory_space<vmem>>) semaphore(%dma_start3A_646 : memref<!tpu.dma_semaphore, #tpu.memory_space<semaphore_mem>>)
      %dma_wait3A_647 = arith.constant 1 : i32
      %dma_wait3A_648 = arith.constant 1 : i32
      %dma_wait3A_649 = arith.constant 0 : i32
      %dma_wait3A_650 = arith.constant 0 : i32
      %dma_wait3A_651 = tpu.memref_slice %arg6[%dma_wait3A_647, %dma_wait3A_649, %dma_wait3A_650] : memref<10x128x64xf32, #tpu.memory_space<vmem>> -> memref<1x128x64xf32, #tpu.memory_space<vmem>>
      %dma_wait3A_652 = tpu.memref_squeeze %dma_wait3A_651 : memref<1x128x64xf32, #tpu.memory_space<vmem>> -> memref<128x64xf32, #tpu.memory_space<vmem>>
      %dma_wait3A_653 = arith.constant 0 : i32
      %dma_wait3A_654 = tpu.memref_slice %arg4[%multiple_of3A, %dma_wait3A_653] : memref<204800x64xf32, #tpu.memory_space<hbm>> -> memref<128x64xf32, #tpu.memory_space<hbm>>
      %dma_wait3A_655 = tpu.memref_slice %arg8[%dma_wait3A_648] : memref<10x!tpu.dma_semaphore, #tpu.memory_space<semaphore_mem>> -> memref<1x!tpu.dma_semaphore, #tpu.memory_space<semaphore_mem>>
      %dma_wait3A_656 = tpu.memref_squeeze %dma_wait3A_655 : memref<1x!tpu.dma_semaphore, #tpu.memory_space<semaphore_mem>> -> memref<!tpu.dma_semaphore, #tpu.memory_space<semaphore_mem>>
      %dma_wait3A_657 = arith.constant 0 : i32
      %dma_wait3A_658 = tpu.memref_slice %arg4[%multiple_of3A, %dma_wait3A_657] : memref<204800x64xf32, #tpu.memory_space<hbm>> -> memref<128x64xf32, #tpu.memory_space<hbm>>
      %dma_wait3A_659 = arith.constant 0 : i32
      %dma_wait3A_660 = arith.constant 0 : i32
      %dma_wait3A_661 = tpu.memref_slice %arg6[%dma_wait3A_647, %dma_wait3A_659, %dma_wait3A_660] : memref<10x128x64xf32, #tpu.memory_space<vmem>> -> memref<1x128x64xf32, #tpu.memory_space<vmem>>
      %dma_wait3A_662 = tpu.memref_squeeze %dma_wait3A_661 : memref<1x128x64xf32, #tpu.memory_space<vmem>> -> memref<128x64xf32, #tpu.memory_space<vmem>>
      tpu.wait_dma2 semaphore(%dma_wait3A_656 : memref<!tpu.dma_semaphore, #tpu.memory_space<semaphore_mem>>) src(%dma_wait3A_662 : memref<128x64xf32, #tpu.memory_space<vmem>>) dst(%dma_wait3A_658 : memref<128x64xf32, #tpu.memory_space<hbm>>)
      %add3A_663 = arith.constant 1 : i32
      %add3A_664 = arith.addi %mul3A_614, %add3A_663 : i32
      %mul3A_665 = arith.constant 128 : i32
      %mul3A_666 = arith.muli %add3A_664, %mul3A_665 : i32
      %dma_start3A_667 = arith.constant 1 : i32
      %dma_start3A_668 = arith.constant 1 : i32
      %dma_start3A_669 = arith.constant 0 : i32
      %dma_start3A_670 = arith.constant 0 : i32
      %dma_start3A_671 = tpu.memref_slice %arg6[%dma_start3A_667, %dma_start3A_669, %dma_start3A_670] : memref<10x128x64xf32, #tpu.memory_space<vmem>> -> memref<1x128x64xf32, #tpu.memory_space<vmem>>
      %dma_start3A_672 = tpu.memref_squeeze %dma_start3A_671 : memref<1x128x64xf32, #tpu.memory_space<vmem>> -> memref<128x64xf32, #tpu.memory_space<vmem>>
      %dma_start3A_673 = tpu.memref_slice %arg5[%mul3A_666] : memref<6400xi32, #tpu.memory_space<vmem>> -> memref<128xi32, #tpu.memory_space<vmem>>
      %dma_start3A_674 = arith.constant 0 : i32
      %dma_start3A_675 = arith.constant 0 : i32
      %dma_start3A_676 = tpu.memref_slice %arg3[%dma_start3A_674, %dma_start3A_675] : memref<2000000x64xf32, #tpu.memory_space<hbm>> -> memref<2000000x64xf32, #tpu.memory_space<hbm>>
      %dma_start3A_677 = tpu.memref_slice %arg7[%dma_start3A_668] : memref<10x!tpu.dma_semaphore, #tpu.memory_space<semaphore_mem>> -> memref<1x!tpu.dma_semaphore, #tpu.memory_space<semaphore_mem>>
      %dma_start3A_678 = tpu.memref_squeeze %dma_start3A_677 : memref<1x!tpu.dma_semaphore, #tpu.memory_space<semaphore_mem>> -> memref<!tpu.dma_semaphore, #tpu.memory_space<semaphore_mem>>
      tpu.enqueue_indirect_dma source(%dma_start3A_676 : memref<2000000x64xf32, #tpu.memory_space<hbm>>) target(%dma_start3A_672 : memref<128x64xf32, #tpu.memory_space<vmem>>) offsets(%dma_start3A_673 : memref<128xi32, #tpu.memory_space<vmem>>) semaphore(%dma_start3A_678 : memref<!tpu.dma_semaphore, #tpu.memory_space<semaphore_mem>>)
      %dma_wait3A_679 = arith.constant 2 : i32
      %dma_wait3A_680 = arith.constant 2 : i32
      %dma_wait3A_681 = arith.constant 0 : i32
      %dma_wait3A_682 = arith.constant 0 : i32
      %dma_wait3A_683 = tpu.memref_slice %arg6[%dma_wait3A_679, %dma_wait3A_681, %dma_wait3A_682] : memref<10x128x64xf32, #tpu.memory_space<vmem>> -> memref<1x128x64xf32, #tpu.memory_space<vmem>>
      %dma_wait3A_684 = tpu.memref_squeeze %dma_wait3A_683 : memref<1x128x64xf32, #tpu.memory_space<vmem>> -> memref<128x64xf32, #tpu.memory_space<vmem>>
      %dma_wait3A_685 = arith.constant 0 : i32
      %dma_wait3A_686 = tpu.memref_slice %arg4[%multiple_of3A, %dma_wait3A_685] : memref<204800x64xf32, #tpu.memory_space<hbm>> -> memref<128x64xf32, #tpu.memory_space<hbm>>
      %dma_wait3A_687 = tpu.memref_slice %arg8[%dma_wait3A_680] : memref<10x!tpu.dma_semaphore, #tpu.memory_space<semaphore_mem>> -> memref<1x!tpu.dma_semaphore, #tpu.memory_space<semaphore_mem>>
      %dma_wait3A_688 = tpu.memref_squeeze %dma_wait3A_687 : memref<1x!tpu.dma_semaphore, #tpu.memory_space<semaphore_mem>> -> memref<!tpu.dma_semaphore, #tpu.memory_space<semaphore_mem>>
      %dma_wait3A_689 = arith.constant 0 : i32
      %dma_wait3A_690 = tpu.memref_slice %arg4[%multiple_of3A, %dma_wait3A_689] : memref<204800x64xf32, #tpu.memory_space<hbm>> -> memref<128x64xf32, #tpu.memory_space<hbm>>
      %dma_wait3A_691 = arith.constant 0 : i32
      %dma_wait3A_692 = arith.constant 0 : i32
      %dma_wait3A_693 = tpu.memref_slice %arg6[%dma_wait3A_679, %dma_wait3A_691, %dma_wait3A_692] : memref<10x128x64xf32, #tpu.memory_space<vmem>> -> memref<1x128x64xf32, #tpu.memory_space<vmem>>
      %dma_wait3A_694 = tpu.memref_squeeze %dma_wait3A_693 : memref<1x128x64xf32, #tpu.memory_space<vmem>> -> memref<128x64xf32, #tpu.memory_space<vmem>>
      tpu.wait_dma2 semaphore(%dma_wait3A_688 : memref<!tpu.dma_semaphore, #tpu.memory_space<semaphore_mem>>) src(%dma_wait3A_694 : memref<128x64xf32, #tpu.memory_space<vmem>>) dst(%dma_wait3A_690 : memref<128x64xf32, #tpu.memory_space<hbm>>)
      %add3A_695 = arith.constant 2 : i32
      %add3A_696 = arith.addi %mul3A_614, %add3A_695 : i32
      %mul3A_697 = arith.constant 128 : i32
      %mul3A_698 = arith.muli %add3A_696, %mul3A_697 : i32
      %dma_start3A_699 = arith.constant 2 : i32
      %dma_start3A_700 = arith.constant 2 : i32
      %dma_start3A_701 = arith.constant 0 : i32
      %dma_start3A_702 = arith.constant 0 : i32
      %dma_start3A_703 = tpu.memref_slice %arg6[%dma_start3A_699, %dma_start3A_701, %dma_start3A_702] : memref<10x128x64xf32, #tpu.memory_space<vmem>> -> memref<1x128x64xf32, #tpu.memory_space<vmem>>
      %dma_start3A_704 = tpu.memref_squeeze %dma_start3A_703 : memref<1x128x64xf32, #tpu.memory_space<vmem>> -> memref<128x64xf32, #tpu.memory_space<vmem>>
      %dma_start3A_705 = tpu.memref_slice %arg5[%mul3A_698] : memref<6400xi32, #tpu.memory_space<vmem>> -> memref<128xi32, #tpu.memory_space<vmem>>
      %dma_start3A_706 = arith.constant 0 : i32
      %dma_start3A_707 = arith.constant 0 : i32
      %dma_start3A_708 = tpu.memref_slice %arg3[%dma_start3A_706, %dma_start3A_707] : memref<2000000x64xf32, #tpu.memory_space<hbm>> -> memref<2000000x64xf32, #tpu.memory_space<hbm>>
      %dma_start3A_709 = tpu.memref_slice %arg7[%dma_start3A_700] : memref<10x!tpu.dma_semaphore, #tpu.memory_space<semaphore_mem>> -> memref<1x!tpu.dma_semaphore, #tpu.memory_space<semaphore_mem>>
      %dma_start3A_710 = tpu.memref_squeeze %dma_start3A_709 : memref<1x!tpu.dma_semaphore, #tpu.memory_space<semaphore_mem>> -> memref<!tpu.dma_semaphore, #tpu.memory_space<semaphore_mem>>
      tpu.enqueue_indirect_dma source(%dma_start3A_708 : memref<2000000x64xf32, #tpu.memory_space<hbm>>) target(%dma_start3A_704 : memref<128x64xf32, #tpu.memory_space<vmem>>) offsets(%dma_start3A_705 : memref<128xi32, #tpu.memory_space<vmem>>) semaphore(%dma_start3A_710 : memref<!tpu.dma_semaphore, #tpu.memory_space<semaphore_mem>>)
      %dma_wait3A_711 = arith.constant 3 : i32
      %dma_wait3A_712 = arith.constant 3 : i32
      %dma_wait3A_713 = arith.constant 0 : i32
      %dma_wait3A_714 = arith.constant 0 : i32
      %dma_wait3A_715 = tpu.memref_slice %arg6[%dma_wait3A_711, %dma_wait3A_713, %dma_wait3A_714] : memref<10x128x64xf32, #tpu.memory_space<vmem>> -> memref<1x128x64xf32, #tpu.memory_space<vmem>>
      %dma_wait3A_716 = tpu.memref_squeeze %dma_wait3A_715 : memref<1x128x64xf32, #tpu.memory_space<vmem>> -> memref<128x64xf32, #tpu.memory_space<vmem>>
      %dma_wait3A_717 = arith.constant 0 : i32
      %dma_wait3A_718 = tpu.memref_slice %arg4[%multiple_of3A, %dma_wait3A_717] : memref<204800x64xf32, #tpu.memory_space<hbm>> -> memref<128x64xf32, #tpu.memory_space<hbm>>
      %dma_wait3A_719 = tpu.memref_slice %arg8[%dma_wait3A_712] : memref<10x!tpu.dma_semaphore, #tpu.memory_space<semaphore_mem>> -> memref<1x!tpu.dma_semaphore, #tpu.memory_space<semaphore_mem>>
      %dma_wait3A_720 = tpu.memref_squeeze %dma_wait3A_719 : memref<1x!tpu.dma_semaphore, #tpu.memory_space<semaphore_mem>> -> memref<!tpu.dma_semaphore, #tpu.memory_space<semaphore_mem>>
      %dma_wait3A_721 = arith.constant 0 : i32
      %dma_wait3A_722 = tpu.memref_slice %arg4[%multiple_of3A, %dma_wait3A_721] : memref<204800x64xf32, #tpu.memory_space<hbm>> -> memref<128x64xf32, #tpu.memory_space<hbm>>
      %dma_wait3A_723 = arith.constant 0 : i32
      %dma_wait3A_724 = arith.constant 0 : i32
      %dma_wait3A_725 = tpu.memref_slice %arg6[%dma_wait3A_711, %dma_wait3A_723, %dma_wait3A_724] : memref<10x128x64xf32, #tpu.memory_space<vmem>> -> memref<1x128x64xf32, #tpu.memory_space<vmem>>
      %dma_wait3A_726 = tpu.memref_squeeze %dma_wait3A_725 : memref<1x128x64xf32, #tpu.memory_space<vmem>> -> memref<128x64xf32, #tpu.memory_space<vmem>>
      tpu.wait_dma2 semaphore(%dma_wait3A_720 : memref<!tpu.dma_semaphore, #tpu.memory_space<semaphore_mem>>) src(%dma_wait3A_726 : memref<128x64xf32, #tpu.memory_space<vmem>>) dst(%dma_wait3A_722 : memref<128x64xf32, #tpu.memory_space<hbm>>)
      %add3A_727 = arith.constant 3 : i32
      %add3A_728 = arith.addi %mul3A_614, %add3A_727 : i32
      %mul3A_729 = arith.constant 128 : i32
      %mul3A_730 = arith.muli %add3A_728, %mul3A_729 : i32
      %dma_start3A_731 = arith.constant 3 : i32
      %dma_start3A_732 = arith.constant 3 : i32
      %dma_start3A_733 = arith.constant 0 : i32
      %dma_start3A_734 = arith.constant 0 : i32
      %dma_start3A_735 = tpu.memref_slice %arg6[%dma_start3A_731, %dma_start3A_733, %dma_start3A_734] : memref<10x128x64xf32, #tpu.memory_space<vmem>> -> memref<1x128x64xf32, #tpu.memory_space<vmem>>
      %dma_start3A_736 = tpu.memref_squeeze %dma_start3A_735 : memref<1x128x64xf32, #tpu.memory_space<vmem>> -> memref<128x64xf32, #tpu.memory_space<vmem>>
      %dma_start3A_737 = tpu.memref_slice %arg5[%mul3A_730] : memref<6400xi32, #tpu.memory_space<vmem>> -> memref<128xi32, #tpu.memory_space<vmem>>
      %dma_start3A_738 = arith.constant 0 : i32
      %dma_start3A_739 = arith.constant 0 : i32
      %dma_start3A_740 = tpu.memref_slice %arg3[%dma_start3A_738, %dma_start3A_739] : memref<2000000x64xf32, #tpu.memory_space<hbm>> -> memref<2000000x64xf32, #tpu.memory_space<hbm>>
      %dma_start3A_741 = tpu.memref_slice %arg7[%dma_start3A_732] : memref<10x!tpu.dma_semaphore, #tpu.memory_space<semaphore_mem>> -> memref<1x!tpu.dma_semaphore, #tpu.memory_space<semaphore_mem>>
      %dma_start3A_742 = tpu.memref_squeeze %dma_start3A_741 : memref<1x!tpu.dma_semaphore, #tpu.memory_space<semaphore_mem>> -> memref<!tpu.dma_semaphore, #tpu.memory_space<semaphore_mem>>
      tpu.enqueue_indirect_dma source(%dma_start3A_740 : memref<2000000x64xf32, #tpu.memory_space<hbm>>) target(%dma_start3A_736 : memref<128x64xf32, #tpu.memory_space<vmem>>) offsets(%dma_start3A_737 : memref<128xi32, #tpu.memory_space<vmem>>) semaphore(%dma_start3A_742 : memref<!tpu.dma_semaphore, #tpu.memory_space<semaphore_mem>>)
      %dma_wait3A_743 = arith.constant 4 : i32
      %dma_wait3A_744 = arith.constant 4 : i32
      %dma_wait3A_745 = arith.constant 0 : i32
      %dma_wait3A_746 = arith.constant 0 : i32
      %dma_wait3A_747 = tpu.memref_slice %arg6[%dma_wait3A_743, %dma_wait3A_745, %dma_wait3A_746] : memref<10x128x64xf32, #tpu.memory_space<vmem>> -> memref<1x128x64xf32, #tpu.memory_space<vmem>>
      %dma_wait3A_748 = tpu.memref_squeeze %dma_wait3A_747 : memref<1x128x64xf32, #tpu.memory_space<vmem>> -> memref<128x64xf32, #tpu.memory_space<vmem>>
      %dma_wait3A_749 = arith.constant 0 : i32
      %dma_wait3A_750 = tpu.memref_slice %arg4[%multiple_of3A, %dma_wait3A_749] : memref<204800x64xf32, #tpu.memory_space<hbm>> -> memref<128x64xf32, #tpu.memory_space<hbm>>
      %dma_wait3A_751 = tpu.memref_slice %arg8[%dma_wait3A_744] : memref<10x!tpu.dma_semaphore, #tpu.memory_space<semaphore_mem>> -> memref<1x!tpu.dma_semaphore, #tpu.memory_space<semaphore_mem>>
      %dma_wait3A_752 = tpu.memref_squeeze %dma_wait3A_751 : memref<1x!tpu.dma_semaphore, #tpu.memory_space<semaphore_mem>> -> memref<!tpu.dma_semaphore, #tpu.memory_space<semaphore_mem>>
      %dma_wait3A_753 = arith.constant 0 : i32
      %dma_wait3A_754 = tpu.memref_slice %arg4[%multiple_of3A, %dma_wait3A_753] : memref<204800x64xf32, #tpu.memory_space<hbm>> -> memref<128x64xf32, #tpu.memory_space<hbm>>
      %dma_wait3A_755 = arith.constant 0 : i32
      %dma_wait3A_756 = arith.constant 0 : i32
      %dma_wait3A_757 = tpu.memref_slice %arg6[%dma_wait3A_743, %dma_wait3A_755, %dma_wait3A_756] : memref<10x128x64xf32, #tpu.memory_space<vmem>> -> memref<1x128x64xf32, #tpu.memory_space<vmem>>
      %dma_wait3A_758 = tpu.memref_squeeze %dma_wait3A_757 : memref<1x128x64xf32, #tpu.memory_space<vmem>> -> memref<128x64xf32, #tpu.memory_space<vmem>>
      tpu.wait_dma2 semaphore(%dma_wait3A_752 : memref<!tpu.dma_semaphore, #tpu.memory_space<semaphore_mem>>) src(%dma_wait3A_758 : memref<128x64xf32, #tpu.memory_space<vmem>>) dst(%dma_wait3A_754 : memref<128x64xf32, #tpu.memory_space<hbm>>)
      %add3A_759 = arith.constant 4 : i32
      %add3A_760 = arith.addi %mul3A_614, %add3A_759 : i32
      %mul3A_761 = arith.constant 128 : i32
      %mul3A_762 = arith.muli %add3A_760, %mul3A_761 : i32
      %dma_start3A_763 = arith.constant 4 : i32
      %dma_start3A_764 = arith.constant 4 : i32
      %dma_start3A_765 = arith.constant 0 : i32
      %dma_start3A_766 = arith.constant 0 : i32
      %dma_start3A_767 = tpu.memref_slice %arg6[%dma_start3A_763, %dma_start3A_765, %dma_start3A_766] : memref<10x128x64xf32, #tpu.memory_space<vmem>> -> memref<1x128x64xf32, #tpu.memory_space<vmem>>
      %dma_start3A_768 = tpu.memref_squeeze %dma_start3A_767 : memref<1x128x64xf32, #tpu.memory_space<vmem>> -> memref<128x64xf32, #tpu.memory_space<vmem>>
      %dma_start3A_769 = tpu.memref_slice %arg5[%mul3A_762] : memref<6400xi32, #tpu.memory_space<vmem>> -> memref<128xi32, #tpu.memory_space<vmem>>
      %dma_start3A_770 = arith.constant 0 : i32
      %dma_start3A_771 = arith.constant 0 : i32
      %dma_start3A_772 = tpu.memref_slice %arg3[%dma_start3A_770, %dma_start3A_771] : memref<2000000x64xf32, #tpu.memory_space<hbm>> -> memref<2000000x64xf32, #tpu.memory_space<hbm>>
      %dma_start3A_773 = tpu.memref_slice %arg7[%dma_start3A_764] : memref<10x!tpu.dma_semaphore, #tpu.memory_space<semaphore_mem>> -> memref<1x!tpu.dma_semaphore, #tpu.memory_space<semaphore_mem>>
      %dma_start3A_774 = tpu.memref_squeeze %dma_start3A_773 : memref<1x!tpu.dma_semaphore, #tpu.memory_space<semaphore_mem>> -> memref<!tpu.dma_semaphore, #tpu.memory_space<semaphore_mem>>
      tpu.enqueue_indirect_dma source(%dma_start3A_772 : memref<2000000x64xf32, #tpu.memory_space<hbm>>) target(%dma_start3A_768 : memref<128x64xf32, #tpu.memory_space<vmem>>) offsets(%dma_start3A_769 : memref<128xi32, #tpu.memory_space<vmem>>) semaphore(%dma_start3A_774 : memref<!tpu.dma_semaphore, #tpu.memory_space<semaphore_mem>>)
      %dma_wait3A_775 = arith.constant 5 : i32
      %dma_wait3A_776 = arith.constant 5 : i32
      %dma_wait3A_777 = arith.constant 0 : i32
      %dma_wait3A_778 = arith.constant 0 : i32
      %dma_wait3A_779 = tpu.memref_slice %arg6[%dma_wait3A_775, %dma_wait3A_777, %dma_wait3A_778] : memref<10x128x64xf32, #tpu.memory_space<vmem>> -> memref<1x128x64xf32, #tpu.memory_space<vmem>>
      %dma_wait3A_780 = tpu.memref_squeeze %dma_wait3A_779 : memref<1x128x64xf32, #tpu.memory_space<vmem>> -> memref<128x64xf32, #tpu.memory_space<vmem>>
      %dma_wait3A_781 = arith.constant 0 : i32
      %dma_wait3A_782 = tpu.memref_slice %arg4[%multiple_of3A, %dma_wait3A_781] : memref<204800x64xf32, #tpu.memory_space<hbm>> -> memref<128x64xf32, #tpu.memory_space<hbm>>
      %dma_wait3A_783 = tpu.memref_slice %arg8[%dma_wait3A_776] : memref<10x!tpu.dma_semaphore, #tpu.memory_space<semaphore_mem>> -> memref<1x!tpu.dma_semaphore, #tpu.memory_space<semaphore_mem>>
      %dma_wait3A_784 = tpu.memref_squeeze %dma_wait3A_783 : memref<1x!tpu.dma_semaphore, #tpu.memory_space<semaphore_mem>> -> memref<!tpu.dma_semaphore, #tpu.memory_space<semaphore_mem>>
      %dma_wait3A_785 = arith.constant 0 : i32
      %dma_wait3A_786 = tpu.memref_slice %arg4[%multiple_of3A, %dma_wait3A_785] : memref<204800x64xf32, #tpu.memory_space<hbm>> -> memref<128x64xf32, #tpu.memory_space<hbm>>
      %dma_wait3A_787 = arith.constant 0 : i32
      %dma_wait3A_788 = arith.constant 0 : i32
      %dma_wait3A_789 = tpu.memref_slice %arg6[%dma_wait3A_775, %dma_wait3A_787, %dma_wait3A_788] : memref<10x128x64xf32, #tpu.memory_space<vmem>> -> memref<1x128x64xf32, #tpu.memory_space<vmem>>
      %dma_wait3A_790 = tpu.memref_squeeze %dma_wait3A_789 : memref<1x128x64xf32, #tpu.memory_space<vmem>> -> memref<128x64xf32, #tpu.memory_space<vmem>>
      tpu.wait_dma2 semaphore(%dma_wait3A_784 : memref<!tpu.dma_semaphore, #tpu.memory_space<semaphore_mem>>) src(%dma_wait3A_790 : memref<128x64xf32, #tpu.memory_space<vmem>>) dst(%dma_wait3A_786 : memref<128x64xf32, #tpu.memory_space<hbm>>)
      %add3A_791 = arith.constant 5 : i32
      %add3A_792 = arith.addi %mul3A_614, %add3A_791 : i32
      %mul3A_793 = arith.constant 128 : i32
      %mul3A_794 = arith.muli %add3A_792, %mul3A_793 : i32
      %dma_start3A_795 = arith.constant 5 : i32
      %dma_start3A_796 = arith.constant 5 : i32
      %dma_start3A_797 = arith.constant 0 : i32
      %dma_start3A_798 = arith.constant 0 : i32
      %dma_start3A_799 = tpu.memref_slice %arg6[%dma_start3A_795, %dma_start3A_797, %dma_start3A_798] : memref<10x128x64xf32, #tpu.memory_space<vmem>> -> memref<1x128x64xf32, #tpu.memory_space<vmem>>
      %dma_start3A_800 = tpu.memref_squeeze %dma_start3A_799 : memref<1x128x64xf32, #tpu.memory_space<vmem>> -> memref<128x64xf32, #tpu.memory_space<vmem>>
      %dma_start3A_801 = tpu.memref_slice %arg5[%mul3A_794] : memref<6400xi32, #tpu.memory_space<vmem>> -> memref<128xi32, #tpu.memory_space<vmem>>
      %dma_start3A_802 = arith.constant 0 : i32
      %dma_start3A_803 = arith.constant 0 : i32
      %dma_start3A_804 = tpu.memref_slice %arg3[%dma_start3A_802, %dma_start3A_803] : memref<2000000x64xf32, #tpu.memory_space<hbm>> -> memref<2000000x64xf32, #tpu.memory_space<hbm>>
      %dma_start3A_805 = tpu.memref_slice %arg7[%dma_start3A_796] : memref<10x!tpu.dma_semaphore, #tpu.memory_space<semaphore_mem>> -> memref<1x!tpu.dma_semaphore, #tpu.memory_space<semaphore_mem>>
      %dma_start3A_806 = tpu.memref_squeeze %dma_start3A_805 : memref<1x!tpu.dma_semaphore, #tpu.memory_space<semaphore_mem>> -> memref<!tpu.dma_semaphore, #tpu.memory_space<semaphore_mem>>
      tpu.enqueue_indirect_dma source(%dma_start3A_804 : memref<2000000x64xf32, #tpu.memory_space<hbm>>) target(%dma_start3A_800 : memref<128x64xf32, #tpu.memory_space<vmem>>) offsets(%dma_start3A_801 : memref<128xi32, #tpu.memory_space<vmem>>) semaphore(%dma_start3A_806 : memref<!tpu.dma_semaphore, #tpu.memory_space<semaphore_mem>>)
      %dma_wait3A_807 = arith.constant 6 : i32
      %dma_wait3A_808 = arith.constant 6 : i32
      %dma_wait3A_809 = arith.constant 0 : i32
      %dma_wait3A_810 = arith.constant 0 : i32
      %dma_wait3A_811 = tpu.memref_slice %arg6[%dma_wait3A_807, %dma_wait3A_809, %dma_wait3A_810] : memref<10x128x64xf32, #tpu.memory_space<vmem>> -> memref<1x128x64xf32, #tpu.memory_space<vmem>>
      %dma_wait3A_812 = tpu.memref_squeeze %dma_wait3A_811 : memref<1x128x64xf32, #tpu.memory_space<vmem>> -> memref<128x64xf32, #tpu.memory_space<vmem>>
      %dma_wait3A_813 = arith.constant 0 : i32
      %dma_wait3A_814 = tpu.memref_slice %arg4[%multiple_of3A, %dma_wait3A_813] : memref<204800x64xf32, #tpu.memory_space<hbm>> -> memref<128x64xf32, #tpu.memory_space<hbm>>
      %dma_wait3A_815 = tpu.memref_slice %arg8[%dma_wait3A_808] : memref<10x!tpu.dma_semaphore, #tpu.memory_space<semaphore_mem>> -> memref<1x!tpu.dma_semaphore, #tpu.memory_space<semaphore_mem>>
      %dma_wait3A_816 = tpu.memref_squeeze %dma_wait3A_815 : memref<1x!tpu.dma_semaphore, #tpu.memory_space<semaphore_mem>> -> memref<!tpu.dma_semaphore, #tpu.memory_space<semaphore_mem>>
      %dma_wait3A_817 = arith.constant 0 : i32
      %dma_wait3A_818 = tpu.memref_slice %arg4[%multiple_of3A, %dma_wait3A_817] : memref<204800x64xf32, #tpu.memory_space<hbm>> -> memref<128x64xf32, #tpu.memory_space<hbm>>
      %dma_wait3A_819 = arith.constant 0 : i32
      %dma_wait3A_820 = arith.constant 0 : i32
      %dma_wait3A_821 = tpu.memref_slice %arg6[%dma_wait3A_807, %dma_wait3A_819, %dma_wait3A_820] : memref<10x128x64xf32, #tpu.memory_space<vmem>> -> memref<1x128x64xf32, #tpu.memory_space<vmem>>
      %dma_wait3A_822 = tpu.memref_squeeze %dma_wait3A_821 : memref<1x128x64xf32, #tpu.memory_space<vmem>> -> memref<128x64xf32, #tpu.memory_space<vmem>>
      tpu.wait_dma2 semaphore(%dma_wait3A_816 : memref<!tpu.dma_semaphore, #tpu.memory_space<semaphore_mem>>) src(%dma_wait3A_822 : memref<128x64xf32, #tpu.memory_space<vmem>>) dst(%dma_wait3A_818 : memref<128x64xf32, #tpu.memory_space<hbm>>)
      %add3A_823 = arith.constant 6 : i32
      %add3A_824 = arith.addi %mul3A_614, %add3A_823 : i32
      %mul3A_825 = arith.constant 128 : i32
      %mul3A_826 = arith.muli %add3A_824, %mul3A_825 : i32
      %dma_start3A_827 = arith.constant 6 : i32
      %dma_start3A_828 = arith.constant 6 : i32
      %dma_start3A_829 = arith.constant 0 : i32
      %dma_start3A_830 = arith.constant 0 : i32
      %dma_start3A_831 = tpu.memref_slice %arg6[%dma_start3A_827, %dma_start3A_829, %dma_start3A_830] : memref<10x128x64xf32, #tpu.memory_space<vmem>> -> memref<1x128x64xf32, #tpu.memory_space<vmem>>
      %dma_start3A_832 = tpu.memref_squeeze %dma_start3A_831 : memref<1x128x64xf32, #tpu.memory_space<vmem>> -> memref<128x64xf32, #tpu.memory_space<vmem>>
      %dma_start3A_833 = tpu.memref_slice %arg5[%mul3A_826] : memref<6400xi32, #tpu.memory_space<vmem>> -> memref<128xi32, #tpu.memory_space<vmem>>
      %dma_start3A_834 = arith.constant 0 : i32
      %dma_start3A_835 = arith.constant 0 : i32
      %dma_start3A_836 = tpu.memref_slice %arg3[%dma_start3A_834, %dma_start3A_835] : memref<2000000x64xf32, #tpu.memory_space<hbm>> -> memref<2000000x64xf32, #tpu.memory_space<hbm>>
      %dma_start3A_837 = tpu.memref_slice %arg7[%dma_start3A_828] : memref<10x!tpu.dma_semaphore, #tpu.memory_space<semaphore_mem>> -> memref<1x!tpu.dma_semaphore, #tpu.memory_space<semaphore_mem>>
      %dma_start3A_838 = tpu.memref_squeeze %dma_start3A_837 : memref<1x!tpu.dma_semaphore, #tpu.memory_space<semaphore_mem>> -> memref<!tpu.dma_semaphore, #tpu.memory_space<semaphore_mem>>
      tpu.enqueue_indirect_dma source(%dma_start3A_836 : memref<2000000x64xf32, #tpu.memory_space<hbm>>) target(%dma_start3A_832 : memref<128x64xf32, #tpu.memory_space<vmem>>) offsets(%dma_start3A_833 : memref<128xi32, #tpu.memory_space<vmem>>) semaphore(%dma_start3A_838 : memref<!tpu.dma_semaphore, #tpu.memory_space<semaphore_mem>>)
      %dma_wait3A_839 = arith.constant 7 : i32
      %dma_wait3A_840 = arith.constant 7 : i32
      %dma_wait3A_841 = arith.constant 0 : i32
      %dma_wait3A_842 = arith.constant 0 : i32
      %dma_wait3A_843 = tpu.memref_slice %arg6[%dma_wait3A_839, %dma_wait3A_841, %dma_wait3A_842] : memref<10x128x64xf32, #tpu.memory_space<vmem>> -> memref<1x128x64xf32, #tpu.memory_space<vmem>>
      %dma_wait3A_844 = tpu.memref_squeeze %dma_wait3A_843 : memref<1x128x64xf32, #tpu.memory_space<vmem>> -> memref<128x64xf32, #tpu.memory_space<vmem>>
      %dma_wait3A_845 = arith.constant 0 : i32
      %dma_wait3A_846 = tpu.memref_slice %arg4[%multiple_of3A, %dma_wait3A_845] : memref<204800x64xf32, #tpu.memory_space<hbm>> -> memref<128x64xf32, #tpu.memory_space<hbm>>
      %dma_wait3A_847 = tpu.memref_slice %arg8[%dma_wait3A_840] : memref<10x!tpu.dma_semaphore, #tpu.memory_space<semaphore_mem>> -> memref<1x!tpu.dma_semaphore, #tpu.memory_space<semaphore_mem>>
      %dma_wait3A_848 = tpu.memref_squeeze %dma_wait3A_847 : memref<1x!tpu.dma_semaphore, #tpu.memory_space<semaphore_mem>> -> memref<!tpu.dma_semaphore, #tpu.memory_space<semaphore_mem>>
      %dma_wait3A_849 = arith.constant 0 : i32
      %dma_wait3A_850 = tpu.memref_slice %arg4[%multiple_of3A, %dma_wait3A_849] : memref<204800x64xf32, #tpu.memory_space<hbm>> -> memref<128x64xf32, #tpu.memory_space<hbm>>
      %dma_wait3A_851 = arith.constant 0 : i32
      %dma_wait3A_852 = arith.constant 0 : i32
      %dma_wait3A_853 = tpu.memref_slice %arg6[%dma_wait3A_839, %dma_wait3A_851, %dma_wait3A_852] : memref<10x128x64xf32, #tpu.memory_space<vmem>> -> memref<1x128x64xf32, #tpu.memory_space<vmem>>
      %dma_wait3A_854 = tpu.memref_squeeze %dma_wait3A_853 : memref<1x128x64xf32, #tpu.memory_space<vmem>> -> memref<128x64xf32, #tpu.memory_space<vmem>>
      tpu.wait_dma2 semaphore(%dma_wait3A_848 : memref<!tpu.dma_semaphore, #tpu.memory_space<semaphore_mem>>) src(%dma_wait3A_854 : memref<128x64xf32, #tpu.memory_space<vmem>>) dst(%dma_wait3A_850 : memref<128x64xf32, #tpu.memory_space<hbm>>)
      %add3A_855 = arith.constant 7 : i32
      %add3A_856 = arith.addi %mul3A_614, %add3A_855 : i32
      %mul3A_857 = arith.constant 128 : i32
      %mul3A_858 = arith.muli %add3A_856, %mul3A_857 : i32
      %dma_start3A_859 = arith.constant 7 : i32
      %dma_start3A_860 = arith.constant 7 : i32
      %dma_start3A_861 = arith.constant 0 : i32
      %dma_start3A_862 = arith.constant 0 : i32
      %dma_start3A_863 = tpu.memref_slice %arg6[%dma_start3A_859, %dma_start3A_861, %dma_start3A_862] : memref<10x128x64xf32, #tpu.memory_space<vmem>> -> memref<1x128x64xf32, #tpu.memory_space<vmem>>
      %dma_start3A_864 = tpu.memref_squeeze %dma_start3A_863 : memref<1x128x64xf32, #tpu.memory_space<vmem>> -> memref<128x64xf32, #tpu.memory_space<vmem>>
      %dma_start3A_865 = tpu.memref_slice %arg5[%mul3A_858] : memref<6400xi32, #tpu.memory_space<vmem>> -> memref<128xi32, #tpu.memory_space<vmem>>
      %dma_start3A_866 = arith.constant 0 : i32
      %dma_start3A_867 = arith.constant 0 : i32
      %dma_start3A_868 = tpu.memref_slice %arg3[%dma_start3A_866, %dma_start3A_867] : memref<2000000x64xf32, #tpu.memory_space<hbm>> -> memref<2000000x64xf32, #tpu.memory_space<hbm>>
      %dma_start3A_869 = tpu.memref_slice %arg7[%dma_start3A_860] : memref<10x!tpu.dma_semaphore, #tpu.memory_space<semaphore_mem>> -> memref<1x!tpu.dma_semaphore, #tpu.memory_space<semaphore_mem>>
      %dma_start3A_870 = tpu.memref_squeeze %dma_start3A_869 : memref<1x!tpu.dma_semaphore, #tpu.memory_space<semaphore_mem>> -> memref<!tpu.dma_semaphore, #tpu.memory_space<semaphore_mem>>
      tpu.enqueue_indirect_dma source(%dma_start3A_868 : memref<2000000x64xf32, #tpu.memory_space<hbm>>) target(%dma_start3A_864 : memref<128x64xf32, #tpu.memory_space<vmem>>) offsets(%dma_start3A_865 : memref<128xi32, #tpu.memory_space<vmem>>) semaphore(%dma_start3A_870 : memref<!tpu.dma_semaphore, #tpu.memory_space<semaphore_mem>>)
      %dma_wait3A_871 = arith.constant 8 : i32
      %dma_wait3A_872 = arith.constant 8 : i32
      %dma_wait3A_873 = arith.constant 0 : i32
      %dma_wait3A_874 = arith.constant 0 : i32
      %dma_wait3A_875 = tpu.memref_slice %arg6[%dma_wait3A_871, %dma_wait3A_873, %dma_wait3A_874] : memref<10x128x64xf32, #tpu.memory_space<vmem>> -> memref<1x128x64xf32, #tpu.memory_space<vmem>>
      %dma_wait3A_876 = tpu.memref_squeeze %dma_wait3A_875 : memref<1x128x64xf32, #tpu.memory_space<vmem>> -> memref<128x64xf32, #tpu.memory_space<vmem>>
      %dma_wait3A_877 = arith.constant 0 : i32
      %dma_wait3A_878 = tpu.memref_slice %arg4[%multiple_of3A, %dma_wait3A_877] : memref<204800x64xf32, #tpu.memory_space<hbm>> -> memref<128x64xf32, #tpu.memory_space<hbm>>
      %dma_wait3A_879 = tpu.memref_slice %arg8[%dma_wait3A_872] : memref<10x!tpu.dma_semaphore, #tpu.memory_space<semaphore_mem>> -> memref<1x!tpu.dma_semaphore, #tpu.memory_space<semaphore_mem>>
      %dma_wait3A_880 = tpu.memref_squeeze %dma_wait3A_879 : memref<1x!tpu.dma_semaphore, #tpu.memory_space<semaphore_mem>> -> memref<!tpu.dma_semaphore, #tpu.memory_space<semaphore_mem>>
      %dma_wait3A_881 = arith.constant 0 : i32
      %dma_wait3A_882 = tpu.memref_slice %arg4[%multiple_of3A, %dma_wait3A_881] : memref<204800x64xf32, #tpu.memory_space<hbm>> -> memref<128x64xf32, #tpu.memory_space<hbm>>
      %dma_wait3A_883 = arith.constant 0 : i32
      %dma_wait3A_884 = arith.constant 0 : i32
      %dma_wait3A_885 = tpu.memref_slice %arg6[%dma_wait3A_871, %dma_wait3A_883, %dma_wait3A_884] : memref<10x128x64xf32, #tpu.memory_space<vmem>> -> memref<1x128x64xf32, #tpu.memory_space<vmem>>
      %dma_wait3A_886 = tpu.memref_squeeze %dma_wait3A_885 : memref<1x128x64xf32, #tpu.memory_space<vmem>> -> memref<128x64xf32, #tpu.memory_space<vmem>>
      tpu.wait_dma2 semaphore(%dma_wait3A_880 : memref<!tpu.dma_semaphore, #tpu.memory_space<semaphore_mem>>) src(%dma_wait3A_886 : memref<128x64xf32, #tpu.memory_space<vmem>>) dst(%dma_wait3A_882 : memref<128x64xf32, #tpu.memory_space<hbm>>)
      %add3A_887 = arith.constant 8 : i32
      %add3A_888 = arith.addi %mul3A_614, %add3A_887 : i32
      %mul3A_889 = arith.constant 128 : i32
      %mul3A_890 = arith.muli %add3A_888, %mul3A_889 : i32
      %dma_start3A_891 = arith.constant 8 : i32
      %dma_start3A_892 = arith.constant 8 : i32
      %dma_start3A_893 = arith.constant 0 : i32
      %dma_start3A_894 = arith.constant 0 : i32
      %dma_start3A_895 = tpu.memref_slice %arg6[%dma_start3A_891, %dma_start3A_893, %dma_start3A_894] : memref<10x128x64xf32, #tpu.memory_space<vmem>> -> memref<1x128x64xf32, #tpu.memory_space<vmem>>
      %dma_start3A_896 = tpu.memref_squeeze %dma_start3A_895 : memref<1x128x64xf32, #tpu.memory_space<vmem>> -> memref<128x64xf32, #tpu.memory_space<vmem>>
      %dma_start3A_897 = tpu.memref_slice %arg5[%mul3A_890] : memref<6400xi32, #tpu.memory_space<vmem>> -> memref<128xi32, #tpu.memory_space<vmem>>
      %dma_start3A_898 = arith.constant 0 : i32
      %dma_start3A_899 = arith.constant 0 : i32
      %dma_start3A_900 = tpu.memref_slice %arg3[%dma_start3A_898, %dma_start3A_899] : memref<2000000x64xf32, #tpu.memory_space<hbm>> -> memref<2000000x64xf32, #tpu.memory_space<hbm>>
      %dma_start3A_901 = tpu.memref_slice %arg7[%dma_start3A_892] : memref<10x!tpu.dma_semaphore, #tpu.memory_space<semaphore_mem>> -> memref<1x!tpu.dma_semaphore, #tpu.memory_space<semaphore_mem>>
      %dma_start3A_902 = tpu.memref_squeeze %dma_start3A_901 : memref<1x!tpu.dma_semaphore, #tpu.memory_space<semaphore_mem>> -> memref<!tpu.dma_semaphore, #tpu.memory_space<semaphore_mem>>
      tpu.enqueue_indirect_dma source(%dma_start3A_900 : memref<2000000x64xf32, #tpu.memory_space<hbm>>) target(%dma_start3A_896 : memref<128x64xf32, #tpu.memory_space<vmem>>) offsets(%dma_start3A_897 : memref<128xi32, #tpu.memory_space<vmem>>) semaphore(%dma_start3A_902 : memref<!tpu.dma_semaphore, #tpu.memory_space<semaphore_mem>>)
      %dma_wait3A_903 = arith.constant 9 : i32
      %dma_wait3A_904 = arith.constant 9 : i32
      %dma_wait3A_905 = arith.constant 0 : i32
      %dma_wait3A_906 = arith.constant 0 : i32
      %dma_wait3A_907 = tpu.memref_slice %arg6[%dma_wait3A_903, %dma_wait3A_905, %dma_wait3A_906] : memref<10x128x64xf32, #tpu.memory_space<vmem>> -> memref<1x128x64xf32, #tpu.memory_space<vmem>>
      %dma_wait3A_908 = tpu.memref_squeeze %dma_wait3A_907 : memref<1x128x64xf32, #tpu.memory_space<vmem>> -> memref<128x64xf32, #tpu.memory_space<vmem>>
      %dma_wait3A_909 = arith.constant 0 : i32
      %dma_wait3A_910 = tpu.memref_slice %arg4[%multiple_of3A, %dma_wait3A_909] : memref<204800x64xf32, #tpu.memory_space<hbm>> -> memref<128x64xf32, #tpu.memory_space<hbm>>
      %dma_wait3A_911 = tpu.memref_slice %arg8[%dma_wait3A_904] : memref<10x!tpu.dma_semaphore, #tpu.memory_space<semaphore_mem>> -> memref<1x!tpu.dma_semaphore, #tpu.memory_space<semaphore_mem>>
      %dma_wait3A_912 = tpu.memref_squeeze %dma_wait3A_911 : memref<1x!tpu.dma_semaphore, #tpu.memory_space<semaphore_mem>> -> memref<!tpu.dma_semaphore, #tpu.memory_space<semaphore_mem>>
      %dma_wait3A_913 = arith.constant 0 : i32
      %dma_wait3A_914 = tpu.memref_slice %arg4[%multiple_of3A, %dma_wait3A_913] : memref<204800x64xf32, #tpu.memory_space<hbm>> -> memref<128x64xf32, #tpu.memory_space<hbm>>
      %dma_wait3A_915 = arith.constant 0 : i32
      %dma_wait3A_916 = arith.constant 0 : i32
      %dma_wait3A_917 = tpu.memref_slice %arg6[%dma_wait3A_903, %dma_wait3A_915, %dma_wait3A_916] : memref<10x128x64xf32, #tpu.memory_space<vmem>> -> memref<1x128x64xf32, #tpu.memory_space<vmem>>
      %dma_wait3A_918 = tpu.memref_squeeze %dma_wait3A_917 : memref<1x128x64xf32, #tpu.memory_space<vmem>> -> memref<128x64xf32, #tpu.memory_space<vmem>>
      tpu.wait_dma2 semaphore(%dma_wait3A_912 : memref<!tpu.dma_semaphore, #tpu.memory_space<semaphore_mem>>) src(%dma_wait3A_918 : memref<128x64xf32, #tpu.memory_space<vmem>>) dst(%dma_wait3A_914 : memref<128x64xf32, #tpu.memory_space<hbm>>)
      %add3A_919 = arith.constant 9 : i32
      %add3A_920 = arith.addi %mul3A_614, %add3A_919 : i32
      %mul3A_921 = arith.constant 128 : i32
      %mul3A_922 = arith.muli %add3A_920, %mul3A_921 : i32
      %dma_start3A_923 = arith.constant 9 : i32
      %dma_start3A_924 = arith.constant 9 : i32
      %dma_start3A_925 = arith.constant 0 : i32
      %dma_start3A_926 = arith.constant 0 : i32
      %dma_start3A_927 = tpu.memref_slice %arg6[%dma_start3A_923, %dma_start3A_925, %dma_start3A_926] : memref<10x128x64xf32, #tpu.memory_space<vmem>> -> memref<1x128x64xf32, #tpu.memory_space<vmem>>
      %dma_start3A_928 = tpu.memref_squeeze %dma_start3A_927 : memref<1x128x64xf32, #tpu.memory_space<vmem>> -> memref<128x64xf32, #tpu.memory_space<vmem>>
      %dma_start3A_929 = tpu.memref_slice %arg5[%mul3A_922] : memref<6400xi32, #tpu.memory_space<vmem>> -> memref<128xi32, #tpu.memory_space<vmem>>
      %dma_start3A_930 = arith.constant 0 : i32
      %dma_start3A_931 = arith.constant 0 : i32
      %dma_start3A_932 = tpu.memref_slice %arg3[%dma_start3A_930, %dma_start3A_931] : memref<2000000x64xf32, #tpu.memory_space<hbm>> -> memref<2000000x64xf32, #tpu.memory_space<hbm>>
      %dma_start3A_933 = tpu.memref_slice %arg7[%dma_start3A_924] : memref<10x!tpu.dma_semaphore, #tpu.memory_space<semaphore_mem>> -> memref<1x!tpu.dma_semaphore, #tpu.memory_space<semaphore_mem>>
      %dma_start3A_934 = tpu.memref_squeeze %dma_start3A_933 : memref<1x!tpu.dma_semaphore, #tpu.memory_space<semaphore_mem>> -> memref<!tpu.dma_semaphore, #tpu.memory_space<semaphore_mem>>
      tpu.enqueue_indirect_dma source(%dma_start3A_932 : memref<2000000x64xf32, #tpu.memory_space<hbm>>) target(%dma_start3A_928 : memref<128x64xf32, #tpu.memory_space<vmem>>) offsets(%dma_start3A_929 : memref<128xi32, #tpu.memory_space<vmem>>) semaphore(%dma_start3A_934 : memref<!tpu.dma_semaphore, #tpu.memory_space<semaphore_mem>>)
      %dma_wait3A_935 = arith.constant 0 : i32
      %dma_wait3A_936 = arith.constant 0 : i32
      %dma_wait3A_937 = arith.constant 0 : i32
      %dma_wait3A_938 = arith.constant 0 : i32
      %dma_wait3A_939 = tpu.memref_slice %arg6[%dma_wait3A_935, %dma_wait3A_937, %dma_wait3A_938] : memref<10x128x64xf32, #tpu.memory_space<vmem>> -> memref<1x128x64xf32, #tpu.memory_space<vmem>>
      %dma_wait3A_940 = tpu.memref_squeeze %dma_wait3A_939 : memref<1x128x64xf32, #tpu.memory_space<vmem>> -> memref<128x64xf32, #tpu.memory_space<vmem>>
      %dma_wait3A_941 = tpu.memref_slice %arg5[%mul3A_634] : memref<6400xi32, #tpu.memory_space<vmem>> -> memref<128xi32, #tpu.memory_space<vmem>>
      %dma_wait3A_942 = arith.constant 0 : i32
      %dma_wait3A_943 = arith.constant 0 : i32
      %dma_wait3A_944 = tpu.memref_slice %arg3[%dma_wait3A_942, %dma_wait3A_943] : memref<2000000x64xf32, #tpu.memory_space<hbm>> -> memref<2000000x64xf32, #tpu.memory_space<hbm>>
      %dma_wait3A_945 = tpu.memref_slice %arg7[%dma_wait3A_936] : memref<10x!tpu.dma_semaphore, #tpu.memory_space<semaphore_mem>> -> memref<1x!tpu.dma_semaphore, #tpu.memory_space<semaphore_mem>>
      %dma_wait3A_946 = tpu.memref_squeeze %dma_wait3A_945 : memref<1x!tpu.dma_semaphore, #tpu.memory_space<semaphore_mem>> -> memref<!tpu.dma_semaphore, #tpu.memory_space<semaphore_mem>>
      tpu.wait_indirect_dma semaphore(%dma_wait3A_946 : memref<!tpu.dma_semaphore, #tpu.memory_space<semaphore_mem>>) src(%dma_wait3A_944 : memref<2000000x64xf32, #tpu.memory_space<hbm>>) dst(%dma_wait3A_940 : memref<128x64xf32, #tpu.memory_space<vmem>>)
      %add3A_947 = arith.constant 0 : i32
      %add3A_948 = arith.addi %mul3A_614, %add3A_947 : i32
      %mul3A_949 = arith.constant 128 : i32
      %mul3A_950 = arith.muli %add3A_948, %mul3A_949 : i32
      %add3A_951 = arith.addi %multiple_of3A, %mul3A_950 : i32
      %dma_start3A_952 = arith.constant 0 : i32
      %dma_start3A_953 = arith.constant 0 : i32
      %dma_start3A_954 = arith.constant 0 : i32
      %dma_start3A_955 = arith.constant 0 : i32
      %dma_start3A_956 = tpu.memref_slice %arg6[%dma_start3A_952, %dma_start3A_954, %dma_start3A_955] : memref<10x128x64xf32, #tpu.memory_space<vmem>> -> memref<1x128x64xf32, #tpu.memory_space<vmem>>
      %dma_start3A_957 = tpu.memref_squeeze %dma_start3A_956 : memref<1x128x64xf32, #tpu.memory_space<vmem>> -> memref<128x64xf32, #tpu.memory_space<vmem>>
      %dma_start3A_958 = arith.constant 0 : i32
      %dma_start3A_959 = tpu.memref_slice %arg4[%add3A_951, %dma_start3A_958] : memref<204800x64xf32, #tpu.memory_space<hbm>> -> memref<128x64xf32, #tpu.memory_space<hbm>>
      %dma_start3A_960 = tpu.memref_slice %arg8[%dma_start3A_953] : memref<10x!tpu.dma_semaphore, #tpu.memory_space<semaphore_mem>> -> memref<1x!tpu.dma_semaphore, #tpu.memory_space<semaphore_mem>>
      %dma_start3A_961 = tpu.memref_squeeze %dma_start3A_960 : memref<1x!tpu.dma_semaphore, #tpu.memory_space<semaphore_mem>> -> memref<!tpu.dma_semaphore, #tpu.memory_space<semaphore_mem>>
      %dma_start3A_962 = arith.constant 0 : i32
      %dma_start3A_963 = tpu.memref_slice %arg4[%add3A_951, %dma_start3A_962] : memref<204800x64xf32, #tpu.memory_space<hbm>> -> memref<128x64xf32, #tpu.memory_space<hbm>>
      %dma_start3A_964 = arith.constant 0 : i32
      %dma_start3A_965 = arith.constant 0 : i32
      %dma_start3A_966 = tpu.memref_slice %arg6[%dma_start3A_952, %dma_start3A_964, %dma_start3A_965] : memref<10x128x64xf32, #tpu.memory_space<vmem>> -> memref<1x128x64xf32, #tpu.memory_space<vmem>>
      %dma_start3A_967 = tpu.memref_squeeze %dma_start3A_966 : memref<1x128x64xf32, #tpu.memory_space<vmem>> -> memref<128x64xf32, #tpu.memory_space<vmem>>
      tpu.enqueue_dma source(%dma_start3A_967 : memref<128x64xf32, #tpu.memory_space<vmem>>) target(%dma_start3A_963 : memref<128x64xf32, #tpu.memory_space<hbm>>) target_semaphore(%dma_start3A_961 : memref<!tpu.dma_semaphore, #tpu.memory_space<semaphore_mem>>)
      %dma_wait3A_968 = arith.constant 1 : i32
      %dma_wait3A_969 = arith.constant 1 : i32
      %dma_wait3A_970 = arith.constant 0 : i32
      %dma_wait3A_971 = arith.constant 0 : i32
      %dma_wait3A_972 = tpu.memref_slice %arg6[%dma_wait3A_968, %dma_wait3A_970, %dma_wait3A_971] : memref<10x128x64xf32, #tpu.memory_space<vmem>> -> memref<1x128x64xf32, #tpu.memory_space<vmem>>
      %dma_wait3A_973 = tpu.memref_squeeze %dma_wait3A_972 : memref<1x128x64xf32, #tpu.memory_space<vmem>> -> memref<128x64xf32, #tpu.memory_space<vmem>>
      %dma_wait3A_974 = tpu.memref_slice %arg5[%mul3A_666] : memref<6400xi32, #tpu.memory_space<vmem>> -> memref<128xi32, #tpu.memory_space<vmem>>
      %dma_wait3A_975 = arith.constant 0 : i32
      %dma_wait3A_976 = arith.constant 0 : i32
      %dma_wait3A_977 = tpu.memref_slice %arg3[%dma_wait3A_975, %dma_wait3A_976] : memref<2000000x64xf32, #tpu.memory_space<hbm>> -> memref<2000000x64xf32, #tpu.memory_space<hbm>>
      %dma_wait3A_978 = tpu.memref_slice %arg7[%dma_wait3A_969] : memref<10x!tpu.dma_semaphore, #tpu.memory_space<semaphore_mem>> -> memref<1x!tpu.dma_semaphore, #tpu.memory_space<semaphore_mem>>
      %dma_wait3A_979 = tpu.memref_squeeze %dma_wait3A_978 : memref<1x!tpu.dma_semaphore, #tpu.memory_space<semaphore_mem>> -> memref<!tpu.dma_semaphore, #tpu.memory_space<semaphore_mem>>
      tpu.wait_indirect_dma semaphore(%dma_wait3A_979 : memref<!tpu.dma_semaphore, #tpu.memory_space<semaphore_mem>>) src(%dma_wait3A_977 : memref<2000000x64xf32, #tpu.memory_space<hbm>>) dst(%dma_wait3A_973 : memref<128x64xf32, #tpu.memory_space<vmem>>)
      %add3A_980 = arith.constant 1 : i32
      %add3A_981 = arith.addi %mul3A_614, %add3A_980 : i32
      %mul3A_982 = arith.constant 128 : i32
      %mul3A_983 = arith.muli %add3A_981, %mul3A_982 : i32
      %add3A_984 = arith.addi %multiple_of3A, %mul3A_983 : i32
      %dma_start3A_985 = arith.constant 1 : i32
      %dma_start3A_986 = arith.constant 1 : i32
      %dma_start3A_987 = arith.constant 0 : i32
      %dma_start3A_988 = arith.constant 0 : i32
      %dma_start3A_989 = tpu.memref_slice %arg6[%dma_start3A_985, %dma_start3A_987, %dma_start3A_988] : memref<10x128x64xf32, #tpu.memory_space<vmem>> -> memref<1x128x64xf32, #tpu.memory_space<vmem>>
      %dma_start3A_990 = tpu.memref_squeeze %dma_start3A_989 : memref<1x128x64xf32, #tpu.memory_space<vmem>> -> memref<128x64xf32, #tpu.memory_space<vmem>>
      %dma_start3A_991 = arith.constant 0 : i32
      %dma_start3A_992 = tpu.memref_slice %arg4[%add3A_984, %dma_start3A_991] : memref<204800x64xf32, #tpu.memory_space<hbm>> -> memref<128x64xf32, #tpu.memory_space<hbm>>
      %dma_start3A_993 = tpu.memref_slice %arg8[%dma_start3A_986] : memref<10x!tpu.dma_semaphore, #tpu.memory_space<semaphore_mem>> -> memref<1x!tpu.dma_semaphore, #tpu.memory_space<semaphore_mem>>
      %dma_start3A_994 = tpu.memref_squeeze %dma_start3A_993 : memref<1x!tpu.dma_semaphore, #tpu.memory_space<semaphore_mem>> -> memref<!tpu.dma_semaphore, #tpu.memory_space<semaphore_mem>>
      %dma_start3A_995 = arith.constant 0 : i32
      %dma_start3A_996 = tpu.memref_slice %arg4[%add3A_984, %dma_start3A_995] : memref<204800x64xf32, #tpu.memory_space<hbm>> -> memref<128x64xf32, #tpu.memory_space<hbm>>
      %dma_start3A_997 = arith.constant 0 : i32
      %dma_start3A_998 = arith.constant 0 : i32
      %dma_start3A_999 = tpu.memref_slice %arg6[%dma_start3A_985, %dma_start3A_997, %dma_start3A_998] : memref<10x128x64xf32, #tpu.memory_space<vmem>> -> memref<1x128x64xf32, #tpu.memory_space<vmem>>
      %dma_start3A_1000 = tpu.memref_squeeze %dma_start3A_999 : memref<1x128x64xf32, #tpu.memory_space<vmem>> -> memref<128x64xf32, #tpu.memory_space<vmem>>
      tpu.enqueue_dma source(%dma_start3A_1000 : memref<128x64xf32, #tpu.memory_space<vmem>>) target(%dma_start3A_996 : memref<128x64xf32, #tpu.memory_space<hbm>>) target_semaphore(%dma_start3A_994 : memref<!tpu.dma_semaphore, #tpu.memory_space<semaphore_mem>>)
      %dma_wait3A_1001 = arith.constant 2 : i32
      %dma_wait3A_1002 = arith.constant 2 : i32
      %dma_wait3A_1003 = arith.constant 0 : i32
      %dma_wait3A_1004 = arith.constant 0 : i32
      %dma_wait3A_1005 = tpu.memref_slice %arg6[%dma_wait3A_1001, %dma_wait3A_1003, %dma_wait3A_1004] : memref<10x128x64xf32, #tpu.memory_space<vmem>> -> memref<1x128x64xf32, #tpu.memory_space<vmem>>
      %dma_wait3A_1006 = tpu.memref_squeeze %dma_wait3A_1005 : memref<1x128x64xf32, #tpu.memory_space<vmem>> -> memref<128x64xf32, #tpu.memory_space<vmem>>
      %dma_wait3A_1007 = tpu.memref_slice %arg5[%mul3A_698] : memref<6400xi32, #tpu.memory_space<vmem>> -> memref<128xi32, #tpu.memory_space<vmem>>
      %dma_wait3A_1008 = arith.constant 0 : i32
      %dma_wait3A_1009 = arith.constant 0 : i32
      %dma_wait3A_1010 = tpu.memref_slice %arg3[%dma_wait3A_1008, %dma_wait3A_1009] : memref<2000000x64xf32, #tpu.memory_space<hbm>> -> memref<2000000x64xf32, #tpu.memory_space<hbm>>
      %dma_wait3A_1011 = tpu.memref_slice %arg7[%dma_wait3A_1002] : memref<10x!tpu.dma_semaphore, #tpu.memory_space<semaphore_mem>> -> memref<1x!tpu.dma_semaphore, #tpu.memory_space<semaphore_mem>>
      %dma_wait3A_1012 = tpu.memref_squeeze %dma_wait3A_1011 : memref<1x!tpu.dma_semaphore, #tpu.memory_space<semaphore_mem>> -> memref<!tpu.dma_semaphore, #tpu.memory_space<semaphore_mem>>
      tpu.wait_indirect_dma semaphore(%dma_wait3A_1012 : memref<!tpu.dma_semaphore, #tpu.memory_space<semaphore_mem>>) src(%dma_wait3A_1010 : memref<2000000x64xf32, #tpu.memory_space<hbm>>) dst(%dma_wait3A_1006 : memref<128x64xf32, #tpu.memory_space<vmem>>)
      %add3A_1013 = arith.constant 2 : i32
      %add3A_1014 = arith.addi %mul3A_614, %add3A_1013 : i32
      %mul3A_1015 = arith.constant 128 : i32
      %mul3A_1016 = arith.muli %add3A_1014, %mul3A_1015 : i32
      %add3A_1017 = arith.addi %multiple_of3A, %mul3A_1016 : i32
      %dma_start3A_1018 = arith.constant 2 : i32
      %dma_start3A_1019 = arith.constant 2 : i32
      %dma_start3A_1020 = arith.constant 0 : i32
      %dma_start3A_1021 = arith.constant 0 : i32
      %dma_start3A_1022 = tpu.memref_slice %arg6[%dma_start3A_1018, %dma_start3A_1020, %dma_start3A_1021] : memref<10x128x64xf32, #tpu.memory_space<vmem>> -> memref<1x128x64xf32, #tpu.memory_space<vmem>>
      %dma_start3A_1023 = tpu.memref_squeeze %dma_start3A_1022 : memref<1x128x64xf32, #tpu.memory_space<vmem>> -> memref<128x64xf32, #tpu.memory_space<vmem>>
      %dma_start3A_1024 = arith.constant 0 : i32
      %dma_start3A_1025 = tpu.memref_slice %arg4[%add3A_1017, %dma_start3A_1024] : memref<204800x64xf32, #tpu.memory_space<hbm>> -> memref<128x64xf32, #tpu.memory_space<hbm>>
      %dma_start3A_1026 = tpu.memref_slice %arg8[%dma_start3A_1019] : memref<10x!tpu.dma_semaphore, #tpu.memory_space<semaphore_mem>> -> memref<1x!tpu.dma_semaphore, #tpu.memory_space<semaphore_mem>>
      %dma_start3A_1027 = tpu.memref_squeeze %dma_start3A_1026 : memref<1x!tpu.dma_semaphore, #tpu.memory_space<semaphore_mem>> -> memref<!tpu.dma_semaphore, #tpu.memory_space<semaphore_mem>>
      %dma_start3A_1028 = arith.constant 0 : i32
      %dma_start3A_1029 = tpu.memref_slice %arg4[%add3A_1017, %dma_start3A_1028] : memref<204800x64xf32, #tpu.memory_space<hbm>> -> memref<128x64xf32, #tpu.memory_space<hbm>>
      %dma_start3A_1030 = arith.constant 0 : i32
      %dma_start3A_1031 = arith.constant 0 : i32
      %dma_start3A_1032 = tpu.memref_slice %arg6[%dma_start3A_1018, %dma_start3A_1030, %dma_start3A_1031] : memref<10x128x64xf32, #tpu.memory_space<vmem>> -> memref<1x128x64xf32, #tpu.memory_space<vmem>>
      %dma_start3A_1033 = tpu.memref_squeeze %dma_start3A_1032 : memref<1x128x64xf32, #tpu.memory_space<vmem>> -> memref<128x64xf32, #tpu.memory_space<vmem>>
      tpu.enqueue_dma source(%dma_start3A_1033 : memref<128x64xf32, #tpu.memory_space<vmem>>) target(%dma_start3A_1029 : memref<128x64xf32, #tpu.memory_space<hbm>>) target_semaphore(%dma_start3A_1027 : memref<!tpu.dma_semaphore, #tpu.memory_space<semaphore_mem>>)
      %dma_wait3A_1034 = arith.constant 3 : i32
      %dma_wait3A_1035 = arith.constant 3 : i32
      %dma_wait3A_1036 = arith.constant 0 : i32
      %dma_wait3A_1037 = arith.constant 0 : i32
      %dma_wait3A_1038 = tpu.memref_slice %arg6[%dma_wait3A_1034, %dma_wait3A_1036, %dma_wait3A_1037] : memref<10x128x64xf32, #tpu.memory_space<vmem>> -> memref<1x128x64xf32, #tpu.memory_space<vmem>>
      %dma_wait3A_1039 = tpu.memref_squeeze %dma_wait3A_1038 : memref<1x128x64xf32, #tpu.memory_space<vmem>> -> memref<128x64xf32, #tpu.memory_space<vmem>>
      %dma_wait3A_1040 = tpu.memref_slice %arg5[%mul3A_730] : memref<6400xi32, #tpu.memory_space<vmem>> -> memref<128xi32, #tpu.memory_space<vmem>>
      %dma_wait3A_1041 = arith.constant 0 : i32
      %dma_wait3A_1042 = arith.constant 0 : i32
      %dma_wait3A_1043 = tpu.memref_slice %arg3[%dma_wait3A_1041, %dma_wait3A_1042] : memref<2000000x64xf32, #tpu.memory_space<hbm>> -> memref<2000000x64xf32, #tpu.memory_space<hbm>>
      %dma_wait3A_1044 = tpu.memref_slice %arg7[%dma_wait3A_1035] : memref<10x!tpu.dma_semaphore, #tpu.memory_space<semaphore_mem>> -> memref<1x!tpu.dma_semaphore, #tpu.memory_space<semaphore_mem>>
      %dma_wait3A_1045 = tpu.memref_squeeze %dma_wait3A_1044 : memref<1x!tpu.dma_semaphore, #tpu.memory_space<semaphore_mem>> -> memref<!tpu.dma_semaphore, #tpu.memory_space<semaphore_mem>>
      tpu.wait_indirect_dma semaphore(%dma_wait3A_1045 : memref<!tpu.dma_semaphore, #tpu.memory_space<semaphore_mem>>) src(%dma_wait3A_1043 : memref<2000000x64xf32, #tpu.memory_space<hbm>>) dst(%dma_wait3A_1039 : memref<128x64xf32, #tpu.memory_space<vmem>>)
      %add3A_1046 = arith.constant 3 : i32
      %add3A_1047 = arith.addi %mul3A_614, %add3A_1046 : i32
      %mul3A_1048 = arith.constant 128 : i32
      %mul3A_1049 = arith.muli %add3A_1047, %mul3A_1048 : i32
      %add3A_1050 = arith.addi %multiple_of3A, %mul3A_1049 : i32
      %dma_start3A_1051 = arith.constant 3 : i32
      %dma_start3A_1052 = arith.constant 3 : i32
      %dma_start3A_1053 = arith.constant 0 : i32
      %dma_start3A_1054 = arith.constant 0 : i32
      %dma_start3A_1055 = tpu.memref_slice %arg6[%dma_start3A_1051, %dma_start3A_1053, %dma_start3A_1054] : memref<10x128x64xf32, #tpu.memory_space<vmem>> -> memref<1x128x64xf32, #tpu.memory_space<vmem>>
      %dma_start3A_1056 = tpu.memref_squeeze %dma_start3A_1055 : memref<1x128x64xf32, #tpu.memory_space<vmem>> -> memref<128x64xf32, #tpu.memory_space<vmem>>
      %dma_start3A_1057 = arith.constant 0 : i32
      %dma_start3A_1058 = tpu.memref_slice %arg4[%add3A_1050, %dma_start3A_1057] : memref<204800x64xf32, #tpu.memory_space<hbm>> -> memref<128x64xf32, #tpu.memory_space<hbm>>
      %dma_start3A_1059 = tpu.memref_slice %arg8[%dma_start3A_1052] : memref<10x!tpu.dma_semaphore, #tpu.memory_space<semaphore_mem>> -> memref<1x!tpu.dma_semaphore, #tpu.memory_space<semaphore_mem>>
      %dma_start3A_1060 = tpu.memref_squeeze %dma_start3A_1059 : memref<1x!tpu.dma_semaphore, #tpu.memory_space<semaphore_mem>> -> memref<!tpu.dma_semaphore, #tpu.memory_space<semaphore_mem>>
      %dma_start3A_1061 = arith.constant 0 : i32
      %dma_start3A_1062 = tpu.memref_slice %arg4[%add3A_1050, %dma_start3A_1061] : memref<204800x64xf32, #tpu.memory_space<hbm>> -> memref<128x64xf32, #tpu.memory_space<hbm>>
      %dma_start3A_1063 = arith.constant 0 : i32
      %dma_start3A_1064 = arith.constant 0 : i32
      %dma_start3A_1065 = tpu.memref_slice %arg6[%dma_start3A_1051, %dma_start3A_1063, %dma_start3A_1064] : memref<10x128x64xf32, #tpu.memory_space<vmem>> -> memref<1x128x64xf32, #tpu.memory_space<vmem>>
      %dma_start3A_1066 = tpu.memref_squeeze %dma_start3A_1065 : memref<1x128x64xf32, #tpu.memory_space<vmem>> -> memref<128x64xf32, #tpu.memory_space<vmem>>
      tpu.enqueue_dma source(%dma_start3A_1066 : memref<128x64xf32, #tpu.memory_space<vmem>>) target(%dma_start3A_1062 : memref<128x64xf32, #tpu.memory_space<hbm>>) target_semaphore(%dma_start3A_1060 : memref<!tpu.dma_semaphore, #tpu.memory_space<semaphore_mem>>)
      %dma_wait3A_1067 = arith.constant 4 : i32
      %dma_wait3A_1068 = arith.constant 4 : i32
      %dma_wait3A_1069 = arith.constant 0 : i32
      %dma_wait3A_1070 = arith.constant 0 : i32
      %dma_wait3A_1071 = tpu.memref_slice %arg6[%dma_wait3A_1067, %dma_wait3A_1069, %dma_wait3A_1070] : memref<10x128x64xf32, #tpu.memory_space<vmem>> -> memref<1x128x64xf32, #tpu.memory_space<vmem>>
      %dma_wait3A_1072 = tpu.memref_squeeze %dma_wait3A_1071 : memref<1x128x64xf32, #tpu.memory_space<vmem>> -> memref<128x64xf32, #tpu.memory_space<vmem>>
      %dma_wait3A_1073 = tpu.memref_slice %arg5[%mul3A_762] : memref<6400xi32, #tpu.memory_space<vmem>> -> memref<128xi32, #tpu.memory_space<vmem>>
      %dma_wait3A_1074 = arith.constant 0 : i32
      %dma_wait3A_1075 = arith.constant 0 : i32
      %dma_wait3A_1076 = tpu.memref_slice %arg3[%dma_wait3A_1074, %dma_wait3A_1075] : memref<2000000x64xf32, #tpu.memory_space<hbm>> -> memref<2000000x64xf32, #tpu.memory_space<hbm>>
      %dma_wait3A_1077 = tpu.memref_slice %arg7[%dma_wait3A_1068] : memref<10x!tpu.dma_semaphore, #tpu.memory_space<semaphore_mem>> -> memref<1x!tpu.dma_semaphore, #tpu.memory_space<semaphore_mem>>
      %dma_wait3A_1078 = tpu.memref_squeeze %dma_wait3A_1077 : memref<1x!tpu.dma_semaphore, #tpu.memory_space<semaphore_mem>> -> memref<!tpu.dma_semaphore, #tpu.memory_space<semaphore_mem>>
      tpu.wait_indirect_dma semaphore(%dma_wait3A_1078 : memref<!tpu.dma_semaphore, #tpu.memory_space<semaphore_mem>>) src(%dma_wait3A_1076 : memref<2000000x64xf32, #tpu.memory_space<hbm>>) dst(%dma_wait3A_1072 : memref<128x64xf32, #tpu.memory_space<vmem>>)
      %add3A_1079 = arith.constant 4 : i32
      %add3A_1080 = arith.addi %mul3A_614, %add3A_1079 : i32
      %mul3A_1081 = arith.constant 128 : i32
      %mul3A_1082 = arith.muli %add3A_1080, %mul3A_1081 : i32
      %add3A_1083 = arith.addi %multiple_of3A, %mul3A_1082 : i32
      %dma_start3A_1084 = arith.constant 4 : i32
      %dma_start3A_1085 = arith.constant 4 : i32
      %dma_start3A_1086 = arith.constant 0 : i32
      %dma_start3A_1087 = arith.constant 0 : i32
      %dma_start3A_1088 = tpu.memref_slice %arg6[%dma_start3A_1084, %dma_start3A_1086, %dma_start3A_1087] : memref<10x128x64xf32, #tpu.memory_space<vmem>> -> memref<1x128x64xf32, #tpu.memory_space<vmem>>
      %dma_start3A_1089 = tpu.memref_squeeze %dma_start3A_1088 : memref<1x128x64xf32, #tpu.memory_space<vmem>> -> memref<128x64xf32, #tpu.memory_space<vmem>>
      %dma_start3A_1090 = arith.constant 0 : i32
      %dma_start3A_1091 = tpu.memref_slice %arg4[%add3A_1083, %dma_start3A_1090] : memref<204800x64xf32, #tpu.memory_space<hbm>> -> memref<128x64xf32, #tpu.memory_space<hbm>>
      %dma_start3A_1092 = tpu.memref_slice %arg8[%dma_start3A_1085] : memref<10x!tpu.dma_semaphore, #tpu.memory_space<semaphore_mem>> -> memref<1x!tpu.dma_semaphore, #tpu.memory_space<semaphore_mem>>
      %dma_start3A_1093 = tpu.memref_squeeze %dma_start3A_1092 : memref<1x!tpu.dma_semaphore, #tpu.memory_space<semaphore_mem>> -> memref<!tpu.dma_semaphore, #tpu.memory_space<semaphore_mem>>
      %dma_start3A_1094 = arith.constant 0 : i32
      %dma_start3A_1095 = tpu.memref_slice %arg4[%add3A_1083, %dma_start3A_1094] : memref<204800x64xf32, #tpu.memory_space<hbm>> -> memref<128x64xf32, #tpu.memory_space<hbm>>
      %dma_start3A_1096 = arith.constant 0 : i32
      %dma_start3A_1097 = arith.constant 0 : i32
      %dma_start3A_1098 = tpu.memref_slice %arg6[%dma_start3A_1084, %dma_start3A_1096, %dma_start3A_1097] : memref<10x128x64xf32, #tpu.memory_space<vmem>> -> memref<1x128x64xf32, #tpu.memory_space<vmem>>
      %dma_start3A_1099 = tpu.memref_squeeze %dma_start3A_1098 : memref<1x128x64xf32, #tpu.memory_space<vmem>> -> memref<128x64xf32, #tpu.memory_space<vmem>>
      tpu.enqueue_dma source(%dma_start3A_1099 : memref<128x64xf32, #tpu.memory_space<vmem>>) target(%dma_start3A_1095 : memref<128x64xf32, #tpu.memory_space<hbm>>) target_semaphore(%dma_start3A_1093 : memref<!tpu.dma_semaphore, #tpu.memory_space<semaphore_mem>>)
      %dma_wait3A_1100 = arith.constant 5 : i32
      %dma_wait3A_1101 = arith.constant 5 : i32
      %dma_wait3A_1102 = arith.constant 0 : i32
      %dma_wait3A_1103 = arith.constant 0 : i32
      %dma_wait3A_1104 = tpu.memref_slice %arg6[%dma_wait3A_1100, %dma_wait3A_1102, %dma_wait3A_1103] : memref<10x128x64xf32, #tpu.memory_space<vmem>> -> memref<1x128x64xf32, #tpu.memory_space<vmem>>
      %dma_wait3A_1105 = tpu.memref_squeeze %dma_wait3A_1104 : memref<1x128x64xf32, #tpu.memory_space<vmem>> -> memref<128x64xf32, #tpu.memory_space<vmem>>
      %dma_wait3A_1106 = tpu.memref_slice %arg5[%mul3A_794] : memref<6400xi32, #tpu.memory_space<vmem>> -> memref<128xi32, #tpu.memory_space<vmem>>
      %dma_wait3A_1107 = arith.constant 0 : i32
      %dma_wait3A_1108 = arith.constant 0 : i32
      %dma_wait3A_1109 = tpu.memref_slice %arg3[%dma_wait3A_1107, %dma_wait3A_1108] : memref<2000000x64xf32, #tpu.memory_space<hbm>> -> memref<2000000x64xf32, #tpu.memory_space<hbm>>
      %dma_wait3A_1110 = tpu.memref_slice %arg7[%dma_wait3A_1101] : memref<10x!tpu.dma_semaphore, #tpu.memory_space<semaphore_mem>> -> memref<1x!tpu.dma_semaphore, #tpu.memory_space<semaphore_mem>>
      %dma_wait3A_1111 = tpu.memref_squeeze %dma_wait3A_1110 : memref<1x!tpu.dma_semaphore, #tpu.memory_space<semaphore_mem>> -> memref<!tpu.dma_semaphore, #tpu.memory_space<semaphore_mem>>
      tpu.wait_indirect_dma semaphore(%dma_wait3A_1111 : memref<!tpu.dma_semaphore, #tpu.memory_space<semaphore_mem>>) src(%dma_wait3A_1109 : memref<2000000x64xf32, #tpu.memory_space<hbm>>) dst(%dma_wait3A_1105 : memref<128x64xf32, #tpu.memory_space<vmem>>)
      %add3A_1112 = arith.constant 5 : i32
      %add3A_1113 = arith.addi %mul3A_614, %add3A_1112 : i32
      %mul3A_1114 = arith.constant 128 : i32
      %mul3A_1115 = arith.muli %add3A_1113, %mul3A_1114 : i32
      %add3A_1116 = arith.addi %multiple_of3A, %mul3A_1115 : i32
      %dma_start3A_1117 = arith.constant 5 : i32
      %dma_start3A_1118 = arith.constant 5 : i32
      %dma_start3A_1119 = arith.constant 0 : i32
      %dma_start3A_1120 = arith.constant 0 : i32
      %dma_start3A_1121 = tpu.memref_slice %arg6[%dma_start3A_1117, %dma_start3A_1119, %dma_start3A_1120] : memref<10x128x64xf32, #tpu.memory_space<vmem>> -> memref<1x128x64xf32, #tpu.memory_space<vmem>>
      %dma_start3A_1122 = tpu.memref_squeeze %dma_start3A_1121 : memref<1x128x64xf32, #tpu.memory_space<vmem>> -> memref<128x64xf32, #tpu.memory_space<vmem>>
      %dma_start3A_1123 = arith.constant 0 : i32
      %dma_start3A_1124 = tpu.memref_slice %arg4[%add3A_1116, %dma_start3A_1123] : memref<204800x64xf32, #tpu.memory_space<hbm>> -> memref<128x64xf32, #tpu.memory_space<hbm>>
      %dma_start3A_1125 = tpu.memref_slice %arg8[%dma_start3A_1118] : memref<10x!tpu.dma_semaphore, #tpu.memory_space<semaphore_mem>> -> memref<1x!tpu.dma_semaphore, #tpu.memory_space<semaphore_mem>>
      %dma_start3A_1126 = tpu.memref_squeeze %dma_start3A_1125 : memref<1x!tpu.dma_semaphore, #tpu.memory_space<semaphore_mem>> -> memref<!tpu.dma_semaphore, #tpu.memory_space<semaphore_mem>>
      %dma_start3A_1127 = arith.constant 0 : i32
      %dma_start3A_1128 = tpu.memref_slice %arg4[%add3A_1116, %dma_start3A_1127] : memref<204800x64xf32, #tpu.memory_space<hbm>> -> memref<128x64xf32, #tpu.memory_space<hbm>>
      %dma_start3A_1129 = arith.constant 0 : i32
      %dma_start3A_1130 = arith.constant 0 : i32
      %dma_start3A_1131 = tpu.memref_slice %arg6[%dma_start3A_1117, %dma_start3A_1129, %dma_start3A_1130] : memref<10x128x64xf32, #tpu.memory_space<vmem>> -> memref<1x128x64xf32, #tpu.memory_space<vmem>>
      %dma_start3A_1132 = tpu.memref_squeeze %dma_start3A_1131 : memref<1x128x64xf32, #tpu.memory_space<vmem>> -> memref<128x64xf32, #tpu.memory_space<vmem>>
      tpu.enqueue_dma source(%dma_start3A_1132 : memref<128x64xf32, #tpu.memory_space<vmem>>) target(%dma_start3A_1128 : memref<128x64xf32, #tpu.memory_space<hbm>>) target_semaphore(%dma_start3A_1126 : memref<!tpu.dma_semaphore, #tpu.memory_space<semaphore_mem>>)
      %dma_wait3A_1133 = arith.constant 6 : i32
      %dma_wait3A_1134 = arith.constant 6 : i32
      %dma_wait3A_1135 = arith.constant 0 : i32
      %dma_wait3A_1136 = arith.constant 0 : i32
      %dma_wait3A_1137 = tpu.memref_slice %arg6[%dma_wait3A_1133, %dma_wait3A_1135, %dma_wait3A_1136] : memref<10x128x64xf32, #tpu.memory_space<vmem>> -> memref<1x128x64xf32, #tpu.memory_space<vmem>>
      %dma_wait3A_1138 = tpu.memref_squeeze %dma_wait3A_1137 : memref<1x128x64xf32, #tpu.memory_space<vmem>> -> memref<128x64xf32, #tpu.memory_space<vmem>>
      %dma_wait3A_1139 = tpu.memref_slice %arg5[%mul3A_826] : memref<6400xi32, #tpu.memory_space<vmem>> -> memref<128xi32, #tpu.memory_space<vmem>>
      %dma_wait3A_1140 = arith.constant 0 : i32
      %dma_wait3A_1141 = arith.constant 0 : i32
      %dma_wait3A_1142 = tpu.memref_slice %arg3[%dma_wait3A_1140, %dma_wait3A_1141] : memref<2000000x64xf32, #tpu.memory_space<hbm>> -> memref<2000000x64xf32, #tpu.memory_space<hbm>>
      %dma_wait3A_1143 = tpu.memref_slice %arg7[%dma_wait3A_1134] : memref<10x!tpu.dma_semaphore, #tpu.memory_space<semaphore_mem>> -> memref<1x!tpu.dma_semaphore, #tpu.memory_space<semaphore_mem>>
      %dma_wait3A_1144 = tpu.memref_squeeze %dma_wait3A_1143 : memref<1x!tpu.dma_semaphore, #tpu.memory_space<semaphore_mem>> -> memref<!tpu.dma_semaphore, #tpu.memory_space<semaphore_mem>>
      tpu.wait_indirect_dma semaphore(%dma_wait3A_1144 : memref<!tpu.dma_semaphore, #tpu.memory_space<semaphore_mem>>) src(%dma_wait3A_1142 : memref<2000000x64xf32, #tpu.memory_space<hbm>>) dst(%dma_wait3A_1138 : memref<128x64xf32, #tpu.memory_space<vmem>>)
      %add3A_1145 = arith.constant 6 : i32
      %add3A_1146 = arith.addi %mul3A_614, %add3A_1145 : i32
      %mul3A_1147 = arith.constant 128 : i32
      %mul3A_1148 = arith.muli %add3A_1146, %mul3A_1147 : i32
      %add3A_1149 = arith.addi %multiple_of3A, %mul3A_1148 : i32
      %dma_start3A_1150 = arith.constant 6 : i32
      %dma_start3A_1151 = arith.constant 6 : i32
      %dma_start3A_1152 = arith.constant 0 : i32
      %dma_start3A_1153 = arith.constant 0 : i32
      %dma_start3A_1154 = tpu.memref_slice %arg6[%dma_start3A_1150, %dma_start3A_1152, %dma_start3A_1153] : memref<10x128x64xf32, #tpu.memory_space<vmem>> -> memref<1x128x64xf32, #tpu.memory_space<vmem>>
      %dma_start3A_1155 = tpu.memref_squeeze %dma_start3A_1154 : memref<1x128x64xf32, #tpu.memory_space<vmem>> -> memref<128x64xf32, #tpu.memory_space<vmem>>
      %dma_start3A_1156 = arith.constant 0 : i32
      %dma_start3A_1157 = tpu.memref_slice %arg4[%add3A_1149, %dma_start3A_1156] : memref<204800x64xf32, #tpu.memory_space<hbm>> -> memref<128x64xf32, #tpu.memory_space<hbm>>
      %dma_start3A_1158 = tpu.memref_slice %arg8[%dma_start3A_1151] : memref<10x!tpu.dma_semaphore, #tpu.memory_space<semaphore_mem>> -> memref<1x!tpu.dma_semaphore, #tpu.memory_space<semaphore_mem>>
      %dma_start3A_1159 = tpu.memref_squeeze %dma_start3A_1158 : memref<1x!tpu.dma_semaphore, #tpu.memory_space<semaphore_mem>> -> memref<!tpu.dma_semaphore, #tpu.memory_space<semaphore_mem>>
      %dma_start3A_1160 = arith.constant 0 : i32
      %dma_start3A_1161 = tpu.memref_slice %arg4[%add3A_1149, %dma_start3A_1160] : memref<204800x64xf32, #tpu.memory_space<hbm>> -> memref<128x64xf32, #tpu.memory_space<hbm>>
      %dma_start3A_1162 = arith.constant 0 : i32
      %dma_start3A_1163 = arith.constant 0 : i32
      %dma_start3A_1164 = tpu.memref_slice %arg6[%dma_start3A_1150, %dma_start3A_1162, %dma_start3A_1163] : memref<10x128x64xf32, #tpu.memory_space<vmem>> -> memref<1x128x64xf32, #tpu.memory_space<vmem>>
      %dma_start3A_1165 = tpu.memref_squeeze %dma_start3A_1164 : memref<1x128x64xf32, #tpu.memory_space<vmem>> -> memref<128x64xf32, #tpu.memory_space<vmem>>
      tpu.enqueue_dma source(%dma_start3A_1165 : memref<128x64xf32, #tpu.memory_space<vmem>>) target(%dma_start3A_1161 : memref<128x64xf32, #tpu.memory_space<hbm>>) target_semaphore(%dma_start3A_1159 : memref<!tpu.dma_semaphore, #tpu.memory_space<semaphore_mem>>)
      %dma_wait3A_1166 = arith.constant 7 : i32
      %dma_wait3A_1167 = arith.constant 7 : i32
      %dma_wait3A_1168 = arith.constant 0 : i32
      %dma_wait3A_1169 = arith.constant 0 : i32
      %dma_wait3A_1170 = tpu.memref_slice %arg6[%dma_wait3A_1166, %dma_wait3A_1168, %dma_wait3A_1169] : memref<10x128x64xf32, #tpu.memory_space<vmem>> -> memref<1x128x64xf32, #tpu.memory_space<vmem>>
      %dma_wait3A_1171 = tpu.memref_squeeze %dma_wait3A_1170 : memref<1x128x64xf32, #tpu.memory_space<vmem>> -> memref<128x64xf32, #tpu.memory_space<vmem>>
      %dma_wait3A_1172 = tpu.memref_slice %arg5[%mul3A_858] : memref<6400xi32, #tpu.memory_space<vmem>> -> memref<128xi32, #tpu.memory_space<vmem>>
      %dma_wait3A_1173 = arith.constant 0 : i32
      %dma_wait3A_1174 = arith.constant 0 : i32
      %dma_wait3A_1175 = tpu.memref_slice %arg3[%dma_wait3A_1173, %dma_wait3A_1174] : memref<2000000x64xf32, #tpu.memory_space<hbm>> -> memref<2000000x64xf32, #tpu.memory_space<hbm>>
      %dma_wait3A_1176 = tpu.memref_slice %arg7[%dma_wait3A_1167] : memref<10x!tpu.dma_semaphore, #tpu.memory_space<semaphore_mem>> -> memref<1x!tpu.dma_semaphore, #tpu.memory_space<semaphore_mem>>
      %dma_wait3A_1177 = tpu.memref_squeeze %dma_wait3A_1176 : memref<1x!tpu.dma_semaphore, #tpu.memory_space<semaphore_mem>> -> memref<!tpu.dma_semaphore, #tpu.memory_space<semaphore_mem>>
      tpu.wait_indirect_dma semaphore(%dma_wait3A_1177 : memref<!tpu.dma_semaphore, #tpu.memory_space<semaphore_mem>>) src(%dma_wait3A_1175 : memref<2000000x64xf32, #tpu.memory_space<hbm>>) dst(%dma_wait3A_1171 : memref<128x64xf32, #tpu.memory_space<vmem>>)
      %add3A_1178 = arith.constant 7 : i32
      %add3A_1179 = arith.addi %mul3A_614, %add3A_1178 : i32
      %mul3A_1180 = arith.constant 128 : i32
      %mul3A_1181 = arith.muli %add3A_1179, %mul3A_1180 : i32
      %add3A_1182 = arith.addi %multiple_of3A, %mul3A_1181 : i32
      %dma_start3A_1183 = arith.constant 7 : i32
      %dma_start3A_1184 = arith.constant 7 : i32
      %dma_start3A_1185 = arith.constant 0 : i32
      %dma_start3A_1186 = arith.constant 0 : i32
      %dma_start3A_1187 = tpu.memref_slice %arg6[%dma_start3A_1183, %dma_start3A_1185, %dma_start3A_1186] : memref<10x128x64xf32, #tpu.memory_space<vmem>> -> memref<1x128x64xf32, #tpu.memory_space<vmem>>
      %dma_start3A_1188 = tpu.memref_squeeze %dma_start3A_1187 : memref<1x128x64xf32, #tpu.memory_space<vmem>> -> memref<128x64xf32, #tpu.memory_space<vmem>>
      %dma_start3A_1189 = arith.constant 0 : i32
      %dma_start3A_1190 = tpu.memref_slice %arg4[%add3A_1182, %dma_start3A_1189] : memref<204800x64xf32, #tpu.memory_space<hbm>> -> memref<128x64xf32, #tpu.memory_space<hbm>>
      %dma_start3A_1191 = tpu.memref_slice %arg8[%dma_start3A_1184] : memref<10x!tpu.dma_semaphore, #tpu.memory_space<semaphore_mem>> -> memref<1x!tpu.dma_semaphore, #tpu.memory_space<semaphore_mem>>
      %dma_start3A_1192 = tpu.memref_squeeze %dma_start3A_1191 : memref<1x!tpu.dma_semaphore, #tpu.memory_space<semaphore_mem>> -> memref<!tpu.dma_semaphore, #tpu.memory_space<semaphore_mem>>
      %dma_start3A_1193 = arith.constant 0 : i32
      %dma_start3A_1194 = tpu.memref_slice %arg4[%add3A_1182, %dma_start3A_1193] : memref<204800x64xf32, #tpu.memory_space<hbm>> -> memref<128x64xf32, #tpu.memory_space<hbm>>
      %dma_start3A_1195 = arith.constant 0 : i32
      %dma_start3A_1196 = arith.constant 0 : i32
      %dma_start3A_1197 = tpu.memref_slice %arg6[%dma_start3A_1183, %dma_start3A_1195, %dma_start3A_1196] : memref<10x128x64xf32, #tpu.memory_space<vmem>> -> memref<1x128x64xf32, #tpu.memory_space<vmem>>
      %dma_start3A_1198 = tpu.memref_squeeze %dma_start3A_1197 : memref<1x128x64xf32, #tpu.memory_space<vmem>> -> memref<128x64xf32, #tpu.memory_space<vmem>>
      tpu.enqueue_dma source(%dma_start3A_1198 : memref<128x64xf32, #tpu.memory_space<vmem>>) target(%dma_start3A_1194 : memref<128x64xf32, #tpu.memory_space<hbm>>) target_semaphore(%dma_start3A_1192 : memref<!tpu.dma_semaphore, #tpu.memory_space<semaphore_mem>>)
      %dma_wait3A_1199 = arith.constant 8 : i32
      %dma_wait3A_1200 = arith.constant 8 : i32
      %dma_wait3A_1201 = arith.constant 0 : i32
      %dma_wait3A_1202 = arith.constant 0 : i32
      %dma_wait3A_1203 = tpu.memref_slice %arg6[%dma_wait3A_1199, %dma_wait3A_1201, %dma_wait3A_1202] : memref<10x128x64xf32, #tpu.memory_space<vmem>> -> memref<1x128x64xf32, #tpu.memory_space<vmem>>
      %dma_wait3A_1204 = tpu.memref_squeeze %dma_wait3A_1203 : memref<1x128x64xf32, #tpu.memory_space<vmem>> -> memref<128x64xf32, #tpu.memory_space<vmem>>
      %dma_wait3A_1205 = tpu.memref_slice %arg5[%mul3A_890] : memref<6400xi32, #tpu.memory_space<vmem>> -> memref<128xi32, #tpu.memory_space<vmem>>
      %dma_wait3A_1206 = arith.constant 0 : i32
      %dma_wait3A_1207 = arith.constant 0 : i32
      %dma_wait3A_1208 = tpu.memref_slice %arg3[%dma_wait3A_1206, %dma_wait3A_1207] : memref<2000000x64xf32, #tpu.memory_space<hbm>> -> memref<2000000x64xf32, #tpu.memory_space<hbm>>
      %dma_wait3A_1209 = tpu.memref_slice %arg7[%dma_wait3A_1200] : memref<10x!tpu.dma_semaphore, #tpu.memory_space<semaphore_mem>> -> memref<1x!tpu.dma_semaphore, #tpu.memory_space<semaphore_mem>>
      %dma_wait3A_1210 = tpu.memref_squeeze %dma_wait3A_1209 : memref<1x!tpu.dma_semaphore, #tpu.memory_space<semaphore_mem>> -> memref<!tpu.dma_semaphore, #tpu.memory_space<semaphore_mem>>
      tpu.wait_indirect_dma semaphore(%dma_wait3A_1210 : memref<!tpu.dma_semaphore, #tpu.memory_space<semaphore_mem>>) src(%dma_wait3A_1208 : memref<2000000x64xf32, #tpu.memory_space<hbm>>) dst(%dma_wait3A_1204 : memref<128x64xf32, #tpu.memory_space<vmem>>)
      %add3A_1211 = arith.constant 8 : i32
      %add3A_1212 = arith.addi %mul3A_614, %add3A_1211 : i32
      %mul3A_1213 = arith.constant 128 : i32
      %mul3A_1214 = arith.muli %add3A_1212, %mul3A_1213 : i32
      %add3A_1215 = arith.addi %multiple_of3A, %mul3A_1214 : i32
      %dma_start3A_1216 = arith.constant 8 : i32
      %dma_start3A_1217 = arith.constant 8 : i32
      %dma_start3A_1218 = arith.constant 0 : i32
      %dma_start3A_1219 = arith.constant 0 : i32
      %dma_start3A_1220 = tpu.memref_slice %arg6[%dma_start3A_1216, %dma_start3A_1218, %dma_start3A_1219] : memref<10x128x64xf32, #tpu.memory_space<vmem>> -> memref<1x128x64xf32, #tpu.memory_space<vmem>>
      %dma_start3A_1221 = tpu.memref_squeeze %dma_start3A_1220 : memref<1x128x64xf32, #tpu.memory_space<vmem>> -> memref<128x64xf32, #tpu.memory_space<vmem>>
      %dma_start3A_1222 = arith.constant 0 : i32
      %dma_start3A_1223 = tpu.memref_slice %arg4[%add3A_1215, %dma_start3A_1222] : memref<204800x64xf32, #tpu.memory_space<hbm>> -> memref<128x64xf32, #tpu.memory_space<hbm>>
      %dma_start3A_1224 = tpu.memref_slice %arg8[%dma_start3A_1217] : memref<10x!tpu.dma_semaphore, #tpu.memory_space<semaphore_mem>> -> memref<1x!tpu.dma_semaphore, #tpu.memory_space<semaphore_mem>>
      %dma_start3A_1225 = tpu.memref_squeeze %dma_start3A_1224 : memref<1x!tpu.dma_semaphore, #tpu.memory_space<semaphore_mem>> -> memref<!tpu.dma_semaphore, #tpu.memory_space<semaphore_mem>>
      %dma_start3A_1226 = arith.constant 0 : i32
      %dma_start3A_1227 = tpu.memref_slice %arg4[%add3A_1215, %dma_start3A_1226] : memref<204800x64xf32, #tpu.memory_space<hbm>> -> memref<128x64xf32, #tpu.memory_space<hbm>>
      %dma_start3A_1228 = arith.constant 0 : i32
      %dma_start3A_1229 = arith.constant 0 : i32
      %dma_start3A_1230 = tpu.memref_slice %arg6[%dma_start3A_1216, %dma_start3A_1228, %dma_start3A_1229] : memref<10x128x64xf32, #tpu.memory_space<vmem>> -> memref<1x128x64xf32, #tpu.memory_space<vmem>>
      %dma_start3A_1231 = tpu.memref_squeeze %dma_start3A_1230 : memref<1x128x64xf32, #tpu.memory_space<vmem>> -> memref<128x64xf32, #tpu.memory_space<vmem>>
      tpu.enqueue_dma source(%dma_start3A_1231 : memref<128x64xf32, #tpu.memory_space<vmem>>) target(%dma_start3A_1227 : memref<128x64xf32, #tpu.memory_space<hbm>>) target_semaphore(%dma_start3A_1225 : memref<!tpu.dma_semaphore, #tpu.memory_space<semaphore_mem>>)
      %dma_wait3A_1232 = arith.constant 9 : i32
      %dma_wait3A_1233 = arith.constant 9 : i32
      %dma_wait3A_1234 = arith.constant 0 : i32
      %dma_wait3A_1235 = arith.constant 0 : i32
      %dma_wait3A_1236 = tpu.memref_slice %arg6[%dma_wait3A_1232, %dma_wait3A_1234, %dma_wait3A_1235] : memref<10x128x64xf32, #tpu.memory_space<vmem>> -> memref<1x128x64xf32, #tpu.memory_space<vmem>>
      %dma_wait3A_1237 = tpu.memref_squeeze %dma_wait3A_1236 : memref<1x128x64xf32, #tpu.memory_space<vmem>> -> memref<128x64xf32, #tpu.memory_space<vmem>>
      %dma_wait3A_1238 = tpu.memref_slice %arg5[%mul3A_922] : memref<6400xi32, #tpu.memory_space<vmem>> -> memref<128xi32, #tpu.memory_space<vmem>>
      %dma_wait3A_1239 = arith.constant 0 : i32
      %dma_wait3A_1240 = arith.constant 0 : i32
      %dma_wait3A_1241 = tpu.memref_slice %arg3[%dma_wait3A_1239, %dma_wait3A_1240] : memref<2000000x64xf32, #tpu.memory_space<hbm>> -> memref<2000000x64xf32, #tpu.memory_space<hbm>>
      %dma_wait3A_1242 = tpu.memref_slice %arg7[%dma_wait3A_1233] : memref<10x!tpu.dma_semaphore, #tpu.memory_space<semaphore_mem>> -> memref<1x!tpu.dma_semaphore, #tpu.memory_space<semaphore_mem>>
      %dma_wait3A_1243 = tpu.memref_squeeze %dma_wait3A_1242 : memref<1x!tpu.dma_semaphore, #tpu.memory_space<semaphore_mem>> -> memref<!tpu.dma_semaphore, #tpu.memory_space<semaphore_mem>>
      tpu.wait_indirect_dma semaphore(%dma_wait3A_1243 : memref<!tpu.dma_semaphore, #tpu.memory_space<semaphore_mem>>) src(%dma_wait3A_1241 : memref<2000000x64xf32, #tpu.memory_space<hbm>>) dst(%dma_wait3A_1237 : memref<128x64xf32, #tpu.memory_space<vmem>>)
      %add3A_1244 = arith.constant 9 : i32
      %add3A_1245 = arith.addi %mul3A_614, %add3A_1244 : i32
      %mul3A_1246 = arith.constant 128 : i32
      %mul3A_1247 = arith.muli %add3A_1245, %mul3A_1246 : i32
      %add3A_1248 = arith.addi %multiple_of3A, %mul3A_1247 : i32
      %dma_start3A_1249 = arith.constant 9 : i32
      %dma_start3A_1250 = arith.constant 9 : i32
      %dma_start3A_1251 = arith.constant 0 : i32
      %dma_start3A_1252 = arith.constant 0 : i32
      %dma_start3A_1253 = tpu.memref_slice %arg6[%dma_start3A_1249, %dma_start3A_1251, %dma_start3A_1252] : memref<10x128x64xf32, #tpu.memory_space<vmem>> -> memref<1x128x64xf32, #tpu.memory_space<vmem>>
      %dma_start3A_1254 = tpu.memref_squeeze %dma_start3A_1253 : memref<1x128x64xf32, #tpu.memory_space<vmem>> -> memref<128x64xf32, #tpu.memory_space<vmem>>
      %dma_start3A_1255 = arith.constant 0 : i32
      %dma_start3A_1256 = tpu.memref_slice %arg4[%add3A_1248, %dma_start3A_1255] : memref<204800x64xf32, #tpu.memory_space<hbm>> -> memref<128x64xf32, #tpu.memory_space<hbm>>
      %dma_start3A_1257 = tpu.memref_slice %arg8[%dma_start3A_1250] : memref<10x!tpu.dma_semaphore, #tpu.memory_space<semaphore_mem>> -> memref<1x!tpu.dma_semaphore, #tpu.memory_space<semaphore_mem>>
      %dma_start3A_1258 = tpu.memref_squeeze %dma_start3A_1257 : memref<1x!tpu.dma_semaphore, #tpu.memory_space<semaphore_mem>> -> memref<!tpu.dma_semaphore, #tpu.memory_space<semaphore_mem>>
      %dma_start3A_1259 = arith.constant 0 : i32
      %dma_start3A_1260 = tpu.memref_slice %arg4[%add3A_1248, %dma_start3A_1259] : memref<204800x64xf32, #tpu.memory_space<hbm>> -> memref<128x64xf32, #tpu.memory_space<hbm>>
      %dma_start3A_1261 = arith.constant 0 : i32
      %dma_start3A_1262 = arith.constant 0 : i32
      %dma_start3A_1263 = tpu.memref_slice %arg6[%dma_start3A_1249, %dma_start3A_1261, %dma_start3A_1262] : memref<10x128x64xf32, #tpu.memory_space<vmem>> -> memref<1x128x64xf32, #tpu.memory_space<vmem>>
      %dma_start3A_1264 = tpu.memref_squeeze %dma_start3A_1263 : memref<1x128x64xf32, #tpu.memory_space<vmem>> -> memref<128x64xf32, #tpu.memory_space<vmem>>
      tpu.enqueue_dma source(%dma_start3A_1264 : memref<128x64xf32, #tpu.memory_space<vmem>>) target(%dma_start3A_1260 : memref<128x64xf32, #tpu.memory_space<hbm>>) target_semaphore(%dma_start3A_1258 : memref<!tpu.dma_semaphore, #tpu.memory_space<semaphore_mem>>)
    }
    %scan3A_451 = arith.constant 4 : i32
    %dma_wait3A_452 = arith.constant 0 : i32
    %dma_wait3A_453 = arith.constant 0 : i32
    %dma_wait3A_454 = arith.constant 0 : i32
    %dma_wait3A_455 = arith.constant 0 : i32
    %dma_wait3A_456 = tpu.memref_slice %arg6[%dma_wait3A_452, %dma_wait3A_454, %dma_wait3A_455] : memref<10x128x64xf32, #tpu.memory_space<vmem>> -> memref<1x128x64xf32, #tpu.memory_space<vmem>>
    %dma_wait3A_457 = tpu.memref_squeeze %dma_wait3A_456 : memref<1x128x64xf32, #tpu.memory_space<vmem>> -> memref<128x64xf32, #tpu.memory_space<vmem>>
    %dma_wait3A_458 = arith.constant 0 : i32
    %dma_wait3A_459 = tpu.memref_slice %arg4[%multiple_of3A, %dma_wait3A_458] : memref<204800x64xf32, #tpu.memory_space<hbm>> -> memref<128x64xf32, #tpu.memory_space<hbm>>
    %dma_wait3A_460 = tpu.memref_slice %arg8[%dma_wait3A_453] : memref<10x!tpu.dma_semaphore, #tpu.memory_space<semaphore_mem>> -> memref<1x!tpu.dma_semaphore, #tpu.memory_space<semaphore_mem>>
    %dma_wait3A_461 = tpu.memref_squeeze %dma_wait3A_460 : memref<1x!tpu.dma_semaphore, #tpu.memory_space<semaphore_mem>> -> memref<!tpu.dma_semaphore, #tpu.memory_space<semaphore_mem>>
    %dma_wait3A_462 = arith.constant 0 : i32
    %dma_wait3A_463 = tpu.memref_slice %arg4[%multiple_of3A, %dma_wait3A_462] : memref<204800x64xf32, #tpu.memory_space<hbm>> -> memref<128x64xf32, #tpu.memory_space<hbm>>
    %dma_wait3A_464 = arith.constant 0 : i32
    %dma_wait3A_465 = arith.constant 0 : i32
    %dma_wait3A_466 = tpu.memref_slice %arg6[%dma_wait3A_452, %dma_wait3A_464, %dma_wait3A_465] : memref<10x128x64xf32, #tpu.memory_space<vmem>> -> memref<1x128x64xf32, #tpu.memory_space<vmem>>
    %dma_wait3A_467 = tpu.memref_squeeze %dma_wait3A_466 : memref<1x128x64xf32, #tpu.memory_space<vmem>> -> memref<128x64xf32, #tpu.memory_space<vmem>>
    tpu.wait_dma2 semaphore(%dma_wait3A_461 : memref<!tpu.dma_semaphore, #tpu.memory_space<semaphore_mem>>) src(%dma_wait3A_467 : memref<128x64xf32, #tpu.memory_space<vmem>>) dst(%dma_wait3A_463 : memref<128x64xf32, #tpu.memory_space<hbm>>)
    %dma_wait3A_468 = arith.constant 1 : i32
    %dma_wait3A_469 = arith.constant 1 : i32
    %dma_wait3A_470 = arith.constant 0 : i32
    %dma_wait3A_471 = arith.constant 0 : i32
    %dma_wait3A_472 = tpu.memref_slice %arg6[%dma_wait3A_468, %dma_wait3A_470, %dma_wait3A_471] : memref<10x128x64xf32, #tpu.memory_space<vmem>> -> memref<1x128x64xf32, #tpu.memory_space<vmem>>
    %dma_wait3A_473 = tpu.memref_squeeze %dma_wait3A_472 : memref<1x128x64xf32, #tpu.memory_space<vmem>> -> memref<128x64xf32, #tpu.memory_space<vmem>>
    %dma_wait3A_474 = arith.constant 0 : i32
    %dma_wait3A_475 = tpu.memref_slice %arg4[%multiple_of3A, %dma_wait3A_474] : memref<204800x64xf32, #tpu.memory_space<hbm>> -> memref<128x64xf32, #tpu.memory_space<hbm>>
    %dma_wait3A_476 = tpu.memref_slice %arg8[%dma_wait3A_469] : memref<10x!tpu.dma_semaphore, #tpu.memory_space<semaphore_mem>> -> memref<1x!tpu.dma_semaphore, #tpu.memory_space<semaphore_mem>>
    %dma_wait3A_477 = tpu.memref_squeeze %dma_wait3A_476 : memref<1x!tpu.dma_semaphore, #tpu.memory_space<semaphore_mem>> -> memref<!tpu.dma_semaphore, #tpu.memory_space<semaphore_mem>>
    %dma_wait3A_478 = arith.constant 0 : i32
    %dma_wait3A_479 = tpu.memref_slice %arg4[%multiple_of3A, %dma_wait3A_478] : memref<204800x64xf32, #tpu.memory_space<hbm>> -> memref<128x64xf32, #tpu.memory_space<hbm>>
    %dma_wait3A_480 = arith.constant 0 : i32
    %dma_wait3A_481 = arith.constant 0 : i32
    %dma_wait3A_482 = tpu.memref_slice %arg6[%dma_wait3A_468, %dma_wait3A_480, %dma_wait3A_481] : memref<10x128x64xf32, #tpu.memory_space<vmem>> -> memref<1x128x64xf32, #tpu.memory_space<vmem>>
    %dma_wait3A_483 = tpu.memref_squeeze %dma_wait3A_482 : memref<1x128x64xf32, #tpu.memory_space<vmem>> -> memref<128x64xf32, #tpu.memory_space<vmem>>
    tpu.wait_dma2 semaphore(%dma_wait3A_477 : memref<!tpu.dma_semaphore, #tpu.memory_space<semaphore_mem>>) src(%dma_wait3A_483 : memref<128x64xf32, #tpu.memory_space<vmem>>) dst(%dma_wait3A_479 : memref<128x64xf32, #tpu.memory_space<hbm>>)
    %dma_wait3A_484 = arith.constant 2 : i32
    %dma_wait3A_485 = arith.constant 2 : i32
    %dma_wait3A_486 = arith.constant 0 : i32
    %dma_wait3A_487 = arith.constant 0 : i32
    %dma_wait3A_488 = tpu.memref_slice %arg6[%dma_wait3A_484, %dma_wait3A_486, %dma_wait3A_487] : memref<10x128x64xf32, #tpu.memory_space<vmem>> -> memref<1x128x64xf32, #tpu.memory_space<vmem>>
    %dma_wait3A_489 = tpu.memref_squeeze %dma_wait3A_488 : memref<1x128x64xf32, #tpu.memory_space<vmem>> -> memref<128x64xf32, #tpu.memory_space<vmem>>
    %dma_wait3A_490 = arith.constant 0 : i32
    %dma_wait3A_491 = tpu.memref_slice %arg4[%multiple_of3A, %dma_wait3A_490] : memref<204800x64xf32, #tpu.memory_space<hbm>> -> memref<128x64xf32, #tpu.memory_space<hbm>>
    %dma_wait3A_492 = tpu.memref_slice %arg8[%dma_wait3A_485] : memref<10x!tpu.dma_semaphore, #tpu.memory_space<semaphore_mem>> -> memref<1x!tpu.dma_semaphore, #tpu.memory_space<semaphore_mem>>
    %dma_wait3A_493 = tpu.memref_squeeze %dma_wait3A_492 : memref<1x!tpu.dma_semaphore, #tpu.memory_space<semaphore_mem>> -> memref<!tpu.dma_semaphore, #tpu.memory_space<semaphore_mem>>
    %dma_wait3A_494 = arith.constant 0 : i32
    %dma_wait3A_495 = tpu.memref_slice %arg4[%multiple_of3A, %dma_wait3A_494] : memref<204800x64xf32, #tpu.memory_space<hbm>> -> memref<128x64xf32, #tpu.memory_space<hbm>>
    %dma_wait3A_496 = arith.constant 0 : i32
    %dma_wait3A_497 = arith.constant 0 : i32
    %dma_wait3A_498 = tpu.memref_slice %arg6[%dma_wait3A_484, %dma_wait3A_496, %dma_wait3A_497] : memref<10x128x64xf32, #tpu.memory_space<vmem>> -> memref<1x128x64xf32, #tpu.memory_space<vmem>>
    %dma_wait3A_499 = tpu.memref_squeeze %dma_wait3A_498 : memref<1x128x64xf32, #tpu.memory_space<vmem>> -> memref<128x64xf32, #tpu.memory_space<vmem>>
    tpu.wait_dma2 semaphore(%dma_wait3A_493 : memref<!tpu.dma_semaphore, #tpu.memory_space<semaphore_mem>>) src(%dma_wait3A_499 : memref<128x64xf32, #tpu.memory_space<vmem>>) dst(%dma_wait3A_495 : memref<128x64xf32, #tpu.memory_space<hbm>>)
    %dma_wait3A_500 = arith.constant 3 : i32
    %dma_wait3A_501 = arith.constant 3 : i32
    %dma_wait3A_502 = arith.constant 0 : i32
    %dma_wait3A_503 = arith.constant 0 : i32
    %dma_wait3A_504 = tpu.memref_slice %arg6[%dma_wait3A_500, %dma_wait3A_502, %dma_wait3A_503] : memref<10x128x64xf32, #tpu.memory_space<vmem>> -> memref<1x128x64xf32, #tpu.memory_space<vmem>>
    %dma_wait3A_505 = tpu.memref_squeeze %dma_wait3A_504 : memref<1x128x64xf32, #tpu.memory_space<vmem>> -> memref<128x64xf32, #tpu.memory_space<vmem>>
    %dma_wait3A_506 = arith.constant 0 : i32
    %dma_wait3A_507 = tpu.memref_slice %arg4[%multiple_of3A, %dma_wait3A_506] : memref<204800x64xf32, #tpu.memory_space<hbm>> -> memref<128x64xf32, #tpu.memory_space<hbm>>
    %dma_wait3A_508 = tpu.memref_slice %arg8[%dma_wait3A_501] : memref<10x!tpu.dma_semaphore, #tpu.memory_space<semaphore_mem>> -> memref<1x!tpu.dma_semaphore, #tpu.memory_space<semaphore_mem>>
    %dma_wait3A_509 = tpu.memref_squeeze %dma_wait3A_508 : memref<1x!tpu.dma_semaphore, #tpu.memory_space<semaphore_mem>> -> memref<!tpu.dma_semaphore, #tpu.memory_space<semaphore_mem>>
    %dma_wait3A_510 = arith.constant 0 : i32
    %dma_wait3A_511 = tpu.memref_slice %arg4[%multiple_of3A, %dma_wait3A_510] : memref<204800x64xf32, #tpu.memory_space<hbm>> -> memref<128x64xf32, #tpu.memory_space<hbm>>
    %dma_wait3A_512 = arith.constant 0 : i32
    %dma_wait3A_513 = arith.constant 0 : i32
    %dma_wait3A_514 = tpu.memref_slice %arg6[%dma_wait3A_500, %dma_wait3A_512, %dma_wait3A_513] : memref<10x128x64xf32, #tpu.memory_space<vmem>> -> memref<1x128x64xf32, #tpu.memory_space<vmem>>
    %dma_wait3A_515 = tpu.memref_squeeze %dma_wait3A_514 : memref<1x128x64xf32, #tpu.memory_space<vmem>> -> memref<128x64xf32, #tpu.memory_space<vmem>>
    tpu.wait_dma2 semaphore(%dma_wait3A_509 : memref<!tpu.dma_semaphore, #tpu.memory_space<semaphore_mem>>) src(%dma_wait3A_515 : memref<128x64xf32, #tpu.memory_space<vmem>>) dst(%dma_wait3A_511 : memref<128x64xf32, #tpu.memory_space<hbm>>)
    %dma_wait3A_516 = arith.constant 4 : i32
    %dma_wait3A_517 = arith.constant 4 : i32
    %dma_wait3A_518 = arith.constant 0 : i32
    %dma_wait3A_519 = arith.constant 0 : i32
    %dma_wait3A_520 = tpu.memref_slice %arg6[%dma_wait3A_516, %dma_wait3A_518, %dma_wait3A_519] : memref<10x128x64xf32, #tpu.memory_space<vmem>> -> memref<1x128x64xf32, #tpu.memory_space<vmem>>
    %dma_wait3A_521 = tpu.memref_squeeze %dma_wait3A_520 : memref<1x128x64xf32, #tpu.memory_space<vmem>> -> memref<128x64xf32, #tpu.memory_space<vmem>>
    %dma_wait3A_522 = arith.constant 0 : i32
    %dma_wait3A_523 = tpu.memref_slice %arg4[%multiple_of3A, %dma_wait3A_522] : memref<204800x64xf32, #tpu.memory_space<hbm>> -> memref<128x64xf32, #tpu.memory_space<hbm>>
    %dma_wait3A_524 = tpu.memref_slice %arg8[%dma_wait3A_517] : memref<10x!tpu.dma_semaphore, #tpu.memory_space<semaphore_mem>> -> memref<1x!tpu.dma_semaphore, #tpu.memory_space<semaphore_mem>>
    %dma_wait3A_525 = tpu.memref_squeeze %dma_wait3A_524 : memref<1x!tpu.dma_semaphore, #tpu.memory_space<semaphore_mem>> -> memref<!tpu.dma_semaphore, #tpu.memory_space<semaphore_mem>>
    %dma_wait3A_526 = arith.constant 0 : i32
    %dma_wait3A_527 = tpu.memref_slice %arg4[%multiple_of3A, %dma_wait3A_526] : memref<204800x64xf32, #tpu.memory_space<hbm>> -> memref<128x64xf32, #tpu.memory_space<hbm>>
    %dma_wait3A_528 = arith.constant 0 : i32
    %dma_wait3A_529 = arith.constant 0 : i32
    %dma_wait3A_530 = tpu.memref_slice %arg6[%dma_wait3A_516, %dma_wait3A_528, %dma_wait3A_529] : memref<10x128x64xf32, #tpu.memory_space<vmem>> -> memref<1x128x64xf32, #tpu.memory_space<vmem>>
    %dma_wait3A_531 = tpu.memref_squeeze %dma_wait3A_530 : memref<1x128x64xf32, #tpu.memory_space<vmem>> -> memref<128x64xf32, #tpu.memory_space<vmem>>
    tpu.wait_dma2 semaphore(%dma_wait3A_525 : memref<!tpu.dma_semaphore, #tpu.memory_space<semaphore_mem>>) src(%dma_wait3A_531 : memref<128x64xf32, #tpu.memory_space<vmem>>) dst(%dma_wait3A_527 : memref<128x64xf32, #tpu.memory_space<hbm>>)
    %dma_wait3A_532 = arith.constant 5 : i32
    %dma_wait3A_533 = arith.constant 5 : i32
    %dma_wait3A_534 = arith.constant 0 : i32
    %dma_wait3A_535 = arith.constant 0 : i32
    %dma_wait3A_536 = tpu.memref_slice %arg6[%dma_wait3A_532, %dma_wait3A_534, %dma_wait3A_535] : memref<10x128x64xf32, #tpu.memory_space<vmem>> -> memref<1x128x64xf32, #tpu.memory_space<vmem>>
    %dma_wait3A_537 = tpu.memref_squeeze %dma_wait3A_536 : memref<1x128x64xf32, #tpu.memory_space<vmem>> -> memref<128x64xf32, #tpu.memory_space<vmem>>
    %dma_wait3A_538 = arith.constant 0 : i32
    %dma_wait3A_539 = tpu.memref_slice %arg4[%multiple_of3A, %dma_wait3A_538] : memref<204800x64xf32, #tpu.memory_space<hbm>> -> memref<128x64xf32, #tpu.memory_space<hbm>>
    %dma_wait3A_540 = tpu.memref_slice %arg8[%dma_wait3A_533] : memref<10x!tpu.dma_semaphore, #tpu.memory_space<semaphore_mem>> -> memref<1x!tpu.dma_semaphore, #tpu.memory_space<semaphore_mem>>
    %dma_wait3A_541 = tpu.memref_squeeze %dma_wait3A_540 : memref<1x!tpu.dma_semaphore, #tpu.memory_space<semaphore_mem>> -> memref<!tpu.dma_semaphore, #tpu.memory_space<semaphore_mem>>
    %dma_wait3A_542 = arith.constant 0 : i32
    %dma_wait3A_543 = tpu.memref_slice %arg4[%multiple_of3A, %dma_wait3A_542] : memref<204800x64xf32, #tpu.memory_space<hbm>> -> memref<128x64xf32, #tpu.memory_space<hbm>>
    %dma_wait3A_544 = arith.constant 0 : i32
    %dma_wait3A_545 = arith.constant 0 : i32
    %dma_wait3A_546 = tpu.memref_slice %arg6[%dma_wait3A_532, %dma_wait3A_544, %dma_wait3A_545] : memref<10x128x64xf32, #tpu.memory_space<vmem>> -> memref<1x128x64xf32, #tpu.memory_space<vmem>>
    %dma_wait3A_547 = tpu.memref_squeeze %dma_wait3A_546 : memref<1x128x64xf32, #tpu.memory_space<vmem>> -> memref<128x64xf32, #tpu.memory_space<vmem>>
    tpu.wait_dma2 semaphore(%dma_wait3A_541 : memref<!tpu.dma_semaphore, #tpu.memory_space<semaphore_mem>>) src(%dma_wait3A_547 : memref<128x64xf32, #tpu.memory_space<vmem>>) dst(%dma_wait3A_543 : memref<128x64xf32, #tpu.memory_space<hbm>>)
    %dma_wait3A_548 = arith.constant 6 : i32
    %dma_wait3A_549 = arith.constant 6 : i32
    %dma_wait3A_550 = arith.constant 0 : i32
    %dma_wait3A_551 = arith.constant 0 : i32
    %dma_wait3A_552 = tpu.memref_slice %arg6[%dma_wait3A_548, %dma_wait3A_550, %dma_wait3A_551] : memref<10x128x64xf32, #tpu.memory_space<vmem>> -> memref<1x128x64xf32, #tpu.memory_space<vmem>>
    %dma_wait3A_553 = tpu.memref_squeeze %dma_wait3A_552 : memref<1x128x64xf32, #tpu.memory_space<vmem>> -> memref<128x64xf32, #tpu.memory_space<vmem>>
    %dma_wait3A_554 = arith.constant 0 : i32
    %dma_wait3A_555 = tpu.memref_slice %arg4[%multiple_of3A, %dma_wait3A_554] : memref<204800x64xf32, #tpu.memory_space<hbm>> -> memref<128x64xf32, #tpu.memory_space<hbm>>
    %dma_wait3A_556 = tpu.memref_slice %arg8[%dma_wait3A_549] : memref<10x!tpu.dma_semaphore, #tpu.memory_space<semaphore_mem>> -> memref<1x!tpu.dma_semaphore, #tpu.memory_space<semaphore_mem>>
    %dma_wait3A_557 = tpu.memref_squeeze %dma_wait3A_556 : memref<1x!tpu.dma_semaphore, #tpu.memory_space<semaphore_mem>> -> memref<!tpu.dma_semaphore, #tpu.memory_space<semaphore_mem>>
    %dma_wait3A_558 = arith.constant 0 : i32
    %dma_wait3A_559 = tpu.memref_slice %arg4[%multiple_of3A, %dma_wait3A_558] : memref<204800x64xf32, #tpu.memory_space<hbm>> -> memref<128x64xf32, #tpu.memory_space<hbm>>
    %dma_wait3A_560 = arith.constant 0 : i32
    %dma_wait3A_561 = arith.constant 0 : i32
    %dma_wait3A_562 = tpu.memref_slice %arg6[%dma_wait3A_548, %dma_wait3A_560, %dma_wait3A_561] : memref<10x128x64xf32, #tpu.memory_space<vmem>> -> memref<1x128x64xf32, #tpu.memory_space<vmem>>
    %dma_wait3A_563 = tpu.memref_squeeze %dma_wait3A_562 : memref<1x128x64xf32, #tpu.memory_space<vmem>> -> memref<128x64xf32, #tpu.memory_space<vmem>>
    tpu.wait_dma2 semaphore(%dma_wait3A_557 : memref<!tpu.dma_semaphore, #tpu.memory_space<semaphore_mem>>) src(%dma_wait3A_563 : memref<128x64xf32, #tpu.memory_space<vmem>>) dst(%dma_wait3A_559 : memref<128x64xf32, #tpu.memory_space<hbm>>)
    %dma_wait3A_564 = arith.constant 7 : i32
    %dma_wait3A_565 = arith.constant 7 : i32
    %dma_wait3A_566 = arith.constant 0 : i32
    %dma_wait3A_567 = arith.constant 0 : i32
    %dma_wait3A_568 = tpu.memref_slice %arg6[%dma_wait3A_564, %dma_wait3A_566, %dma_wait3A_567] : memref<10x128x64xf32, #tpu.memory_space<vmem>> -> memref<1x128x64xf32, #tpu.memory_space<vmem>>
    %dma_wait3A_569 = tpu.memref_squeeze %dma_wait3A_568 : memref<1x128x64xf32, #tpu.memory_space<vmem>> -> memref<128x64xf32, #tpu.memory_space<vmem>>
    %dma_wait3A_570 = arith.constant 0 : i32
    %dma_wait3A_571 = tpu.memref_slice %arg4[%multiple_of3A, %dma_wait3A_570] : memref<204800x64xf32, #tpu.memory_space<hbm>> -> memref<128x64xf32, #tpu.memory_space<hbm>>
    %dma_wait3A_572 = tpu.memref_slice %arg8[%dma_wait3A_565] : memref<10x!tpu.dma_semaphore, #tpu.memory_space<semaphore_mem>> -> memref<1x!tpu.dma_semaphore, #tpu.memory_space<semaphore_mem>>
    %dma_wait3A_573 = tpu.memref_squeeze %dma_wait3A_572 : memref<1x!tpu.dma_semaphore, #tpu.memory_space<semaphore_mem>> -> memref<!tpu.dma_semaphore, #tpu.memory_space<semaphore_mem>>
    %dma_wait3A_574 = arith.constant 0 : i32
    %dma_wait3A_575 = tpu.memref_slice %arg4[%multiple_of3A, %dma_wait3A_574] : memref<204800x64xf32, #tpu.memory_space<hbm>> -> memref<128x64xf32, #tpu.memory_space<hbm>>
    %dma_wait3A_576 = arith.constant 0 : i32
    %dma_wait3A_577 = arith.constant 0 : i32
    %dma_wait3A_578 = tpu.memref_slice %arg6[%dma_wait3A_564, %dma_wait3A_576, %dma_wait3A_577] : memref<10x128x64xf32, #tpu.memory_space<vmem>> -> memref<1x128x64xf32, #tpu.memory_space<vmem>>
    %dma_wait3A_579 = tpu.memref_squeeze %dma_wait3A_578 : memref<1x128x64xf32, #tpu.memory_space<vmem>> -> memref<128x64xf32, #tpu.memory_space<vmem>>
    tpu.wait_dma2 semaphore(%dma_wait3A_573 : memref<!tpu.dma_semaphore, #tpu.memory_space<semaphore_mem>>) src(%dma_wait3A_579 : memref<128x64xf32, #tpu.memory_space<vmem>>) dst(%dma_wait3A_575 : memref<128x64xf32, #tpu.memory_space<hbm>>)
    %dma_wait3A_580 = arith.constant 8 : i32
    %dma_wait3A_581 = arith.constant 8 : i32
    %dma_wait3A_582 = arith.constant 0 : i32
    %dma_wait3A_583 = arith.constant 0 : i32
    %dma_wait3A_584 = tpu.memref_slice %arg6[%dma_wait3A_580, %dma_wait3A_582, %dma_wait3A_583] : memref<10x128x64xf32, #tpu.memory_space<vmem>> -> memref<1x128x64xf32, #tpu.memory_space<vmem>>
    %dma_wait3A_585 = tpu.memref_squeeze %dma_wait3A_584 : memref<1x128x64xf32, #tpu.memory_space<vmem>> -> memref<128x64xf32, #tpu.memory_space<vmem>>
    %dma_wait3A_586 = arith.constant 0 : i32
    %dma_wait3A_587 = tpu.memref_slice %arg4[%multiple_of3A, %dma_wait3A_586] : memref<204800x64xf32, #tpu.memory_space<hbm>> -> memref<128x64xf32, #tpu.memory_space<hbm>>
    %dma_wait3A_588 = tpu.memref_slice %arg8[%dma_wait3A_581] : memref<10x!tpu.dma_semaphore, #tpu.memory_space<semaphore_mem>> -> memref<1x!tpu.dma_semaphore, #tpu.memory_space<semaphore_mem>>
    %dma_wait3A_589 = tpu.memref_squeeze %dma_wait3A_588 : memref<1x!tpu.dma_semaphore, #tpu.memory_space<semaphore_mem>> -> memref<!tpu.dma_semaphore, #tpu.memory_space<semaphore_mem>>
    %dma_wait3A_590 = arith.constant 0 : i32
    %dma_wait3A_591 = tpu.memref_slice %arg4[%multiple_of3A, %dma_wait3A_590] : memref<204800x64xf32, #tpu.memory_space<hbm>> -> memref<128x64xf32, #tpu.memory_space<hbm>>
    %dma_wait3A_592 = arith.constant 0 : i32
    %dma_wait3A_593 = arith.constant 0 : i32
    %dma_wait3A_594 = tpu.memref_slice %arg6[%dma_wait3A_580, %dma_wait3A_592, %dma_wait3A_593] : memref<10x128x64xf32, #tpu.memory_space<vmem>> -> memref<1x128x64xf32, #tpu.memory_space<vmem>>
    %dma_wait3A_595 = tpu.memref_squeeze %dma_wait3A_594 : memref<1x128x64xf32, #tpu.memory_space<vmem>> -> memref<128x64xf32, #tpu.memory_space<vmem>>
    tpu.wait_dma2 semaphore(%dma_wait3A_589 : memref<!tpu.dma_semaphore, #tpu.memory_space<semaphore_mem>>) src(%dma_wait3A_595 : memref<128x64xf32, #tpu.memory_space<vmem>>) dst(%dma_wait3A_591 : memref<128x64xf32, #tpu.memory_space<hbm>>)
    %dma_wait3A_596 = arith.constant 9 : i32
    %dma_wait3A_597 = arith.constant 9 : i32
    %dma_wait3A_598 = arith.constant 0 : i32
    %dma_wait3A_599 = arith.constant 0 : i32
    %dma_wait3A_600 = tpu.memref_slice %arg6[%dma_wait3A_596, %dma_wait3A_598, %dma_wait3A_599] : memref<10x128x64xf32, #tpu.memory_space<vmem>> -> memref<1x128x64xf32, #tpu.memory_space<vmem>>
    %dma_wait3A_601 = tpu.memref_squeeze %dma_wait3A_600 : memref<1x128x64xf32, #tpu.memory_space<vmem>> -> memref<128x64xf32, #tpu.memory_space<vmem>>
    %dma_wait3A_602 = arith.constant 0 : i32
    %dma_wait3A_603 = tpu.memref_slice %arg4[%multiple_of3A, %dma_wait3A_602] : memref<204800x64xf32, #tpu.memory_space<hbm>> -> memref<128x64xf32, #tpu.memory_space<hbm>>
    %dma_wait3A_604 = tpu.memref_slice %arg8[%dma_wait3A_597] : memref<10x!tpu.dma_semaphore, #tpu.memory_space<semaphore_mem>> -> memref<1x!tpu.dma_semaphore, #tpu.memory_space<semaphore_mem>>
    %dma_wait3A_605 = tpu.memref_squeeze %dma_wait3A_604 : memref<1x!tpu.dma_semaphore, #tpu.memory_space<semaphore_mem>> -> memref<!tpu.dma_semaphore, #tpu.memory_space<semaphore_mem>>
    %dma_wait3A_606 = arith.constant 0 : i32
    %dma_wait3A_607 = tpu.memref_slice %arg4[%multiple_of3A, %dma_wait3A_606] : memref<204800x64xf32, #tpu.memory_space<hbm>> -> memref<128x64xf32, #tpu.memory_space<hbm>>
    %dma_wait3A_608 = arith.constant 0 : i32
    %dma_wait3A_609 = arith.constant 0 : i32
    %dma_wait3A_610 = tpu.memref_slice %arg6[%dma_wait3A_596, %dma_wait3A_608, %dma_wait3A_609] : memref<10x128x64xf32, #tpu.memory_space<vmem>> -> memref<1x128x64xf32, #tpu.memory_space<vmem>>
    %dma_wait3A_611 = tpu.memref_squeeze %dma_wait3A_610 : memref<1x128x64xf32, #tpu.memory_space<vmem>> -> memref<128x64xf32, #tpu.memory_space<vmem>>
    tpu.wait_dma2 semaphore(%dma_wait3A_605 : memref<!tpu.dma_semaphore, #tpu.memory_space<semaphore_mem>>) src(%dma_wait3A_611 : memref<128x64xf32, #tpu.memory_space<vmem>>) dst(%dma_wait3A_607 : memref<128x64xf32, #tpu.memory_space<hbm>>)
    return
  }
}

module attributes {stable_mosaic.version = 14 : i64} {
  func.func @_tc_tr_body(%arg0: i32, %arg1: memref<64x8192xf32, #tpu.memory_space<vmem>>, %arg2: memref<8192x128xf32, #tpu.memory_space<vmem>>) attributes {dimension_semantics = [#tpu.dimension_semantics<arbitrary>], iteration_bounds = array<i64: 123>, scalar_prefetch = 0 : i64, scratch_operands = 0 : i64, tpu.core_type = #tpu.core_type<tc>, window_params = [{transform_indices = @transform_0, window_bounds = array<i64: 64, 8192>}, {transform_indices = @transform_1, window_bounds = array<i64: 8192, 128>}]} {
    %get3A = arith.constant 0 : index
    %get3A_0 = arith.constant 0 : index
    %get3A_1 = vector.load %arg1[%get3A, %get3A_0] : memref<64x8192xf32, #tpu.memory_space<vmem>>, vector<64x8192xf32>
    %transpose3A = tpu.transpose %get3A_1, [1, 0] : vector<64x8192xf32> -> vector<8192x64xf32>
    %swap3A = arith.constant 0 : index
    %swap3A_2 = arith.constant 0 : index
    %swap3A_3 = vector.load %arg2[%swap3A, %swap3A_2] : memref<8192x128xf32, #tpu.memory_space<vmem>>, vector<8192x64xf32>
    tpu.vector_store %arg2[%swap3A, %swap3A_2], %transpose3A {strides = array<i32>} : memref<8192x128xf32, #tpu.memory_space<vmem>>, vector<8192x64xf32>,
    return
  }
  func.func @transform_0(%arg0: i32) -> (i32, i32) {
    %c0_i32 = arith.constant 0 : i32
    %c0_i32_0 = arith.constant 0 : i32
    return %c0_i32, %arg0 : i32, i32
  }
  func.func @transform_1(%arg0: i32) -> (i32, i32) {
    %c0_i32 = arith.constant 0 : i32
    %c0_i32_0 = arith.constant 0 : i32
    return %arg0, %c0_i32 : i32, i32
  }
}

</mosaic_0001>

<sc_bundles>
// kernel: kernel.4.cloned.1.call-start
scs
__scs_entry_jumppad:
0x0: {  	(pc) =	sbr.rel $0x88, $3  }
0x1: {  	(tag) =	ssettag $0x0;
	lr =	simm.s32 $0x1  }
0x2: {  	[smem:$0x3F9F] =	sst lr;
	_ =	strace $0xD0000000  }
0x3: {  	_ = 	snop  }
0x4: {  	_ = 	snop  }
0x5: {  	_ = 	snop  }
0x6: {  	_ = 	snop  }
0x7: {  	_ = 	snop  }
__scs_overlays_trampoline_lowered:
0x8: {  	[smem:$0x3FAE] =	sst s0  }
0x9: {  	[smem:$0x3FAF] =	sst s1  }
0xa: {  	[smem:$0x3FB0] =	sst s2  }
0xb: {  	[smem:$0x3FB1] =	sst s3  }
0xc: {  	[smem:$0x3FB2] =	sst s4  }
0xd: {  	[smem:$0x3FB3] =	sst s5  }
0xe: {  	[smem:$0x3FB4] =	sst s6  }
0xf: {  	[smem:$0x3FB5] =	sst s7  }
0x10: {  	[smem:$0x3FB6] =	sst s8  }
0x11: {  	[smem:$0x3FB7] =	sst s9;
	s0 =	simm.s32 @!p0 $0x0  }
0x12: {  	s1 =	sld [smem:$0x3F9D];
	s0 =	simm.s32 @p0 $0x1  }
0x13: {  	[smem:$0x3FB8] =	sst s0;
	s0 =	simm.s32 @!p1 $0x0  }
0x14: {  	s2 =	sld [smem:$0x3F9C];
	s0 =	simm.s32 @p1 $0x1  }
0x15: {  	[smem:$0x3FB9] =	sst s0;
	s0 =	simm.s32 @!p2 $0x0  }
0x16: {  	s3 =	sld [smem:$0x3FDB];
	s0 =	simm.s32 @p2 $0x1  }
0x17: {  	s4 =	simm.s32 $0x1BF5;
	[smem:$0x3FBB] =	sst s0  }
0x18: {  	s0 =	sld [smem:$0x3F9E];
	_ =	swait.ge [sflag:s4], $0x0  }
0x19: {  	s7 =	sld [smem:$0x3F9F]  }
0x1a: {  	s8 =	sadd.s32 $0xFFFFE003, lr  }
0x1b: {  	s9 =	sadd.s32 $0xFFFFFEF7, lr;
	s5 =	simm.s32 $0xFFFFFFFF;
	p2 =	slt.u32 s8, $0xFFFFF086  }
0x1c: {  	p1 =	slt.u32 s9, $0xF7A;
	s5 =	simm.s32 @!p2 $0x0  }
0x1d: {  	s5 =	simm.s32 @p1 $0x1;
	p0 =	seq.s32 s7, s2  }
0x1e: {  	s7 =	smul.u32 @!p0 $0xF7A, s2;
	p2 =	seq.s32 @!p0 s5, $0x0  }
0x1f: {  	s9 =	smul.u32 $0xF7A, s1;
	s8 =	simm.s32 @!p0 $0x1BF5;
	p2 =	por !p2, p0  }
0x20: {  	[sflag:s8] =	ssyncset.s32 @!p0 $0xFFFFF086;
	s6 =	sadd.s32 @!p0 s3, s7;
	s7 =	simm.s32 @!p0 $0x108  }
0x21: {  	s3 =	sadd.s32 s3, s9;
	s6 =	sadd.s32 @!p0 $0x88, s6;
	s7 =	simm.s32 @p2 $0x1082  }
0x22: {  	[simem:s7], [sflag:s8] =	dma.local @!p0 [hbm:s6], $0xF7A  }
0x23: {  	s9 =	sor.u32 $0xD0000000, s2;
	s6 =	simm.s32 $0x108;
	_ =	swait.ge @!p0 [sflag:s8], $0x0  }
0x24: {  	s3 =	sadd.s32 $0x88, s3;
	s6 =	simm.s32 @!p1 $0x1082;
	[sflag:s4] =	ssyncset.s32 $0xFFFFF086  }
0x25: {  	[simem:s6], [sflag:s4] =	dma.local [hbm:s3], $0xF7A  }
0x26: {  	[smem:$0x3F9F] =	sst s1;
	(tag) =	ssettag s2;
	_ =	strace s9  }
0x27: {  	s1 =	sld [smem:$0x3FAF]  }
0x28: {  	s2 =	sld [smem:$0x3FB0]  }
0x29: {  	s4 =	sld [smem:$0x3FB2]  }
0x2a: {  	p0 =	seq.s32 s5, $0x0;
	s5 =	sld [smem:$0x3FB3]  }
0x2b: {  	s6 =	sld [smem:$0x3FB4]  }
0x2c: {  	s7 =	sld [smem:$0x3FB5]  }
0x2d: {  	s3 =	simm.s32 $0x108;
	s8 =	sld [smem:$0x3FB6]  }
0x2e: {  	s3 =	simm.s32 @!p0 $0x1082;
	s9 =	sld [smem:$0x3FB7]  }
0x2f: {  	lr =	sadd.s32 s0, s3;
	s0 =	sld [smem:$0x3FAE]  }
0x30: {  	s3 =	sld [smem:$0x3FB1]  }
0x31: {  	[smem:$0x3FBA] =	sst s10  }
0x32: {  	s10 =	sld [smem:$0x3FB8];
	_ =	sdelay $0x3  }
0x33: {  	p0 =	seq.s32 s10, $0x1;
	s10 =	sld [smem:$0x3FBA];
	_ =	sdelay $0x3  }
0x34: {  	[smem:$0x3FBA] =	sst s10  }
0x35: {  	s10 =	sld [smem:$0x3FB9];
	_ =	sdelay $0x3  }
0x36: {  	p1 =	seq.s32 s10, $0x1;
	s10 =	sld [smem:$0x3FBA];
	_ =	sdelay $0x3  }
0x37: {  	[smem:$0x3FBA] =	sst s10  }
0x38: {  	s10 =	sld [smem:$0x3FBB]  }
0x39: {  	_ = 	snop;
	(pc) =	sbr.ind lr, $3  }
0x3a: {  	_ = 	snop  }
0x3b: {  	_ = 	snop  }
0x3c: {  	p2 =	seq.s32 s10, $0x1;
	s10 =	sld [smem:$0x3FBA]  }
0x3d: {  	_ =	shalt  }
0x3e: {  	_ =	shalt  }
0x3f: {  	_ =	shalt  }
0x40: {  	_ =	shalt  }
0x41: {  	_ =	shalt  }
0x42: {  	_ =	shalt  }
0x43: {  	_ =	shalt  }
0x44: {  	_ =	shalt  }
0x45: {  	_ =	shalt  }
0x46: {  	_ =	shalt  }
0x47: {  	_ =	shalt  }
0x48: {  	_ =	shalt  }
0x49: {  	_ =	shalt  }
0x4a: {  	_ =	shalt  }
0x4b: {  	_ =	shalt  }
0x4c: {  	_ =	shalt  }
0x4d: {  	_ =	shalt  }
0x4e: {  	_ =	shalt  }
0x4f: {  	_ =	shalt  }
0x50: {  	_ =	shalt  }
0x51: {  	_ =	shalt  }
0x52: {  	_ =	shalt  }
0x53: {  	_ =	shalt  }
0x54: {  	_ =	shalt  }
0x55: {  	_ =	shalt  }
0x56: {  	_ =	shalt  }
0x57: {  	_ =	shalt  }
0x58: {  	_ =	shalt  }
0x59: {  	_ =	shalt  }
0x5a: {  	_ =	shalt  }
0x5b: {  	_ =	shalt  }
0x5c: {  	_ =	shalt  }
0x5d: {  	_ =	shalt  }
0x5e: {  	_ =	shalt  }
0x5f: {  	_ =	shalt  }
0x60: {  	_ =	shalt  }
0x61: {  	_ =	shalt  }
0x62: {  	_ =	shalt  }
0x63: {  	_ =	shalt  }
0x64: {  	_ =	shalt  }
0x65: {  	_ =	shalt  }
0x66: {  	_ =	shalt  }
0x67: {  	_ =	shalt  }
0x68: {  	_ =	shalt  }
0x69: {  	_ =	shalt  }
0x6a: {  	_ =	shalt  }
0x6b: {  	_ =	shalt  }
0x6c: {  	_ =	shalt  }
0x6d: {  	_ =	shalt  }
0x6e: {  	_ =	shalt  }
0x6f: {  	_ =	shalt  }
0x70: {  	_ =	shalt  }
0x71: {  	_ =	shalt  }
0x72: {  	_ =	shalt  }
0x73: {  	_ =	shalt  }
0x74: {  	_ =	shalt  }
0x75: {  	_ =	shalt  }
0x76: {  	_ =	shalt  }
0x77: {  	_ =	shalt  }
0x78: {  	_ =	shalt  }
0x79: {  	_ =	shalt  }
0x7a: {  	_ =	shalt  }
0x7b: {  	_ =	shalt  }
0x7c: {  	_ =	shalt  }
0x7d: {  	_ =	shalt  }
0x7e: {  	_ =	shalt  }
0x7f: {  	_ =	shalt  }
0x80: {  	_ =	shalt  }
0x81: {  	_ =	shalt  }
0x82: {  	_ =	shalt  }
0x83: {  	_ =	shalt  }
0x84: {  	_ =	shalt  }
0x85: {  	_ =	shalt  }
0x86: {  	_ =	shalt  }
0x87: {  	_ =	shalt  }
.Lfunc_end0:
.L_simem_size_0:
called_computation.1_lowered:
.L_overlay_start_0:
0x88: {  	s2 =	sld [smem:$0x3FD9]  }
0x89: {  	s3 =	sld [smem:$0x3FFE];
	_ =	sdelay $0x1  }
0x8a: {  	s1 =	srdreg.scid  }
0x8b: {  	s0 =	sand.u32 $0x1, s1  }
0x8c: {  	s17 =	sshll.u32 s0, $0xA;
	s2 =	sadd.s32 s3, s2  }
0x8d: {  	s2 =	sadd.s32 s2, s17  }
0x8e: {  	[smem:$0x3FC6] =	sst s2  }
0x8f: {  	_ = 	snop  }
0x90: {  	s2 =	sld [smem:$0x3FD0];
	(tm) =	ssettm $0x1  }
0x91: {  	s18 =	sld [smem:$0x3FFB];
	_ =	sdelay $0x3  }
0x92: {  	_ =	strace s18  }
0x93: {  	s3 =	sld [smem:$0x3FFC];
	_ =	sdelay $0x3  }
0x94: {  	_ =	strace s3  }
0x95: {  	s3 =	sld [smem:$0x3FFD];
	_ =	sdelay $0x3  }
0x96: {  	_ =	strace s3  }
0x97: {  	_ =	strace $0x8FFFFFFF  }
0x98: {  	s19 =	sld [smem:$0x3FDB];
	_ =	sdelay $0x1  }
0x99: {  	s4 =	simm.s32 $_scs_section_size  }
0x9a: {  	s5 =	simm.s32 $_size__tile_overlayer_lowered;
	s6 =	simm.s32 $_tile_overlayer_lowered  }
0x9b: {  	s22 =	simm.s32 $0x1BFF;
	s21 =	sshll.u32 s6, $0x1;
	s3 =	sadd.s32 s4, s19  }
0x9c: {  	s7 =	simm.s32 $0x0;
	s20 =	sshll.u32 s5, $0x1;
	s5 =	sadd.s32 s21, s3  }
0x9d: {  	[timem:s7], [sflag:s22] =	dma.local [hbm:s5], s20  }
0x9e: {  	_ =	swait.ge [sflag:s22], s20  }
0x9f: {  	s4 =	ssub.s32 $0x0, s20;
	[sflag:s22] =	ssyncset.done $0x0  }
0xa0: {  	[sflag:s22] =	ssyncadd.s32 s4;
	_ =	sdelay $0x1  }
0xa1: {  	s23 =	simm.s32 $0x1B8B  }
0xa2: {  	_ =	swait.ge [sflag:s23], $0x1  }
0xa3: {  	[sflag:s23] =	ssyncset.done $0x0  }
0xa4: {  	s25 =	simm.s32 $0x1B8E;
	s24 =	sld [smem:$0x3FFE];
	[sflag:s23] =	ssyncadd.s32 $0xFFFFFFFF  }
0xa5: {  	s26 =	simm.s32 $execute0_lowered;
	[smem:$0x3FD2] =	sst s25  }
0xa6: {  	s5 =	sshll.u32 s26, $0x1;
	_ =	strace $0x80000046;
	[dreg:$0x1] =	wrdreg $0xFFFFFFFF  }
0xa7: {  	s28 =	simm.s32 $_size_execute0_lowered;
	s3 =	sadd.s32 s3, s5;
	[dreg:$0x0] =	wrdreg $0x0  }
0xa8: {  	s5 =	sshll.u32 s28, $0x1;
	[dreg:$0x2] =	wrdreg s3  }
0xa9: {  	[dreg:$0x3] =	wrdreg s5  }
0xaa: {  	[dreg:$0x4] =	wrdreg $0xC0  }
0xab: {  	_ =	task [dreg:s7], $0x5FFFF  }
0xac: {  	[dreg:$0x1] =	wrdreg $0xFFFFFFFF  }
0xad: {  	[dreg:$0x0] =	wrdreg $0x60  }
0xae: {  	[dreg:$0x2] =	wrdreg s24  }
0xaf: {  	[dreg:$0x3] =	wrdreg s2  }
0xb0: {  	[dreg:$0x4] =	wrdreg $0x9  }
0xb1: {  	_ =	task.clear_ibuf [dreg:s7], $0x5FFFF;
	_ =	strace $0x90000046  }
0xb2: {  	s29 =	simm.s32 $0x9;
	_ =	strace $0x80000048  }
0xb3: {  	_ =	swait.ge [sflag:s29], $0x1  }
0xb4: {  	[sflag:s29] =	ssyncadd.s32 $0xFFFFFFFF  }
0xb5: {  	_ =	strace $0x90000048  }
0xb6: {  	_ =	sfence  }
0xb7: {  	s30 =	sld [smem:$0x0];
	_ =	sdelay $0x2  }
0xb8: {  	s31 =	sshll.u32 s1, $0xD;
	s1 =	sshrl.u32 s1, $0x2  }
0xb9: {  	s3 =	sand.u32 $0x4000, s31;
	s1 =	sadd.s32 s1, s30  }
0xba: {  	s0 =	sor.u32 s3, s0;
	s1 =	sshll.u32 s1, $0x11  }
0xbb: {  	s0 =	sor.u32 s1, s0  }
0xbc: {  	s0 =	sadd.s32 $0x8F2B, s0  }
0xbd: {  	[sflag:s0] =	ssyncadd.remote.s32 $0x1  }
0xbe: {  	_ =	sfence.sel $0xFFFF  }
0xbf: {  	[dreg:$0x0] =	wrdreg $0xFFFFFFFF;
	(pc) =	sbr.abs _section_cstart, $3  }
0xc0: {  	[dreg:$0x1] =	wrdreg $0xFFFFFFFF  }
0xc1: {  	_ =	task.clear_ibuf [dreg:s7], $0x2FFFF;
	_ =	strace $0x9FFFFFFF  }
0xc2: {  	(tm) =	ssettm $0x7FFFFFFF  }
0xc3: {  	_ =	shalt  }
tec
execute0_lowered:
.L_overlay_start_1:
0x0: {  	(tag) =	ssettag $0x1  }
0x1: {  	s0 =	srdreg.scid  }
0x2: {  	s6 =	stileid.u32;
	s1 =	rddreg [dreg:$0x0]  }
0x3: {  	s9 =	rddreg [dreg:$0x1];
	s3 =	simm.s32 $0x0;
	s30 =	simm.s32 $0xF900  }
0x4: {  	s0 =	sand.u32 $0x1, s0;
	s2 =	sshll.u32 s6, $0x1;
	s6 =	smul.u32 $0x3200, s6  }
0x5: {  	s2 =	sor.u32 s0, s2;
	s8 =	ssub.s32 $0x2, s0;
	s0 =	smul.u32 $0x1900, s0  }
0x6: {  	s28 =	simm.s32 $0x11900;
	s29 =	simm.s32 $0x13900;
	s4 =	smul.u32 $0x1900, s2  }
0x7: {  	s31 =	simm.s32 $0x10;
	[smem:$0x7FF] =	sst s3;
	s5 =	smul.u32 $0xC800, s2  }
0x8: {  	_ =	strace $0x80000047;
	s10 =	sshrl.u32 s8, $0x1;
	s2 =	smul.u32 $0x64000, s2  }
0x9: {  	s0 =	sadd.s32 s0, s6;
	s6 =	simm.s32 $0x6;
	s5 =	sadd.s32 s9, s5  }
0xa: {  	s0 =	sshll.u32 s0, $0x3;
	[dreg:$0xe] =	wrdreg s5;
	s5 =	sadd.s32 $0x400, s5  }
0xb: {  	s4 =	sshrl.u32 s4, $0x3;
	s11 =	sadd.s32 $0x4C00, s0;
	[dreg:$0xf] =	wrdreg s5  }
0xc: {  	s2 =	sshrl.u32 s2, $0x3;
	s13 =	sadd.s32 $0x4800, s0;
	[dreg:$0x3] =	wrdreg s11  }
0xd: {  	s7 =	sadd.s32 s4, s1;
	s15 =	sadd.s32 $0x4400, s0;
	[dreg:$0x4] =	wrdreg s13  }
0xe: {  	s4 =	sadd.s32 $0x6C00, s1;
	s17 =	sadd.s32 $0x4000, s0;
	[dreg:$0x5] =	wrdreg s15  }
0xf: {  	s1 =	ssub.s32 s8, s10;
	s19 =	sadd.s32 $0x3C00, s0;
	[dreg:$0x6] =	wrdreg s17  }
0x10: {  	s2 =	sadd.s32 s9, s2;
	s21 =	sadd.s32 $0x3800, s0;
	[dreg:$0x7] =	wrdreg s19  }
0x11: {  	s23 =	sadd.s32 $0x3400, s0;
	s25 =	sadd.s32 $0x3000, s0;
	[dreg:$0x8] =	wrdreg s21  }
0x12: {  	s26 =	sadd.s32 $0x2C00, s0;
	s0 =	sadd.s32 $0x2800, s0;
	[dreg:$0x9] =	wrdreg s23  }
0x13: {  	s8 =	simm.s32 $0x2;
	s9 =	simm.s32 $0x3;
	[dreg:$0xa] =	wrdreg s25  }
0x14: {  	s10 =	simm.s32 $0x4;
	s7 =	sadd.s32 $0x800, s7;
	[dreg:$0xb] =	wrdreg s26  }
0x15: {  	s12 =	sadd.s32 $0x800, s2;
	s14 =	sadd.s32 $0xC00, s2;
	[dreg:$0xc] =	wrdreg s0  }
0x16: {  	s16 =	sadd.s32 $0x1000, s2;
	s18 =	sadd.s32 $0x1400, s2;
	[dreg:$0xd] =	wrdreg s7  }
0x17: {  	s20 =	sadd.s32 $0x1800, s2;
	s22 =	sadd.s32 $0x1C00, s2;
	[dreg:$0x10] =	wrdreg s12  }
0x18: {  	s24 =	sadd.s32 $0x2000, s2;
	s2 =	sadd.s32 $0x2400, s2;
	[dreg:$0x11] =	wrdreg s14  }
0x19: {  	s1 =	smax.u32 s1, $0x1;
	s26 =	simm.s32 $0x1900;
	[dreg:$0x12] =	wrdreg s16  }
0x1a: {  	s0 =	simm.s32 $0x3900;
	s5 =	simm.s32 $0x5900;
	[dreg:$0x13] =	wrdreg s18  }
0x1b: {  	s25 =	simm.s32 $0x7900;
	s21 =	simm.s32 $0x9900;
	[dreg:$0x14] =	wrdreg s20  }
0x1c: {  	s11 =	simm.s32 $0x5;
	s13 =	simm.s32 $0x8;
	[dreg:$0x15] =	wrdreg s22  }
0x1d: {  	s15 =	simm.s32 $0xA;
	s17 =	simm.s32 $0xC;
	[dreg:$0x16] =	wrdreg s24  }
0x1e: {  	s19 =	simm.s32 $0xE;
	s23 =	simm.s32 $0x0;
	[dreg:$0x17] =	wrdreg s2  }
0x1f: {  	[dreg:$0x18] =	wrdreg s1;
	s18 =	simm.s32 $0x80;
	s1 =	simm.s32 $0xB900  }
0x20: {  	s7 =	simm.s32 $0x1;
	s12 =	simm.s32 $0x7;
	s14 =	simm.s32 $0x9  }
0x21: {  	s16 =	simm.s32 $0xB;
	s2 =	simm.s32 $0xD;
	s20 =	simm.s32 $0xF  }
.LBB2_1:
0x22: {  	[dreg:$0x19] =	wrdreg s23  }
0x23: {  	s22 =	rddreg [dreg:$0xd];
	s24 =	simm.s32 $0x15  }
0x24: {  	[tilespmem:s3], [sflag:$0x15] =	stream.linear.gather [hbm4b:s22+s3], $0x1900, $0x38;
	[tilespmem:$0x15900] =	vst v63  }
0x25: {  	_ =	swait.ge [sflag:s24], $0x1900  }
0x26: {  	[sflag:s24] =	ssyncset.done $0x0  }
0x27: {  	s22 =	simm.s32 $0x0;
	[sflag:s24] =	ssyncadd.s32 $0xFFFFE700;
	s24 =	simm.s32 $0x40  }
.LBB2_2:
0x28: {  	p0 =	sne.s32 s24, $0x63C0;
	v0 =	vld [tilespmem:s22+$0x0];
	_ =	sdelay $0x1  }
.Ltmp0:
0x29: {  	(pc) =	sbr.rel @p0 .LBB2_2-.Ltmp0, $3  }
0x2a: {  	_ =	sdelay $0x1  }
0x2b: {  	v0 =	vshll.u32 v0, $0x1  }
0x2c: {  	[tilespmem:s22+$0x0] =	vst v0;
	s22 =	sshra.s32 s24, $0x2;
	s24 =	sadd.s32 $0x40, s24  }
0x2d: {  	v0 =	vld [tilespmem:s22+$0x0];
	_ =	sdelay $0x4  }
0x2e: {  	v0 =	vshll.u32 v0, $0x1  }
0x2f: {  	[tilespmem:s22+$0x0] =	vst v0;
	s22 =	simm.s32 $0x0  }
0x30: {  	[tilespmem:s26], [sflag:$0x1] =	stream.indirect.gather [hbm4b:s4+s18], $0x40, s22, s18, $0xb8;
	[tilespmem:$0x15900] =	vst v63  }
0x31: {  	_ = 	snop  }
0x32: {  	[tilespmem:s0], [sflag:$0x2] =	stream.indirect.gather [hbm4b:s4+s18], $0x40, s18, s18, $0xb8;
	[tilespmem:$0x15900] =	vst v63  }
0x33: {  	s24 =	simm.s32 $0x100  }
0x34: {  	[tilespmem:s5], [sflag:$0x3] =	stream.indirect.gather [hbm4b:s4+s18], $0x40, s24, s18, $0xb8;
	[tilespmem:$0x15900] =	vst v63  }
0x35: {  	s23 =	simm.s32 $0x180  }
0x36: {  	[tilespmem:s25], [sflag:$0x4] =	stream.indirect.gather [hbm4b:s4+s18], $0x40, s23, s18, $0xb8;
	[tilespmem:$0x15900] =	vst v63  }
0x37: {  	s23 =	simm.s32 $0x200  }
0x38: {  	[tilespmem:s21], [sflag:$0x5] =	stream.indirect.gather [hbm4b:s4+s18], $0x40, s23, s18, $0xb8;
	[tilespmem:$0x15900] =	vst v63  }
0x39: {  	s23 =	simm.s32 $0x280  }
0x3a: {  	[tilespmem:s1], [sflag:$0x6] =	stream.indirect.gather [hbm4b:s4+s18], $0x40, s23, s18, $0xb8;
	[tilespmem:$0x15900] =	vst v63  }
0x3b: {  	s24 =	simm.s32 $0x300;
	s23 =	simm.s32 $0xD900  }
0x3c: {  	[tilespmem:s23], [sflag:$0x7] =	stream.indirect.gather [hbm4b:s4+s18], $0x40, s24, s18, $0xb8;
	[tilespmem:$0x15900] =	vst v63  }
0x3d: {  	s24 =	simm.s32 $0x380  }
0x3e: {  	[tilespmem:s30], [sflag:$0x8] =	stream.indirect.gather [hbm4b:s4+s18], $0x40, s24, s18, $0xb8;
	[tilespmem:$0x15900] =	vst v63  }
0x3f: {  	s24 =	simm.s32 $0x400  }
0x40: {  	[tilespmem:s28], [sflag:$0x9] =	stream.indirect.gather [hbm4b:s4+s18], $0x40, s24, s18, $0xb8;
	[tilespmem:$0x15900] =	vst v63  }
0x41: {  	s24 =	simm.s32 $0x480  }
0x42: {  	[tilespmem:s29], [sflag:$0xA] =	stream.indirect.gather [hbm4b:s4+s18], $0x40, s24, s18, $0xb8;
	[tilespmem:$0x15900] =	vst v63  }
0x43: {  	_ =	swait.ge [sflag:s7], $0x2000  }
0x44: {  	[sflag:s7] =	ssyncset.done $0x0  }
0x45: {  	s24 =	rddreg [dreg:$0xe];
	[sflag:s7] =	ssyncadd.s32 $0xFFFFE000  }
0x46: {  	[hbm4b:s24+s22] =	stream.linear.scatter [tilespmem:s26], [sflag:$0xB], $0x2000, $0x38;
	[tilespmem:$0x15900] =	vst v63  }
0x47: {  	_ =	swait.ge [sflag:s8], $0x2000  }
0x48: {  	[sflag:s8] =	ssyncset.done $0x0  }
0x49: {  	s24 =	rddreg [dreg:$0xf];
	[sflag:s8] =	ssyncadd.s32 $0xFFFFE000  }
0x4a: {  	[hbm4b:s24+s22] =	stream.linear.scatter [tilespmem:s0], [sflag:$0xC], $0x2000, $0x38;
	[tilespmem:$0x15900] =	vst v63  }
0x4b: {  	_ =	swait.ge [sflag:s9], $0x2000  }
0x4c: {  	[sflag:s9] =	ssyncset.done $0x0  }
0x4d: {  	s24 =	rddreg [dreg:$0x10];
	[sflag:s9] =	ssyncadd.s32 $0xFFFFE000  }
0x4e: {  	[hbm4b:s24+s22] =	stream.linear.scatter [tilespmem:s5], [sflag:$0xD], $0x2000, $0x38;
	[tilespmem:$0x15900] =	vst v63  }
0x4f: {  	_ =	swait.ge [sflag:s10], $0x2000  }
0x50: {  	[sflag:s10] =	ssyncset.done $0x0  }
0x51: {  	s24 =	rddreg [dreg:$0x11];
	[sflag:s10] =	ssyncadd.s32 $0xFFFFE000  }
0x52: {  	[hbm4b:s24+s22] =	stream.linear.scatter [tilespmem:s25], [sflag:$0xE], $0x2000, $0x38;
	[tilespmem:$0x15900] =	vst v63  }
0x53: {  	_ =	swait.ge [sflag:s11], $0x2000  }
0x54: {  	[sflag:s11] =	ssyncset.done $0x0  }
0x55: {  	s24 =	rddreg [dreg:$0x12];
	[sflag:s11] =	ssyncadd.s32 $0xFFFFE000  }
0x56: {  	[hbm4b:s24+s22] =	stream.linear.scatter [tilespmem:s21], [sflag:$0xF], $0x2000, $0x38;
	[tilespmem:$0x15900] =	vst v63  }
0x57: {  	_ =	swait.ge [sflag:s6], $0x2000  }
0x58: {  	[sflag:s6] =	ssyncset.done $0x0  }
0x59: {  	s24 =	rddreg [dreg:$0x13];
	[sflag:s6] =	ssyncadd.s32 $0xFFFFE000  }
0x5a: {  	[hbm4b:s24+s22] =	stream.linear.scatter [tilespmem:s1], [sflag:$0x10], $0x2000, $0x38;
	[tilespmem:$0x15900] =	vst v63  }
0x5b: {  	_ =	swait.ge [sflag:s12], $0x2000  }
0x5c: {  	[sflag:s12] =	ssyncset.done $0x0  }
0x5d: {  	s24 =	rddreg [dreg:$0x14];
	[sflag:s12] =	ssyncadd.s32 $0xFFFFE000  }
0x5e: {  	[hbm4b:s24+s22] =	stream.linear.scatter [tilespmem:s23], [sflag:$0x11], $0x2000, $0x38;
	[tilespmem:$0x15900] =	vst v63  }
0x5f: {  	_ =	swait.ge [sflag:s13], $0x2000  }
0x60: {  	[sflag:s13] =	ssyncset.done $0x0  }
0x61: {  	s24 =	rddreg [dreg:$0x15];
	[sflag:s13] =	ssyncadd.s32 $0xFFFFE000  }
0x62: {  	[hbm4b:s24+s22] =	stream.linear.scatter [tilespmem:s30], [sflag:$0x12], $0x2000, $0x38;
	[tilespmem:$0x15900] =	vst v63  }
0x63: {  	_ =	swait.ge [sflag:s14], $0x2000  }
0x64: {  	[sflag:s14] =	ssyncset.done $0x0  }
0x65: {  	s24 =	rddreg [dreg:$0x16];
	[sflag:s14] =	ssyncadd.s32 $0xFFFFE000  }
0x66: {  	[hbm4b:s24+s22] =	stream.linear.scatter [tilespmem:s28], [sflag:$0x13], $0x2000, $0x38;
	[tilespmem:$0x15900] =	vst v63  }
0x67: {  	_ =	swait.ge [sflag:s15], $0x2000  }
0x68: {  	[sflag:s15] =	ssyncset.done $0x0  }
0x69: {  	s24 =	rddreg [dreg:$0x17];
	[sflag:s15] =	ssyncadd.s32 $0xFFFFE000  }
0x6a: {  	[hbm4b:s24+s22] =	stream.linear.scatter [tilespmem:s29], [sflag:$0x14], $0x2000, $0x38;
	[tilespmem:$0x15900] =	vst v63  }
0x6b: {  	_ =	swait.ge [sflag:s16], $0x2000  }
0x6c: {  	[sflag:s16] =	ssyncset.done $0x0  }
0x6d: {  	s24 =	simm.s32 $0x500;
	[sflag:s16] =	ssyncadd.s32 $0xFFFFE000  }
0x6e: {  	[tilespmem:s26], [sflag:$0x1] =	stream.indirect.gather [hbm4b:s4+s18], $0x40, s24, s18, $0xb8;
	[tilespmem:$0x15900] =	vst v63  }
0x6f: {  	_ =	swait.ge [sflag:s17], $0x2000  }
0x70: {  	[sflag:s17] =	ssyncset.done $0x0  }
0x71: {  	s16 =	simm.s32 $0x580;
	[sflag:s17] =	ssyncadd.s32 $0xFFFFE000  }
0x72: {  	[tilespmem:s0], [sflag:$0x2] =	stream.indirect.gather [hbm4b:s4+s18], $0x40, s16, s18, $0xb8;
	[tilespmem:$0x15900] =	vst v63  }
0x73: {  	_ =	swait.ge [sflag:s2], $0x2000  }
0x74: {  	[sflag:s2] =	ssyncset.done $0x0  }
0x75: {  	s17 =	simm.s32 $0x600;
	[sflag:s2] =	ssyncadd.s32 $0xFFFFE000  }
0x76: {  	[tilespmem:s5], [sflag:$0x3] =	stream.indirect.gather [hbm4b:s4+s18], $0x40, s17, s18, $0xb8;
	[tilespmem:$0x15900] =	vst v63  }
0x77: {  	_ =	swait.ge [sflag:s19], $0x2000  }
0x78: {  	[sflag:s19] =	ssyncset.done $0x0  }
0x79: {  	[sflag:s19] =	ssyncadd.s32 $0xFFFFE000;
	s19 =	simm.s32 $0x680  }
0x7a: {  	[tilespmem:s25], [sflag:$0x4] =	stream.indirect.gather [hbm4b:s4+s18], $0x40, s19, s18, $0xb8;
	[tilespmem:$0x15900] =	vst v63  }
0x7b: {  	_ =	swait.ge [sflag:s20], $0x2000  }
0x7c: {  	[sflag:s20] =	ssyncset.done $0x0  }
0x7d: {  	[sflag:s20] =	ssyncadd.s32 $0xFFFFE000;
	s20 =	simm.s32 $0x700  }
0x7e: {  	[tilespmem:s21], [sflag:$0x5] =	stream.indirect.gather [hbm4b:s4+s18], $0x40, s20, s18, $0xb8;
	[tilespmem:$0x15900] =	vst v63  }
0x7f: {  	_ =	swait.ge [sflag:s31], $0x2000  }
0x80: {  	[sflag:s31] =	ssyncset.done $0x0  }
0x81: {  	s24 =	simm.s32 $0x780;
	[sflag:s31] =	ssyncadd.s32 $0xFFFFE000;
	s31 =	simm.s32 $0x11  }
0x82: {  	[tilespmem:s1], [sflag:$0x6] =	stream.indirect.gather [hbm4b:s4+s18], $0x40, s24, s18, $0xb8;
	[tilespmem:$0x15900] =	vst v63  }
0x83: {  	_ =	swait.ge [sflag:s31], $0x2000  }
0x84: {  	[sflag:s31] =	ssyncset.done $0x0  }
0x85: {  	s16 =	simm.s32 $0x12;
	s2 =	simm.s32 $0x800;
	[sflag:s31] =	ssyncadd.s32 $0xFFFFE000  }
0x86: {  	[tilespmem:s23], [sflag:$0x7] =	stream.indirect.gather [hbm4b:s4+s18], $0x40, s2, s18, $0xb8;
	[tilespmem:$0x15900] =	vst v63  }
0x87: {  	_ =	swait.ge [sflag:s16], $0x2000  }
0x88: {  	[sflag:s16] =	ssyncset.done $0x0  }
0x89: {  	s17 =	simm.s32 $0x880;
	s19 =	simm.s32 $0x13;
	[sflag:s16] =	ssyncadd.s32 $0xFFFFE000  }
0x8a: {  	[tilespmem:s30], [sflag:$0x8] =	stream.indirect.gather [hbm4b:s4+s18], $0x40, s17, s18, $0xb8;
	[tilespmem:$0x15900] =	vst v63  }
0x8b: {  	_ =	swait.ge [sflag:s19], $0x2000  }
0x8c: {  	[sflag:s19] =	ssyncset.done $0x0  }
0x8d: {  	s20 =	simm.s32 $0x900;
	s24 =	simm.s32 $0x14;
	[sflag:s19] =	ssyncadd.s32 $0xFFFFE000  }
0x8e: {  	[tilespmem:s28], [sflag:$0x9] =	stream.indirect.gather [hbm4b:s4+s18], $0x40, s20, s18, $0xb8;
	[tilespmem:$0x15900] =	vst v63  }
0x8f: {  	_ =	swait.ge [sflag:s24], $0x2000  }
0x90: {  	[sflag:s24] =	ssyncset.done $0x0  }
0x91: {  	s31 =	simm.s32 $0x980;
	[sflag:s24] =	ssyncadd.s32 $0xFFFFE000  }
0x92: {  	[tilespmem:s29], [sflag:$0xA] =	stream.indirect.gather [hbm4b:s4+s18], $0x40, s31, s18, $0xb8;
	[tilespmem:$0x15900] =	vst v63  }
0x93: {  	_ =	swait.ge [sflag:s7], $0x2000  }
0x94: {  	[sflag:s7] =	ssyncset.done $0x0  }
0x95: {  	s2 =	rddreg [dreg:$0xc];
	[sflag:s7] =	ssyncadd.s32 $0xFFFFE000  }
0x96: {  	s29 =	rddreg [dreg:$0x1]  }
0x97: {  	s22 =	sadd.s32 s29, s2  }
0x98: {  	[hbm4b:s22+s3] =	stream.linear.scatter [tilespmem:s26], [sflag:$0xB], $0x2000, $0x38;
	[tilespmem:$0x15900] =	vst v63  }
0x99: {  	_ =	swait.ge [sflag:s8], $0x2000  }
0x9a: {  	s16 =	rddreg [dreg:$0xb];
	[sflag:s8] =	ssyncset.done $0x0  }
0x9b: {  	[sflag:s8] =	ssyncadd.s32 $0xFFFFE000;
	s22 =	sadd.s32 s29, s16  }
0x9c: {  	[hbm4b:s22+s3] =	stream.linear.scatter [tilespmem:s0], [sflag:$0xC], $0x2000, $0x38;
	[tilespmem:$0x15900] =	vst v63  }
0x9d: {  	_ =	swait.ge [sflag:s9], $0x2000  }
0x9e: {  	s17 =	rddreg [dreg:$0xa];
	[sflag:s9] =	ssyncset.done $0x0  }
0x9f: {  	[sflag:s9] =	ssyncadd.s32 $0xFFFFE000;
	s22 =	sadd.s32 s29, s17  }
0xa0: {  	[hbm4b:s22+s3] =	stream.linear.scatter [tilespmem:s5], [sflag:$0xD], $0x2000, $0x38;
	[tilespmem:$0x15900] =	vst v63  }
0xa1: {  	_ =	swait.ge [sflag:s10], $0x2000  }
0xa2: {  	s19 =	rddreg [dreg:$0x9];
	[sflag:s10] =	ssyncset.done $0x0  }
0xa3: {  	[sflag:s10] =	ssyncadd.s32 $0xFFFFE000;
	s22 =	sadd.s32 s29, s19  }
0xa4: {  	[hbm4b:s22+s3] =	stream.linear.scatter [tilespmem:s25], [sflag:$0xE], $0x2000, $0x38;
	[tilespmem:$0x15900] =	vst v63  }
0xa5: {  	_ =	swait.ge [sflag:s11], $0x2000  }
0xa6: {  	s20 =	rddreg [dreg:$0x8];
	[sflag:s11] =	ssyncset.done $0x0  }
0xa7: {  	[sflag:s11] =	ssyncadd.s32 $0xFFFFE000;
	s22 =	sadd.s32 s29, s20  }
0xa8: {  	[hbm4b:s22+s3] =	stream.linear.scatter [tilespmem:s21], [sflag:$0xF], $0x2000, $0x38;
	[tilespmem:$0x15900] =	vst v63  }
0xa9: {  	_ =	swait.ge [sflag:s6], $0x2000  }
0xaa: {  	s24 =	rddreg [dreg:$0x7];
	[sflag:s6] =	ssyncset.done $0x0  }
0xab: {  	[sflag:s6] =	ssyncadd.s32 $0xFFFFE000;
	s22 =	sadd.s32 s29, s24  }
0xac: {  	[hbm4b:s22+s3] =	stream.linear.scatter [tilespmem:s1], [sflag:$0x10], $0x2000, $0x38;
	[tilespmem:$0x15900] =	vst v63  }
0xad: {  	_ =	swait.ge [sflag:s12], $0x2000  }
0xae: {  	s7 =	simm.s32 $0x1;
	s25 =	rddreg [dreg:$0x6];
	[sflag:s12] =	ssyncset.done $0x0  }
0xaf: {  	s2 =	simm.s32 $0xD;
	[sflag:s12] =	ssyncadd.s32 $0xFFFFE000;
	s22 =	sadd.s32 s29, s25  }
0xb0: {  	[hbm4b:s22+s3] =	stream.linear.scatter [tilespmem:s23], [sflag:$0x11], $0x2000, $0x38;
	[tilespmem:$0x15900] =	vst v63  }
0xb1: {  	s8 =	simm.s32 $0x2;
	s16 =	simm.s32 $0xB;
	_ =	swait.ge [sflag:s13], $0x2000  }
0xb2: {  	s9 =	simm.s32 $0x3;
	s26 =	rddreg [dreg:$0x5];
	[sflag:s13] =	ssyncset.done $0x0  }
0xb3: {  	s17 =	simm.s32 $0xC;
	[sflag:s13] =	ssyncadd.s32 $0xFFFFE000;
	s22 =	sadd.s32 s29, s26  }
0xb4: {  	[hbm4b:s22+s3] =	stream.linear.scatter [tilespmem:s30], [sflag:$0x12], $0x2000, $0x38;
	[tilespmem:$0x15900] =	vst v63  }
0xb5: {  	s10 =	simm.s32 $0x4;
	s19 =	simm.s32 $0xE;
	_ =	swait.ge [sflag:s14], $0x2000  }
0xb6: {  	s11 =	simm.s32 $0x5;
	s30 =	rddreg [dreg:$0x4];
	[sflag:s14] =	ssyncset.done $0x0  }
0xb7: {  	s6 =	simm.s32 $0x6;
	[sflag:s14] =	ssyncadd.s32 $0xFFFFE000;
	s22 =	sadd.s32 s29, s30  }
0xb8: {  	[hbm4b:s22+s3] =	stream.linear.scatter [tilespmem:s28], [sflag:$0x13], $0x2000, $0x38;
	[tilespmem:$0x15900] =	vst v63  }
0xb9: {  	s24 =	sadd.s32 $0x2800, s29;
	s12 =	simm.s32 $0x7;
	_ =	swait.ge [sflag:s15], $0x2000  }
0xba: {  	s13 =	simm.s32 $0x8;
	s14 =	simm.s32 $0x9;
	[sflag:s15] =	ssyncset.done $0x0  }
0xbb: {  	s22 =	simm.s32 $0x1400;
	s31 =	rddreg [dreg:$0x3];
	[sflag:s15] =	ssyncadd.s32 $0xFFFFE000  }
0xbc: {  	s15 =	simm.s32 $0xA;
	s26 =	sadd.s32 s29, s31;
	s29 =	simm.s32 $0x13900  }
.LBB2_4:
0xbd: {  	[hbm4b:s26+s3] =	stream.linear.scatter [tilespmem:s29], [sflag:$0x14], $0x2000, $0x38;
	[tilespmem:$0x15900] =	vst v63  }
0xbe: {  	s30 =	smov.u32 s22;
	_ =	swait.ge [sflag:s16], $0x2000  }
0xbf: {  	s26 =	sshra.s32 s30, $0x2;
	[sflag:s16] =	ssyncset.done $0x0  }
0xc0: {  	s20 =	simm.s32 $0x1900;
	s29 =	sadd.s32 $0x500, s26;
	[sflag:s16] =	ssyncadd.s32 $0xFFFFE000  }
0xc1: {  	[tilespmem:s20], [sflag:$0x1] =	stream.indirect.gather [hbm4b:s4+s18], $0x40, s29, s18, $0xb8;
	[tilespmem:$0x15900] =	vst v63  }
0xc2: {  	_ =	swait.ge [sflag:s17], $0x2000  }
0xc3: {  	[sflag:s17] =	ssyncset.done $0x0  }
0xc4: {  	s1 =	simm.s32 $0x3900;
	s29 =	sadd.s32 $0x580, s26;
	[sflag:s17] =	ssyncadd.s32 $0xFFFFE000  }
0xc5: {  	[tilespmem:s1], [sflag:$0x2] =	stream.indirect.gather [hbm4b:s4+s18], $0x40, s29, s18, $0xb8;
	[tilespmem:$0x15900] =	vst v63  }
0xc6: {  	_ =	swait.ge [sflag:s2], $0x2000  }
0xc7: {  	[sflag:s2] =	ssyncset.done $0x0  }
0xc8: {  	s21 =	simm.s32 $0x5900;
	s29 =	sadd.s32 $0x600, s26;
	[sflag:s2] =	ssyncadd.s32 $0xFFFFE000  }
0xc9: {  	[tilespmem:s21], [sflag:$0x3] =	stream.indirect.gather [hbm4b:s4+s18], $0x40, s29, s18, $0xb8;
	[tilespmem:$0x15900] =	vst v63  }
0xca: {  	_ =	swait.ge [sflag:s19], $0x2000  }
0xcb: {  	s25 =	simm.s32 $0x7900;
	[sflag:s19] =	ssyncset.done $0x0  }
0xcc: {  	s0 =	simm.s32 $0xF;
	s29 =	sadd.s32 $0x680, s26;
	[sflag:s19] =	ssyncadd.s32 $0xFFFFE000  }
0xcd: {  	[tilespmem:s25], [sflag:$0x4] =	stream.indirect.gather [hbm4b:s4+s18], $0x40, s29, s18, $0xb8;
	[tilespmem:$0x15900] =	vst v63  }
0xce: {  	_ =	swait.ge [sflag:s0], $0x2000  }
0xcf: {  	s5 =	simm.s32 $0x9900;
	[sflag:s0] =	ssyncset.done $0x0  }
0xd0: {  	s31 =	simm.s32 $0x10;
	s29 =	sadd.s32 $0x700, s26;
	[sflag:s0] =	ssyncadd.s32 $0xFFFFE000  }
0xd1: {  	[tilespmem:s5], [sflag:$0x5] =	stream.indirect.gather [hbm4b:s4+s18], $0x40, s29, s18, $0xb8;
	[tilespmem:$0x15900] =	vst v63  }
0xd2: {  	_ =	swait.ge [sflag:s31], $0x2000  }
0xd3: {  	[sflag:s31] =	ssyncset.done $0x0  }
0xd4: {  	s29 =	sadd.s32 $0x780, s26;
	[sflag:s31] =	ssyncadd.s32 $0xFFFFE000;
	s31 =	simm.s32 $0xB900  }
0xd5: {  	[tilespmem:s31], [sflag:$0x6] =	stream.indirect.gather [hbm4b:s4+s18], $0x40, s29, s18, $0xb8;
	[tilespmem:$0x15900] =	vst v63  }
0xd6: {  	s29 =	simm.s32 $0x11  }
0xd7: {  	_ =	swait.ge [sflag:s29], $0x2000  }
0xd8: {  	[sflag:s29] =	ssyncset.done $0x0  }
0xd9: {  	s23 =	simm.s32 $0xD900;
	[sflag:s29] =	ssyncadd.s32 $0xFFFFE000;
	s29 =	sadd.s32 $0x800, s26  }
0xda: {  	[tilespmem:s23], [sflag:$0x7] =	stream.indirect.gather [hbm4b:s4+s18], $0x40, s29, s18, $0xb8;
	[tilespmem:$0x15900] =	vst v63  }
0xdb: {  	s29 =	simm.s32 $0x12  }
0xdc: {  	_ =	swait.ge [sflag:s29], $0x2000  }
0xdd: {  	[sflag:s29] =	ssyncset.done $0x0  }
0xde: {  	s28 =	simm.s32 $0xF900;
	[sflag:s29] =	ssyncadd.s32 $0xFFFFE000;
	s29 =	sadd.s32 $0x880, s26  }
0xdf: {  	[tilespmem:s28], [sflag:$0x8] =	stream.indirect.gather [hbm4b:s4+s18], $0x40, s29, s18, $0xb8;
	[tilespmem:$0x15900] =	vst v63  }
0xe0: {  	s29 =	simm.s32 $0x13  }
0xe1: {  	_ =	swait.ge [sflag:s29], $0x2000  }
0xe2: {  	s30 =	simm.s32 $0x11900;
	[sflag:s29] =	ssyncset.done $0x0  }
0xe3: {  	s0 =	simm.s32 $0x14;
	[sflag:s29] =	ssyncadd.s32 $0xFFFFE000;
	s29 =	sadd.s32 $0x900, s26  }
0xe4: {  	[tilespmem:s30], [sflag:$0x9] =	stream.indirect.gather [hbm4b:s4+s18], $0x40, s29, s18, $0xb8;
	[tilespmem:$0x15900] =	vst v63  }
0xe5: {  	_ =	swait.ge [sflag:s0], $0x2000  }
0xe6: {  	[sflag:s0] =	ssyncset.done $0x0  }
0xe7: {  	s26 =	sadd.s32 $0x980, s26;
	s29 =	simm.s32 $0x13900;
	[sflag:s0] =	ssyncadd.s32 $0xFFFFE000  }
0xe8: {  	[tilespmem:s29], [sflag:$0xA] =	stream.indirect.gather [hbm4b:s4+s18], $0x40, s26, s18, $0xb8;
	[tilespmem:$0x15900] =	vst v63  }
0xe9: {  	_ =	swait.ge [sflag:s7], $0x2000  }
0xea: {  	s0 =	rddreg [dreg:$0xc];
	[sflag:s7] =	ssyncset.done $0x0  }
0xeb: {  	[sflag:s7] =	ssyncadd.s32 $0xFFFFE000;
	s26 =	sadd.s32 s24, s0  }
0xec: {  	[hbm4b:s26+s3] =	stream.linear.scatter [tilespmem:s20], [sflag:$0xB], $0x2000, $0x38;
	[tilespmem:$0x15900] =	vst v63  }
0xed: {  	_ =	swait.ge [sflag:s8], $0x2000  }
0xee: {  	s0 =	rddreg [dreg:$0xb];
	[sflag:s8] =	ssyncset.done $0x0  }
0xef: {  	[sflag:s8] =	ssyncadd.s32 $0xFFFFE000;
	s26 =	sadd.s32 s24, s0  }
0xf0: {  	[hbm4b:s26+s3] =	stream.linear.scatter [tilespmem:s1], [sflag:$0xC], $0x2000, $0x38;
	[tilespmem:$0x15900] =	vst v63  }
0xf1: {  	_ =	swait.ge [sflag:s9], $0x2000  }
0xf2: {  	s20 =	rddreg [dreg:$0xa];
	[sflag:s9] =	ssyncset.done $0x0  }
0xf3: {  	[sflag:s9] =	ssyncadd.s32 $0xFFFFE000;
	s26 =	sadd.s32 s24, s20  }
0xf4: {  	[hbm4b:s26+s3] =	stream.linear.scatter [tilespmem:s21], [sflag:$0xD], $0x2000, $0x38;
	[tilespmem:$0x15900] =	vst v63  }
0xf5: {  	_ =	swait.ge [sflag:s10], $0x2000  }
0xf6: {  	s0 =	rddreg [dreg:$0x9];
	[sflag:s10] =	ssyncset.done $0x0  }
0xf7: {  	[sflag:s10] =	ssyncadd.s32 $0xFFFFE000;
	s26 =	sadd.s32 s24, s0  }
0xf8: {  	[hbm4b:s26+s3] =	stream.linear.scatter [tilespmem:s25], [sflag:$0xE], $0x2000, $0x38;
	[tilespmem:$0x15900] =	vst v63  }
0xf9: {  	_ =	swait.ge [sflag:s11], $0x2000  }
0xfa: {  	s1 =	rddreg [dreg:$0x8];
	[sflag:s11] =	ssyncset.done $0x0  }
0xfb: {  	[sflag:s11] =	ssyncadd.s32 $0xFFFFE000;
	s26 =	sadd.s32 s24, s1  }
0xfc: {  	[hbm4b:s26+s3] =	stream.linear.scatter [tilespmem:s5], [sflag:$0xF], $0x2000, $0x38;
	[tilespmem:$0x15900] =	vst v63  }
0xfd: {  	_ =	swait.ge [sflag:s6], $0x2000  }
0xfe: {  	s20 =	rddreg [dreg:$0x7];
	[sflag:s6] =	ssyncset.done $0x0  }
0xff: {  	[sflag:s6] =	ssyncadd.s32 $0xFFFFE000;
	s26 =	sadd.s32 s24, s20  }
0x100: {  	[hbm4b:s26+s3] =	stream.linear.scatter [tilespmem:s31], [sflag:$0x10], $0x2000, $0x38;
	[tilespmem:$0x15900] =	vst v63  }
0x101: {  	_ =	swait.ge [sflag:s12], $0x2000  }
0x102: {  	s21 =	rddreg [dreg:$0x6];
	[sflag:s12] =	ssyncset.done $0x0  }
0x103: {  	[sflag:s12] =	ssyncadd.s32 $0xFFFFE000;
	s26 =	sadd.s32 s24, s21  }
0x104: {  	[hbm4b:s26+s3] =	stream.linear.scatter [tilespmem:s23], [sflag:$0x11], $0x2000, $0x38;
	[tilespmem:$0x15900] =	vst v63  }
0x105: {  	_ =	swait.ge [sflag:s13], $0x2000  }
0x106: {  	s25 =	rddreg [dreg:$0x5];
	[sflag:s13] =	ssyncset.done $0x0  }
0x107: {  	[sflag:s13] =	ssyncadd.s32 $0xFFFFE000;
	s26 =	sadd.s32 s24, s25  }
0x108: {  	[hbm4b:s26+s3] =	stream.linear.scatter [tilespmem:s28], [sflag:$0x12], $0x2000, $0x38;
	[tilespmem:$0x15900] =	vst v63  }
0x109: {  	_ =	swait.ge [sflag:s14], $0x2000  }
0x10a: {  	p0 =	sne.s32 s22, $0x3C00;
	s28 =	rddreg [dreg:$0x4];
	[sflag:s14] =	ssyncset.done $0x0  }
.Ltmp1:
0x10b: {  	[sflag:s14] =	ssyncadd.s32 $0xFFFFE000;
	s26 =	sadd.s32 s24, s28;
	(pc) =	sbr.rel @p0 .LBB2_4-.Ltmp1, $4  }
0x10c: {  	[hbm4b:s26+s3] =	stream.linear.scatter [tilespmem:s30], [sflag:$0x13], $0x2000, $0x38;
	[tilespmem:$0x15900] =	vst v63  }
0x10d: {  	_ =	swait.ge [sflag:s15], $0x2000  }
0x10e: {  	s22 =	sadd.s32 $0x1400, s22;
	[sflag:s15] =	ssyncset.done $0x0;
	s31 =	rddreg [dreg:$0x3]  }
0x10f: {  	[sflag:s15] =	ssyncadd.s32 $0xFFFFE000;
	s26 =	sadd.s32 s24, s31;
	s24 =	sadd.s32 $0x2800, s24  }
0x110: {  	[hbm4b:s26+s3] =	stream.linear.scatter [tilespmem:s29], [sflag:$0x14], $0x2000, $0x38;
	[tilespmem:$0x15900] =	vst v63  }
0x111: {  	_ =	swait.ge [sflag:s16], $0x2000  }
0x112: {  	[sflag:s16] =	ssyncset.done $0x0  }
0x113: {  	[sflag:s16] =	ssyncadd.s32 $0xFFFFE000  }
0x114: {  	_ =	swait.ge [sflag:s17], $0x2000  }
0x115: {  	[sflag:s17] =	ssyncset.done $0x0  }
0x116: {  	[sflag:s17] =	ssyncadd.s32 $0xFFFFE000  }
0x117: {  	_ =	swait.ge [sflag:s2], $0x2000  }
0x118: {  	[sflag:s2] =	ssyncset.done $0x0  }
0x119: {  	[sflag:s2] =	ssyncadd.s32 $0xFFFFE000  }
0x11a: {  	_ =	swait.ge [sflag:s19], $0x2000  }
0x11b: {  	[sflag:s19] =	ssyncset.done $0x0  }
0x11c: {  	s0 =	simm.s32 $0xF;
	[sflag:s19] =	ssyncadd.s32 $0xFFFFE000  }
0x11d: {  	_ =	swait.ge [sflag:s0], $0x2000  }
0x11e: {  	[sflag:s0] =	ssyncset.done $0x0  }
0x11f: {  	s22 =	simm.s32 $0x10;
	[sflag:s0] =	ssyncadd.s32 $0xFFFFE000  }
0x120: {  	_ =	swait.ge [sflag:s22], $0x2000  }
0x121: {  	[sflag:s22] =	ssyncset.done $0x0  }
0x122: {  	s23 =	simm.s32 $0x11;
	[sflag:s22] =	ssyncadd.s32 $0xFFFFE000  }
0x123: {  	_ =	swait.ge [sflag:s23], $0x2000  }
0x124: {  	[sflag:s23] =	ssyncset.done $0x0  }
0x125: {  	s24 =	simm.s32 $0x12;
	[sflag:s23] =	ssyncadd.s32 $0xFFFFE000  }
0x126: {  	_ =	swait.ge [sflag:s24], $0x2000  }
0x127: {  	[sflag:s24] =	ssyncset.done $0x0  }
0x128: {  	s25 =	simm.s32 $0x13;
	[sflag:s24] =	ssyncadd.s32 $0xFFFFE000  }
0x129: {  	s26 =	simm.s32 $0x14;
	s5 =	simm.s32 $0x5900;
	_ =	swait.ge [sflag:s25], $0x2000  }
0x12a: {  	s21 =	simm.s32 $0x9900;
	s1 =	simm.s32 $0xB900;
	[sflag:s25] =	ssyncset.done $0x0  }
0x12b: {  	s30 =	simm.s32 $0xF900;
	s28 =	simm.s32 $0x11900;
	[sflag:s25] =	ssyncadd.s32 $0xFFFFE000  }
0x12c: {  	s7 =	simm.s32 $0x1;
	s8 =	simm.s32 $0x2;
	_ =	swait.ge [sflag:s26], $0x2000  }
0x12d: {  	s9 =	simm.s32 $0x3;
	s10 =	simm.s32 $0x4;
	s23 =	rddreg [dreg:$0x19]  }
0x12e: {  	s11 =	simm.s32 $0x5;
	s22 =	rddreg [dreg:$0x18];
	s23 =	sadd.s32 $0x1, s23  }
0x12f: {  	s6 =	simm.s32 $0x6;
	s12 =	simm.s32 $0x7;
	p0 =	sne.s32 s23, s22  }
.Ltmp2:
0x130: {  	s13 =	simm.s32 $0x8;
	s14 =	simm.s32 $0x9;
	(pc) =	sbr.rel @p0 .LBB2_1-.Ltmp2, $4  }
0x131: {  	s15 =	simm.s32 $0xA;
	s20 =	simm.s32 $0xF;
	s31 =	simm.s32 $0x10  }
0x132: {  	s16 =	simm.s32 $0xB;
	s17 =	simm.s32 $0xC;
	s2 =	simm.s32 $0xD  }
0x133: {  	s19 =	simm.s32 $0xE;
	s0 =	simm.s32 $0x3900;
	[sflag:s26] =	ssyncset.done $0x0  }
0x134: {  	s25 =	simm.s32 $0x7900;
	[sflag:s26] =	ssyncadd.s32 $0xFFFFE000;
	s26 =	simm.s32 $0x1900  }
0x135: {  	_ =	sfence.sel $0x180000  }
0x136: {  	[bflag:$0x0] =	sbarrier.arrive $0xFFFF  }
0x137: {  	_ =	strace $0x90000047  }
0x138: {  	s0 =	stileid.u32;
	[bflag:$0x2] =	sbarrier.arrive $0xFFFF  }
0x139: {  	p0 =	sne.s32 s0, $0x0;
	s0 =	rddreg [dreg:$0x2]  }
0x13a: {  	s0 =	sadd.s32 @!p0 $0x100000, s0  }
0x13b: {  	[sflag:s0] =	ssyncadd.tile.s32 @!p0 $0x1;
	_ =	shalt  }
.Lfunc_end2:
_tile_overlayer_lowered:
.L_overlay_start_2:
0x13c: {  	(tag) =	ssettag $0x2  }
0x13d: {  	s0 =	rddreg [dreg:$0x0];
	s2 =	stileid.u32  }
0x13e: {  	s1 =	rddreg [dreg:$0x1];
	p0 =	sne.s32 s2, $0x0  }
0x13f: {  	s3 =	rddreg [dreg:$0x2];
	[bflag:$0x3] =	sbarrier.arrive $0xFFFF;
	s2 =	simm.s32 @!p0 $0x1C15  }
0x140: {  	[timem:s3], [sflag:s2] =	dma.local @!p0 [hbm:s0], s1  }
0x141: {  	s0 =	simm.s32 @!p0 $0x15  }
0x142: {  	_ =	swait.ge @!p0 [sflag:s0], s1  }
0x143: {  	s1 =	ssub.s32 @!p0 $0x0, s1;
	[sflag:s0] =	ssyncset.done @!p0 $0x0  }
0x144: {  	[sflag:s0] =	ssyncadd.s32 @!p0 s1  }
0x145: {  	[bflag:$0x3] =	sbarrier.arrive $0xFFFF  }
0x146: {  	_ =	shalt  }

// kernel: sparse-core-data-format-call.cloned.1.call-start
scs
called_computation_lowered:
.L_overlay_start_0:
0x0: {  	s2 =	sld [smem:$0x3FD9]  }
0x1: {  	s3 =	sld [smem:$0x3FFE];
	_ =	sdelay $0x1  }
0x2: {  	s1 =	srdreg.scid  }
0x3: {  	s0 =	sand.u32 $0x1, s1  }
0x4: {  	s18 =	sshll.u32 s0, $0xA;
	s2 =	sadd.s32 s3, s2  }
0x5: {  	s2 =	sadd.s32 s2, s18  }
0x6: {  	[smem:$0x3FC6] =	sst s2  }
0x7: {  	_ = 	snop  }
0x8: {  	s2 =	sld [smem:$0x3FD0];
	(tm) =	ssettm $0x1  }
0x9: {  	s19 =	sld [smem:$0x3FFB];
	_ =	sdelay $0x3  }
0xa: {  	_ =	strace s19  }
0xb: {  	s3 =	sld [smem:$0x3FFC];
	_ =	sdelay $0x3  }
0xc: {  	_ =	strace s3  }
0xd: {  	s3 =	sld [smem:$0x3FFD];
	_ =	sdelay $0x3  }
0xe: {  	_ =	strace s3  }
0xf: {  	_ =	strace $0x8FFFFFFF  }
0x10: {  	s20 =	sld [smem:$0x3FDB];
	_ =	sdelay $0x1  }
0x11: {  	s4 =	simm.s32 $_scs_section_size  }
0x12: {  	s5 =	simm.s32 $_size__tile_overlayer_lowered;
	s6 =	simm.s32 $_tile_overlayer_lowered  }
0x13: {  	s23 =	simm.s32 $0x1BFF;
	s22 =	sshll.u32 s6, $0x1;
	s3 =	sadd.s32 s4, s20  }
0x14: {  	s7 =	simm.s32 $0x0;
	s21 =	sshll.u32 s5, $0x1;
	s5 =	sadd.s32 s22, s3  }
0x15: {  	[timem:s7], [sflag:s23] =	dma.local [hbm:s5], s21  }
0x16: {  	_ =	swait.ge [sflag:s23], s21  }
0x17: {  	s4 =	ssub.s32 $0x0, s21;
	[sflag:s23] =	ssyncset.done $0x0  }
0x18: {  	[sflag:s23] =	ssyncadd.s32 s4;
	_ =	sdelay $0x1  }
0x19: {  	s24 =	simm.s32 $0x1B8B  }
0x1a: {  	_ =	swait.ge [sflag:s24], $0x1  }
0x1b: {  	[sflag:s24] =	ssyncset.done $0x0  }
0x1c: {  	s26 =	simm.s32 $0x1B8E;
	s25 =	sld [smem:$0x3FFE];
	[sflag:s24] =	ssyncadd.s32 $0xFFFFFFFF  }
0x1d: {  	s27 =	simm.s32 $execute0_lowered;
	[smem:$0x3FD2] =	sst s26  }
0x1e: {  	s5 =	sshll.u32 s27, $0x1;
	_ =	strace $0x80000049;
	[dreg:$0x1] =	wrdreg $0xFFFFFFFF  }
0x1f: {  	s28 =	simm.s32 $_size_execute0_lowered;
	s3 =	sadd.s32 s3, s5;
	[dreg:$0x0] =	wrdreg $0x0  }
0x20: {  	s5 =	sshll.u32 s28, $0x1;
	[dreg:$0x2] =	wrdreg s3  }
0x21: {  	[dreg:$0x3] =	wrdreg s5  }
0x22: {  	[dreg:$0x4] =	wrdreg $0xC0  }
0x23: {  	_ =	task [dreg:s7], $0x5FFFF  }
0x24: {  	[dreg:$0x1] =	wrdreg $0xFFFFFFFF  }
0x25: {  	[dreg:$0x0] =	wrdreg $0x60  }
0x26: {  	[dreg:$0x2] =	wrdreg s25  }
0x27: {  	[dreg:$0x3] =	wrdreg s2  }
0x28: {  	[dreg:$0x4] =	wrdreg $0x9  }
0x29: {  	_ =	task.clear_ibuf [dreg:s7], $0x5FFFF;
	_ =	strace $0x90000049  }
0x2a: {  	s29 =	simm.s32 $0x9;
	_ =	strace $0x8000004B  }
0x2b: {  	_ =	swait.ge [sflag:s29], $0x1  }
0x2c: {  	[sflag:s29] =	ssyncadd.s32 $0xFFFFFFFF  }
0x2d: {  	_ =	strace $0x9000004B  }
0x2e: {  	_ =	sfence  }
0x2f: {  	s30 =	sld [smem:$0x0];
	_ =	sdelay $0x2  }
0x30: {  	s31 =	sshll.u32 s1, $0xD;
	s1 =	sshrl.u32 s1, $0x2  }
0x31: {  	s3 =	sand.u32 $0x4000, s31;
	s1 =	sadd.s32 s1, s30  }
0x32: {  	s0 =	sor.u32 s3, s0;
	s1 =	sshll.u32 s1, $0x11  }
0x33: {  	s0 =	sor.u32 s1, s0  }
0x34: {  	s0 =	sadd.s32 $0x8F2B, s0  }
0x35: {  	[sflag:s0] =	ssyncadd.remote.s32 $0x1  }
0x36: {  	_ =	sfence.sel $0xFFFF  }
0x37: {  	[dreg:$0x0] =	wrdreg $0xFFFFFFFF;
	(pc) =	sbr.abs _section_cstart, $3  }
0x38: {  	[dreg:$0x1] =	wrdreg $0xFFFFFFFF  }
0x39: {  	_ =	task.clear_ibuf [dreg:s7], $0x2FFFF;
	_ =	strace $0x9FFFFFFF  }
0x3a: {  	(tm) =	ssettm $0x7FFFFFFF  }
0x3b: {  	_ =	shalt  }
tec
execute0_lowered:
.L_overlay_start_1:
0x0: {  	(tag) =	ssettag $0x1  }
0x1: {  	s0 =	srdreg.scid  }
0x2: {  	s1 =	sshll.u32 s0, $0x4  }
0x3: {  	s0 =	stileid.u32;
	s1 =	sand.u32 $0x10, s1  }
0x4: {  	s1 =	sor.u32 s0, s1  }
0x5: {  	s6 =	rddreg [dreg:$0x0];
	s4 =	simm.s32 $0x1;
	s2 =	sshll.u32 s1, $0x7  }
0x6: {  	s7 =	simm.s32 $0x2;
	s12 =	simm.s32 $0x0;
	s1 =	ssub.s32 $0x1000, s2  }
0x7: {  	s8 =	simm.s32 $0x8000;
	s13 =	simm.s32 $0x0;
	s3 =	sand.u32 $0xF80, s1  }
0x8: {  	s9 =	simm.s32 $0x0;
	s5 =	sshrl.u32 s1, $0xC;
	p0 =	sne.s32 s3, $0x0  }
.Ltmp0:
0x9: {  	s1 =	rddreg [dreg:$0x2];
	s4 =	simm.s32 @!p0 $0x0;
	(pc) =	sbr.rel .LBB1_1-.Ltmp0, $4  }
0xa: {  	s11 =	simm.s32 $0x0;
	s3 =	rddreg [dreg:$0x1];
	s5 =	sadd.s32 s4, s5  }
0xb: {  	_ =	strace $0x8000004A;
	s4 =	simm.s32 $0x1;
	s5 =	smul.u32 $0x32, s5  }
0xc: {  	s6 =	sadd.s32 $0x800, s6;
	s10 =	smov.u32 s2;
	[sflag:s4] =	ssyncpa.u1 $0x0  }
0xd: {  	p0 =	por $0x0, $0x0;
	[sflag:s7] =	ssyncpa.u1 $0x0;
	s7 =	sor.u32 $0x1, s5  }
.LBB1_4:
0xe: {  	s16 =	sshll.u32 s13, $0x3;
	s17 =	sand.u32 $0x78, s13  }
0xf: {  	s30 =	sand.u32 $0x7E00, s13;
	s12 =	sshll.u32 s12, $0xF;
	s16 =	sand.u32 $0xC00, s16  }
0x10: {  	[tilespmem:s15+$0x810 ss:$0x81] =	vst.msk $0xffff, v2;
	s31 =	sand.u32 $0x7, s13;
	s16 =	sor.u32 s17, s16;
	s17 =	sadd.s32 s3, s30  }
0x11: {  	[tilespmem:s15+$0x1020 ss:$0x81] =	vst.msk $0xffff, v0;
	s13 =	sshll.u32 s31, $0x12;
	s12 =	sadd.s32 s12, s17;
	s16 =	sshrl.u32 s16, $0x3  }
0x12: {  	[tilespmem:s15+$0x0 ss:$0x81] =	vst.msk $0xffff, v1;
	s13 =	sor.u32 $0x400, s13;
	s12 =	sadd.s32 s16, s12  }
0x13: {  	[hbm4b:s12+s13] =	stream.strided.scatter [tilespmem:s14], [sflag:$0x2], $0x2000, s8, s13, $0x20;
	[tilespmem:$0x8080] =	vst v63  }
.LBB1_5:
0x14: {  	s14 =	sadd.s32 $0x1, s9  }
0x15: {  	s12 =	sadd.s32 $0x1000, s10;
	s16 =	smov.u32 s10;
	p2 =	sgt.s32 s14, $0x31  }
0x16: {  	s16 =	smov.u32 @p2 s12  }
0x17: {  	s14 =	simm.s32 @p2 $0x0;
	p2 =	sgt.s32 s16, $0xFFF  }
0x18: {  	s16 =	smov.u32 @p2 s2;
	p2 =	sne.s32 s11, s7  }
.Ltmp1:
0x19: {  	p1 =	slt.u32 s11, $0x2;
	(pc) =	sbr.rel @!p2 .LBB1_6-.Ltmp1, $4  }
0x1a: {  	s15 =	simm.s32 @!p1 $0x2  }
0x1b: {  	s13 =	smov.u32 s10;
	p0 =	por !p0, !p0;
	_ =	swait.ge @!p1 [sflag:s15], $0x2000  }
0x1c: {  	s12 =	smov.u32 s9;
	[sflag:s15] =	ssyncset.done @!p1 $0x0;
	s9 =	smov.u32 s14  }
0x1d: {  	s11 =	sadd.s32 $0x1, s11;
	[sflag:s15] =	ssyncadd.s32 @!p1 $0xFFFFE000;
	s10 =	smov.u32 s16  }
.LBB1_1:
0x1e: {  	p1 =	sge.u32 s11, s5  }
0x1f: {  	s14 =	sand.u32 @!p1 $0x1FFFFFF, s9  }
0x20: {  	s15 =	smulhi.u32 @!p1 $0x4924925, s14;
	_ =	sdelay $0x1  }
0x21: {  	s15 =	smul.u32 @!p1 $0x38, s15  }
0x22: {  	s16 =	sxor.u32 @!p1 $0xFFFFFFFF, s11;
	s17 =	smul.u32 @!p1 $0x380, s10  }
0x23: {  	s31 =	sadd.s32 $0xFFFFFFFF, s11;
	s16 =	sshll.u32 @!p1 s16, $0xD;
	s14 =	ssub.s32 @!p1 s14, s15  }
0x24: {  	s15 =	sand.u32 @!p1 $0x2000, s16;
	s16 =	sadd.s32 @!p1 s6, s17;
	s14 =	sshll.u32 @!p1 s14, $0x4  }
0x25: {  	s17 =	simm.s32 @!p1 $0x1C00;
	s14 =	sadd.s32 @!p1 s14, s16;
	s16 =	simm.s32 @!p1 $0x40  }
0x26: {  	[tilespmem:s15], [sflag:$0x1] =	stream.strided.gather @!p1 [hbm4b:s14+s16], $0x2000, s17, s16, $0x38;
	[tilespmem:$0x8080] =	vst v63  }
0x27: {  	p1 =	sge.u32 s31, s5  }
.Ltmp2:
0x28: {  	_ = 	snop;
	(pc) =	sbr.rel @p1 .LBB1_5-.Ltmp2, $1  }
0x29: {  	_ =	sdelay $0x3  }
0x2a: {  	s14 =	simm.s32 $0x1  }
0x2b: {  	_ =	swait.ge [sflag:s4], $0x2000;
	s14 =	simm.s32 @!p0 $0x0  }
0x2c: {  	[sflag:s4] =	ssyncset.done $0x0;
	s15 =	sshll.u32 s14, $0xD  }
0x2d: {  	[sflag:s4] =	ssyncadd.s32 $0xFFFFE000;
	s18 =	sor.u32 $0x20, s15  }
0x2e: {  	s14 =	smul.u32 $0x8100, s14;
	v3 =	vld [tilespmem:s18+$0x10]  }
0x2f: {  	s30 =	sand.u32 $0x1, s11;
	v2 =	vld [tilespmem:s18+$0xFFFFFFF0]  }
0x30: {  	s15 =	smul.u32 $0x8100, s30;
	s14 =	sshrl.u32 s14, $0x2;
	v0 =	vld [tilespmem:s18+$0x0]  }
0x31: {  	v1 =	vld [tilespmem:s18+$0xFFFFFFE0];
	s16 =	sor.u32 $0x4000, s14  }
0x32: {  	s31 =	sshrl.u32 s15, $0x2;
	s15 =	sadd.s32 $0x0, s16  }
0x33: {  	s17 =	simm.s32 $0x4;
	s18 =	sadd.s32 $0x40, s18;
	s14 =	sor.u32 $0x4000, s31;
	[tilespmem:s15+$0x1830 ss:$0x81] =	vst.msk $0xffff, v3  }
.LBB1_3:
0x34: {  	v3 =	vld [tilespmem:s18+$0x10];
	p1 =	sne.s32 s17, $0x1FC;
	[tilespmem:s15+$0x810 ss:$0x81] =	vst.msk $0xffff, v2;
	s19 =	smov.u32 s17;
	s17 =	sadd.s32 $0x4, s17  }
.Ltmp3:
0x35: {  	v2 =	vld [tilespmem:s18+$0xFFFFFFF0];
	[tilespmem:s15+$0x1020 ss:$0x81] =	vst.msk $0xffff, v0;
	(pc) =	sbr.rel @p1 .LBB1_3-.Ltmp3, $4  }
0x36: {  	v0 =	vld [tilespmem:s18+$0x0];
	[tilespmem:s15+$0x0 ss:$0x81] =	vst.msk $0xffff, v1  }
0x37: {  	s15 =	sshra.s32 s19, $0x2;
	v1 =	vld [tilespmem:s18+$0xFFFFFFE0]  }
0x38: {  	s15 =	sadd.s32 s15, s16  }
0x39: {  	s18 =	sadd.s32 $0x40, s18;
	[tilespmem:s15+$0x1830 ss:$0x81] =	vst.msk $0xffff, v3  }
.Ltmp4:
0x3a: {  	_ = 	snop;
	(pc) =	sbr.rel .LBB1_4-.Ltmp4, $1  }
0x3b: {  	_ =	sdelay $0x3  }
.LBB1_6:
0x3c: {  	_ =	sfence.sel $0x180000  }
0x3d: {  	s2 =	simm.s32 $0x1;
	[bflag:$0x0] =	sbarrier.arrive $0xFFFF  }
0x3e: {  	s31 =	simm.s32 $0x2;
	[sflag:s2] =	ssyncpa.u1 $0x1  }
0x3f: {  	[sflag:s31] =	ssyncpa.u1 $0x1  }
0x40: {  	p0 =	sne.s32 s0, $0x0;
	_ =	strace $0x9000004A  }
0x41: {  	s0 =	sadd.s32 @!p0 $0x100000, s1;
	[bflag:$0x2] =	sbarrier.arrive $0xFFFF  }
0x42: {  	[sflag:s0] =	ssyncadd.tile.s32 @!p0 $0x1;
	_ =	shalt  }
.Lfunc_end1:
_tile_overlayer_lowered:
.L_overlay_start_2:
0x43: {  	(tag) =	ssettag $0x2  }
0x44: {  	s0 =	rddreg [dreg:$0x0];
	s2 =	stileid.u32  }
0x45: {  	s1 =	rddreg [dreg:$0x1];
	p0 =	sne.s32 s2, $0x0  }
0x46: {  	s3 =	rddreg [dreg:$0x2];
	[bflag:$0x3] =	sbarrier.arrive $0xFFFF;
	s2 =	simm.s32 @!p0 $0x1C01  }
0x47: {  	[timem:s3], [sflag:s2] =	dma.local @!p0 [hbm:s0], s1  }
0x48: {  	s0 =	simm.s32 @!p0 $0x1  }
0x49: {  	_ =	swait.ge @!p0 [sflag:s0], s1  }
0x4a: {  	s1 =	ssub.s32 @!p0 $0x0, s1;
	[sflag:s0] =	ssyncset.done @!p0 $0x0  }
0x4b: {  	[sflag:s0] =	ssyncadd.s32 @!p0 s1  }
0x4c: {  	[bflag:$0x3] =	sbarrier.arrive $0xFFFF  }
0x4d: {  	_ =	shalt  }

</sc_bundles>
